<compile_context>
chip_gen: v7x
topology: tpu7x:2x2x1
jax: 0.10.2.dev20260603
libtpu: 0.0.44.dev20260713+nightly
codegen_flags: <defaults>
</compile_context>

<pallas_src>
import jax
import jax.numpy as jnp
from jax import lax
from jax.experimental import pallas as pl
from jax.experimental.pallas import tpu as pltpu
from jax.experimental.pallas import tpu_sc as plsc

N = 16777216
K = 16
WMAX = 4.0
EPS = 1e-06
L = 16
NC, NS = 2, 16
NW = NC * NS
PER_W = N // NW
CHUNK = 16384
CHUNK_A = 32768
NCH_A = PER_W // CHUNK_A
NROT_H = 8
NCH = PER_W // CHUNK

_MESH = plsc.VectorSubcoreMesh(core_axis_name="c", subcore_axis_name="s")


def _wid():
    return lax.axis_index("c") * NS + lax.axis_index("s")


def _splat(scal_ref, i):
    return plsc.load_gather(scal_ref, [jnp.full((L,), i, jnp.int32)])


def _start_in(values, base, ci, buf, sem, size=CHUNK):
    pltpu.make_async_copy(values.at[pl.ds(base + ci * size, size)], buf,
                          sem).start()


def _wait_in(values, buf, sem, size=CHUNK):
    pltpu.make_async_copy(values.at[pl.ds(0, size)], buf, sem).wait()


def _bint(v, p, q):
    return (v * p + q).astype(jnp.int32)


def _stats_body(values, parts, buf0, buf1, stage, sem0, sem1):
    wid = _wid()
    base = wid * PER_W
    _start_in(values, base, 0, buf0, sem0, CHUNK_A)
    _start_in(values, base, 1, buf1, sem1, CHUNK_A)

    neg = jnp.full((L,), -3.4e38, jnp.float32)
    NACC = 4
    init = tuple(jnp.zeros((L,), jnp.float32) for _ in range(2 * NACC)) + \
        tuple(neg for _ in range(NACC)) + tuple(-neg for _ in range(NACC))

    def chunk_pair(i, carry):
        for sub, buf, sem in ((0, buf0, sem0), (1, buf1, sem1)):
            ci = 2 * i + sub
            _wait_in(values, buf, sem, CHUNK_A)

            @plsc.parallel_loop(0, CHUNK_A // L, NACC, unroll=4, carry=carry)
            def inner(j, c):
                c = list(c)
                for kk in range(NACC):
                    v = buf[pl.ds((j + kk) * L, L)]
                    c[kk] = c[kk] + v
                    c[NACC + kk] = c[NACC + kk] + v * v
                    c[2 * NACC + kk] = jnp.maximum(c[2 * NACC + kk], v)
                    c[3 * NACC + kk] = jnp.minimum(c[3 * NACC + kk], v)
                return tuple(c)

            carry = inner

            @pl.when(ci + 2 < NCH_A)
            def _():
                _start_in(values, base, ci + 2, buf, sem, CHUNK_A)
        return carry

    fin = lax.fori_loop(0, NCH_A // 2, chunk_pair, init)
    s = fin[0] + fin[1] + fin[2] + fin[3]
    sq = fin[4] + fin[5] + fin[6] + fin[7]
    mx = jnp.maximum(jnp.maximum(fin[8], fin[9]),
                     jnp.maximum(fin[10], fin[11]))
    mn = jnp.minimum(jnp.minimum(fin[12], fin[13]),
                     jnp.minimum(fin[14], fin[15]))
    stage[0] = s
    stage[1] = sq
    stage[2] = mx
    stage[3] = mn
    pltpu.sync_copy(stage, parts.at[wid])


_stats = pl.kernel(
    _stats_body,
    out_type=jax.ShapeDtypeStruct((NW, 4, L), jnp.float32),
    mesh=_MESH,
    compiler_params=pltpu.CompilerParams(needs_layout_passes=False),
    scratch_types=[
        pltpu.VMEM((CHUNK_A,), jnp.float32),
        pltpu.VMEM((CHUNK_A,), jnp.float32),
        pltpu.VMEM((4, L), jnp.float32),
        pltpu.SemaphoreType.DMA,
        pltpu.SemaphoreType.DMA,
    ],
)


def _hist_body(values, scal, hists, buf0, buf1, scal_v, hist_v, hist8_v,
               sem0, sem1):
    wid = _wid()
    base = wid * PER_W
    pltpu.sync_copy(scal, scal_v)
    _start_in(values, base, 0, buf0, sem0, CHUNK_A)
    _start_in(values, base, 1, buf1, sem1, CHUNK_A)

    p = _splat(scal_v, 5)
    q = _splat(scal_v, 6)
    ones = jnp.ones((L,), jnp.float32)
    NROT = NROT_H
    for r in range(NROT * L):
        hist8_v[pl.ds(r * L, L)] = jnp.zeros((L,), jnp.float32)
    lane16 = jax.lax.iota(jnp.int32, L) * L

    def chunk_pair(i, carry):
        for sub, buf, sem in ((0, buf0, sem0), (1, buf1, sem1)):
            ci = 2 * i + sub
            _wait_in(values, buf, sem, CHUNK_A)

            @plsc.parallel_loop(0, CHUNK_A // L, 1, unroll=8)
            def _(j):
                v = buf[pl.ds(j * L, L)]
                b = jnp.clip(_bint(v, p, q), 0, K - 1)
                off = lane16 + (j & (NROT - 1)) * (L * L)
                plsc.addupdate_scatter(hist8_v, [b + off], ones)

            @pl.when(ci + 2 < NCH_A)
            def _():
                _start_in(values, base, ci + 2, buf, sem, CHUNK_A)
        return carry

    lax.fori_loop(0, NCH_A // 2, chunk_pair, 0)
    acc = jnp.zeros((L,), jnp.float32)
    for r in range(NROT * L):
        acc = acc + hist8_v[pl.ds(r * L, L)]
    hist_v[...] = acc
    pltpu.sync_copy(hist_v, hists.at[wid])


_hist = pl.kernel(
    _hist_body,
    out_type=jax.ShapeDtypeStruct((NW, L), jnp.float32),
    mesh=_MESH,
    compiler_params=pltpu.CompilerParams(needs_layout_passes=False),
    scratch_types=[
        pltpu.VMEM((CHUNK_A,), jnp.float32),
        pltpu.VMEM((CHUNK_A,), jnp.float32),
        pltpu.VMEM((L,), jnp.float32),
        pltpu.VMEM((L,), jnp.float32),
        pltpu.VMEM((NROT_H * L * L,), jnp.float32),
        pltpu.SemaphoreType.DMA,
        pltpu.SemaphoreType.DMA,
    ],
)


def _apply_body(values, scal, wd, out, tail32,
                buf0, buf1, obuf0, obuf1, tbuf0, tbuf1,
                scal_v, wd_v,
                sem0, sem1, osem0, osem1, tsem0, tsem1):
    wid = _wid()
    base = wid * PER_W
    pltpu.sync_copy(scal, scal_v)
    pltpu.sync_copy(wd, wd_v)
    _start_in(values, base, 0, buf0, sem0)
    _start_in(values, base, 1, buf1, sem1)

    isd = _splat(scal_v, 2)
    nmi = _splat(scal_v, 4)
    p = _splat(scal_v, 5)
    q = _splat(scal_v, 6)

    def chunk_pair(i, carry):
        for sub, buf, sem, obuf, osem, tbuf, tsem in (
                (0, buf0, sem0, obuf0, osem0, tbuf0, tsem0),
                (1, buf1, sem1, obuf1, osem1, tbuf1, tsem1)):
            ci = 2 * i + sub
            _wait_in(values, buf, sem)

            @pl.when(ci >= 2)
            def _():
                pltpu.make_async_copy(obuf, out.at[pl.ds(0, CHUNK)],
                                      osem).wait()
                pltpu.make_async_copy(tbuf, tail32.at[pl.ds(0, CHUNK)],
                                      tsem).wait()

            ione, izero = carry

            @plsc.parallel_loop(0, CHUNK // L, 1, unroll=8)
            def _(j):
                v = buf[pl.ds(j * L, L)]
                t = v * p + q
                b = jnp.clip(t.astype(jnp.int32), 0, K - 1)
                w = plsc.load_gather(wd_v, [b])
                z = v * isd + nmi
                obuf[pl.ds(j * L, L)] = w * z
                tbuf[pl.ds(j * L, L)] = jnp.where(
                    (t < 1.0) | (t >= float(K - 1)), ione, izero)

            pltpu.make_async_copy(obuf, out.at[pl.ds(base + ci * CHUNK,
                                                     CHUNK)], osem).start()
            pltpu.make_async_copy(
                tbuf, tail32.at[pl.ds(base + ci * CHUNK, CHUNK)],
                tsem).start()

            @pl.when(ci + 2 < NCH)
            def _():
                _start_in(values, base, ci + 2, buf, sem)
        return carry

    lax.fori_loop(0, NCH // 2, chunk_pair,
                  (jnp.ones((L,), jnp.int32), jnp.zeros((L,), jnp.int32)))
    for obuf, osem, tbuf, tsem in ((obuf0, osem0, tbuf0, tsem0),
                                   (obuf1, osem1, tbuf1, tsem1)):
        pltpu.make_async_copy(obuf, out.at[pl.ds(0, CHUNK)], osem).wait()
        pltpu.make_async_copy(tbuf, tail32.at[pl.ds(0, CHUNK)],
                              tsem).wait()


_apply = pl.kernel(
    _apply_body,
    out_type=(
        jax.ShapeDtypeStruct((N,), jnp.float32),
        jax.ShapeDtypeStruct((N,), jnp.int32),
    ),
    mesh=_MESH,
    compiler_params=pltpu.CompilerParams(needs_layout_passes=False),
    scratch_types=[
        pltpu.VMEM((CHUNK,), jnp.float32),
        pltpu.VMEM((CHUNK,), jnp.float32),
        pltpu.VMEM((CHUNK,), jnp.float32),
        pltpu.VMEM((CHUNK,), jnp.float32),
        pltpu.VMEM((CHUNK,), jnp.int32),
        pltpu.VMEM((CHUNK,), jnp.int32),
        pltpu.VMEM((L,), jnp.float32),
        pltpu.VMEM((L,), jnp.float32),
        pltpu.SemaphoreType.DMA,
        pltpu.SemaphoreType.DMA,
        pltpu.SemaphoreType.DMA,
        pltpu.SemaphoreType.DMA,
        pltpu.SemaphoreType.DMA,
        pltpu.SemaphoreType.DMA,
    ],
)


def kernel(values, k):
    parts = _stats(values)
    n = jnp.float32(N)
    s = jnp.sum(parts[:, 0, :])
    sq = jnp.sum(parts[:, 1, :])
    vmax = jnp.max(parts[:, 2, :])
    vmin = jnp.min(parts[:, 3, :])
    mu = s / n
    var = sq / n - mu * mu
    sd = jnp.sqrt(jnp.clip(var, EPS))
    zmax = jnp.clip(jnp.maximum(jnp.abs(vmax - mu), jnp.abs(vmin - mu)) / sd,
                    3.0, 8.0)
    inv_h = (K / 2) / zmax
    scal = jnp.zeros((L,), jnp.float32)
    isd = 1.0 / sd
    scal = scal.at[1].set(mu).at[2].set(isd).at[3].set(zmax)
    scal = scal.at[4].set(-mu * isd)
    scal = scal.at[5].set(isd * inv_h)
    scal = scal.at[6].set((zmax - mu * isd) * inv_h)


    hists = _hist(values, scal)
    c = jnp.sum(hists, axis=0)
    pos = c > 0
    c_mean = jnp.where(jnp.any(pos),
                       jnp.sum(jnp.where(pos, c, 0.0)) /
                       jnp.maximum(jnp.sum(pos.astype(jnp.float32)), 1.0),
                       jnp.float32(1.0))
    wd_bins = jnp.clip(c_mean / (c + EPS), 1.0, WMAX)
    out, tail32 = _apply(values, scal, wd_bins)
    tail = tail32 != 0
    return out, c, wd_bins, tail

# --- scband reference (transcript-rebuilt; emitter-appended) ---
"""Pipeline reference for scband-conditional-stble-tgt-markovian-score-diff-trainer-15023795602116 (READ-ONLY COPY).

The authoritative reference and input builder live on the scoring server;
editing this copy changes nothing except your own understanding.
"""

import jax, jax.numpy as jnp
import numpy as np

N = 16777216
WMAX = 4.0
EPS = 1e-06

def setup_inputs(seed: int = 0) -> dict:
    key = jax.random.key(seed)
    # heavy-tailed-ish values so tail bins are populated
    k1, k2 = jax.random.split(key)
    base = jax.random.normal(k1, (N,), dtype=jnp.float32)
    spikes = jax.random.normal(k2, (N,), dtype=jnp.float32) * 3.0
    values = base + jnp.where(jnp.abs(spikes) > 8.0, spikes, 0.0)
    return {"values": values, "k": 16}


def reference(values, k):
    # Faithful 1D path of _init_rarity + _tail_mask_bt:
    # global standardization -> equal-width z-bins -> bucketize -> bincount
    # -> inverse-frequency weights (clamped) -> per-element rarity weighting + tail mask.
    n = values.shape[0]
    K = 16
    mu = jnp.sum(values) / n
    var = jnp.sum(values * values) / n - mu * mu
    sd = jnp.sqrt(jnp.clip(var, EPS))
    z = (values - mu) / sd
    # zmax = clamp(max|z|, 3.0, 8.0)
    zmax = jnp.clip(jnp.max(jnp.abs(z)), 3.0, 8.0) + (k - k)
    e0 = jnp.linspace(-zmax, zmax, K + 1)
    # torch.bucketize(vals, e0) with right=False == searchsorted side='left'
    b = jnp.clip(jnp.searchsorted(e0, z, side='left'), 1, K) - 1
    c = jnp.bincount(b, length=K).astype(jnp.float32)
    pos = c > 0
    c_mean = jnp.where(jnp.any(pos),
                       jnp.sum(jnp.where(pos, c, 0.0)) / jnp.maximum(jnp.sum(pos.astype(jnp.float32)), 1.0),
                       jnp.float32(1.0))
    w_raw = c_mean / (c + EPS)
    wd_bins = jnp.clip(w_raw, 1.0, WMAX)
    tail = (b == 0) | (b == K - 1)
    # per-element rarity-weighted standardized values (gather from bin weights)
    w_elem = jnp.take(wd_bins, b)
    out = w_elem * z
    return out, c, wd_bins, tail

if __name__ == "__main__":
    import jax
    _d = setup_inputs()
    print(jax.jit(kernel)(*tuple(_d.values())))

</pallas_src>

<mosaic_0001>
#map = affine_map<(d0, d1) -> (0)>
#map1 = affine_map<(d0, d1) -> (0, 0, 0)>
module attributes {stable_mosaic.version = 14 : i64} {
  func.func @_stats_body(%arg0: i32, %arg1: i32, %arg2: memref<16777216xf32, #tpu.memory_space<hbm>>, %arg3: memref<32x4x16xf32, #tpu.memory_space<hbm>>, %arg4: memref<32768xf32, #tpu.memory_space<vmem>>, %arg5: memref<32768xf32, #tpu.memory_space<vmem>>, %arg6: memref<4x16xf32, #tpu.memory_space<vmem>>, %arg7: memref<!tpu.dma_semaphore, #tpu.memory_space<semaphore_mem>>, %arg8: memref<!tpu.dma_semaphore, #tpu.memory_space<semaphore_mem>>) attributes {dimension_semantics = [#tpu.dimension_semantics<core_parallel>, #tpu.dimension_semantics<subcore_parallel>], iteration_bounds = array<i64: 2, 16>, scalar_prefetch = 0 : i64, scratch_operands = 5 : i64, tpu.core_type = #tpu.core_type<sc_vector_subcore>, window_params = [{transform_indices = #map}, {transform_indices = #map1}]} {
    %mul3A = arith.constant 16 : i32
    %mul3A_0 = arith.muli %arg0, %mul3A : i32
    %add3A = arith.addi %mul3A_0, %arg1 : i32
    %mul3A_1 = arith.constant 524288 : i32
    %mul3A_2 = arith.muli %add3A, %mul3A_1 : i32
    %add3A_3 = arith.constant 0 : i32
    %add3A_4 = arith.addi %mul3A_2, %add3A_3 : i32
    %dma_start3A = tpu.memref_slice %arg2[%add3A_4] : memref<16777216xf32, #tpu.memory_space<hbm>> -> memref<32768xf32, #tpu.memory_space<hbm>>
    %dma_start3A_5 = tpu.memref_slice %arg2[%add3A_4] : memref<16777216xf32, #tpu.memory_space<hbm>> -> memref<32768xf32, #tpu.memory_space<hbm>>
    tpu.enqueue_dma source(%dma_start3A_5 : memref<32768xf32, #tpu.memory_space<hbm>>) target(%arg4 : memref<32768xf32, #tpu.memory_space<vmem>>) target_semaphore(%arg7 : memref<!tpu.dma_semaphore, #tpu.memory_space<semaphore_mem>>)
    %add3A_6 = arith.constant 32768 : i32
    %add3A_7 = arith.addi %mul3A_2, %add3A_6 : i32
    %dma_start3A_8 = tpu.memref_slice %arg2[%add3A_7] : memref<16777216xf32, #tpu.memory_space<hbm>> -> memref<32768xf32, #tpu.memory_space<hbm>>
    %dma_start3A_9 = tpu.memref_slice %arg2[%add3A_7] : memref<16777216xf32, #tpu.memory_space<hbm>> -> memref<32768xf32, #tpu.memory_space<hbm>>
    tpu.enqueue_dma source(%dma_start3A_9 : memref<32768xf32, #tpu.memory_space<hbm>>) target(%arg5 : memref<32768xf32, #tpu.memory_space<vmem>>) target_semaphore(%arg8 : memref<!tpu.dma_semaphore, #tpu.memory_space<semaphore_mem>>)
    %broadcast_in_dim3A = arith.constant -3.400000e+38 : f32
    %broadcast_in_dim3A_10 = vector.broadcast %broadcast_in_dim3A : f32 to vector<16xf32>
    %broadcast_in_dim3A_11 = arith.constant 0.000000e+00 : f32
    %broadcast_in_dim3A_12 = vector.broadcast %broadcast_in_dim3A_11 : f32 to vector<16xf32>
    %broadcast_in_dim3A_13 = arith.constant 0.000000e+00 : f32
    %broadcast_in_dim3A_14 = vector.broadcast %broadcast_in_dim3A_13 : f32 to vector<16xf32>
    %broadcast_in_dim3A_15 = arith.constant 0.000000e+00 : f32
    %broadcast_in_dim3A_16 = vector.broadcast %broadcast_in_dim3A_15 : f32 to vector<16xf32>
    %broadcast_in_dim3A_17 = arith.constant 0.000000e+00 : f32
    %broadcast_in_dim3A_18 = vector.broadcast %broadcast_in_dim3A_17 : f32 to vector<16xf32>
    %broadcast_in_dim3A_19 = arith.constant 0.000000e+00 : f32
    %broadcast_in_dim3A_20 = vector.broadcast %broadcast_in_dim3A_19 : f32 to vector<16xf32>
    %broadcast_in_dim3A_21 = arith.constant 0.000000e+00 : f32
    %broadcast_in_dim3A_22 = vector.broadcast %broadcast_in_dim3A_21 : f32 to vector<16xf32>
    %broadcast_in_dim3A_23 = arith.constant 0.000000e+00 : f32
    %broadcast_in_dim3A_24 = vector.broadcast %broadcast_in_dim3A_23 : f32 to vector<16xf32>
    %broadcast_in_dim3A_25 = arith.constant 0.000000e+00 : f32
    %broadcast_in_dim3A_26 = vector.broadcast %broadcast_in_dim3A_25 : f32 to vector<16xf32>
    %neg3A = arith.constant 0.000000e+00 : f32
    %neg3A_27 = vector.broadcast %neg3A : f32 to vector<16xf32>
    %neg3A_28 = arith.subf %neg3A_27, %broadcast_in_dim3A_10 : vector<16xf32>
    %neg3A_29 = arith.constant 0.000000e+00 : f32
    %neg3A_30 = vector.broadcast %neg3A_29 : f32 to vector<16xf32>
    %neg3A_31 = arith.subf %neg3A_30, %broadcast_in_dim3A_10 : vector<16xf32>
    %neg3A_32 = arith.constant 0.000000e+00 : f32
    %neg3A_33 = vector.broadcast %neg3A_32 : f32 to vector<16xf32>
    %neg3A_34 = arith.subf %neg3A_33, %broadcast_in_dim3A_10 : vector<16xf32>
    %neg3A_35 = arith.constant 0.000000e+00 : f32
    %neg3A_36 = vector.broadcast %neg3A_35 : f32 to vector<16xf32>
    %neg3A_37 = arith.subf %neg3A_36, %broadcast_in_dim3A_10 : vector<16xf32>
    %scan3A = arith.constant 0 : i32
    %scan3A_38 = arith.constant 8 : i32
    %scan3A_39 = arith.addi %scan3A, %scan3A_38 : i32
    %scan3A_40 = arith.constant 1 : i32
    %scan3A_41:16 = scf.for %scan3A_68 = %scan3A to %scan3A_39 step %scan3A_40 iter_args(%scan3A_69 = %broadcast_in_dim3A_12, %scan3A_70 = %broadcast_in_dim3A_14, %scan3A_71 = %broadcast_in_dim3A_16, %scan3A_72 = %broadcast_in_dim3A_18, %scan3A_73 = %broadcast_in_dim3A_20, %scan3A_74 = %broadcast_in_dim3A_22, %scan3A_75 = %broadcast_in_dim3A_24, %scan3A_76 = %broadcast_in_dim3A_26, %scan3A_77 = %broadcast_in_dim3A_10, %scan3A_78 = %broadcast_in_dim3A_10, %scan3A_79 = %broadcast_in_dim3A_10, %scan3A_80 = %broadcast_in_dim3A_10, %scan3A_81 = %neg3A_28, %scan3A_82 = %neg3A_31, %scan3A_83 = %neg3A_34, %scan3A_84 = %neg3A_37) -> (vector<16xf32>, vector<16xf32>, vector<16xf32>, vector<16xf32>, vector<16xf32>, vector<16xf32>, vector<16xf32>, vector<16xf32>, vector<16xf32>, vector<16xf32>, vector<16xf32>, vector<16xf32>, vector<16xf32>, vector<16xf32>, vector<16xf32>, vector<16xf32>)  : i32 {
      %mul3A_85 = arith.constant 2 : i32
      %mul3A_86 = arith.muli %mul3A_85, %scan3A_68 : i32
      %add3A_87 = arith.constant 0 : i32
      %add3A_88 = arith.addi %mul3A_86, %add3A_87 : i32
      %dma_wait3A = arith.constant 0 : i32
      %dma_wait3A_89 = tpu.memref_slice %arg2[%dma_wait3A] : memref<16777216xf32, #tpu.memory_space<hbm>> -> memref<32768xf32, #tpu.memory_space<hbm>>
      %dma_wait3A_90 = arith.constant 0 : i32
      %dma_wait3A_91 = tpu.memref_slice %arg2[%dma_wait3A_90] : memref<16777216xf32, #tpu.memory_space<hbm>> -> memref<32768xf32, #tpu.memory_space<hbm>>
      tpu.wait_dma2 semaphore(%arg7 : memref<!tpu.dma_semaphore, #tpu.memory_space<semaphore_mem>>) src(%dma_wait3A_91 : memref<32768xf32, #tpu.memory_space<hbm>>) dst(%arg4 : memref<32768xf32, #tpu.memory_space<vmem>>)
      %parallel_loop3A = arith.constant 0 : i32
      %parallel_loop3A_92 = arith.constant 2048 : i32
      %parallel_loop3A_93 = arith.constant 4 : i32
      %parallel_loop3A_94:16 = scf.for %parallel_loop3A_118 = %parallel_loop3A to %parallel_loop3A_92 step %parallel_loop3A_93 iter_args(%parallel_loop3A_119 = %scan3A_69, %parallel_loop3A_120 = %scan3A_70, %parallel_loop3A_121 = %scan3A_71, %parallel_loop3A_122 = %scan3A_72, %parallel_loop3A_123 = %scan3A_73, %parallel_loop3A_124 = %scan3A_74, %parallel_loop3A_125 = %scan3A_75, %parallel_loop3A_126 = %scan3A_76, %parallel_loop3A_127 = %scan3A_77, %parallel_loop3A_128 = %scan3A_78, %parallel_loop3A_129 = %scan3A_79, %parallel_loop3A_130 = %scan3A_80, %parallel_loop3A_131 = %scan3A_81, %parallel_loop3A_132 = %scan3A_82, %parallel_loop3A_133 = %scan3A_83, %parallel_loop3A_134 = %scan3A_84) -> (vector<16xf32>, vector<16xf32>, vector<16xf32>, vector<16xf32>, vector<16xf32>, vector<16xf32>, vector<16xf32>, vector<16xf32>, vector<16xf32>, vector<16xf32>, vector<16xf32>, vector<16xf32>, vector<16xf32>, vector<16xf32>, vector<16xf32>, vector<16xf32>)  : i32 {
        %parallel_loop3A_135 = arith.constant 0 : i32
        %parallel_loop3A_136 = arith.addi %parallel_loop3A_118, %parallel_loop3A_135 : i32
        %parallel_loop3A_137 = arith.constant 16 : i32
        %parallel_loop3A_138 = arith.muli %parallel_loop3A_136, %parallel_loop3A_137 : i32
        %parallel_loop3A_139 = arith.index_cast %parallel_loop3A_138 : i32 to index
        %parallel_loop3A_140 = tpu.vector_load %arg4[%parallel_loop3A_139] {strides = array<i32>} : memref<32768xf32, #tpu.memory_space<vmem>>, vector<16xf32>,
        %parallel_loop3A_141 = arith.addf %parallel_loop3A_119, %parallel_loop3A_140 : vector<16xf32>
        %parallel_loop3A_142 = arith.mulf %parallel_loop3A_140, %parallel_loop3A_140 : vector<16xf32>
        %parallel_loop3A_143 = arith.addf %parallel_loop3A_123, %parallel_loop3A_142 : vector<16xf32>
        %parallel_loop3A_144 = arith.maximumf %parallel_loop3A_127, %parallel_loop3A_140 : vector<16xf32>
        %parallel_loop3A_145 = arith.minimumf %parallel_loop3A_131, %parallel_loop3A_140 : vector<16xf32>
        %parallel_loop3A_146 = arith.constant 1 : i32
        %parallel_loop3A_147 = arith.addi %parallel_loop3A_118, %parallel_loop3A_146 : i32
        %parallel_loop3A_148 = arith.constant 16 : i32
        %parallel_loop3A_149 = arith.muli %parallel_loop3A_147, %parallel_loop3A_148 : i32
        %parallel_loop3A_150 = arith.index_cast %parallel_loop3A_149 : i32 to index
        %parallel_loop3A_151 = tpu.vector_load %arg4[%parallel_loop3A_150] {strides = array<i32>} : memref<32768xf32, #tpu.memory_space<vmem>>, vector<16xf32>,
        %parallel_loop3A_152 = arith.addf %parallel_loop3A_120, %parallel_loop3A_151 : vector<16xf32>
        %parallel_loop3A_153 = arith.mulf %parallel_loop3A_151, %parallel_loop3A_151 : vector<16xf32>
        %parallel_loop3A_154 = arith.addf %parallel_loop3A_124, %parallel_loop3A_153 : vector<16xf32>
        %parallel_loop3A_155 = arith.maximumf %parallel_loop3A_128, %parallel_loop3A_151 : vector<16xf32>
        %parallel_loop3A_156 = arith.minimumf %parallel_loop3A_132, %parallel_loop3A_151 : vector<16xf32>
        %parallel_loop3A_157 = arith.constant 2 : i32
        %parallel_loop3A_158 = arith.addi %parallel_loop3A_118, %parallel_loop3A_157 : i32
        %parallel_loop3A_159 = arith.constant 16 : i32
        %parallel_loop3A_160 = arith.muli %parallel_loop3A_158, %parallel_loop3A_159 : i32
        %parallel_loop3A_161 = arith.index_cast %parallel_loop3A_160 : i32 to index
        %parallel_loop3A_162 = tpu.vector_load %arg4[%parallel_loop3A_161] {strides = array<i32>} : memref<32768xf32, #tpu.memory_space<vmem>>, vector<16xf32>,
        %parallel_loop3A_163 = arith.addf %parallel_loop3A_121, %parallel_loop3A_162 : vector<16xf32>
        %parallel_loop3A_164 = arith.mulf %parallel_loop3A_162, %parallel_loop3A_162 : vector<16xf32>
        %parallel_loop3A_165 = arith.addf %parallel_loop3A_125, %parallel_loop3A_164 : vector<16xf32>
        %parallel_loop3A_166 = arith.maximumf %parallel_loop3A_129, %parallel_loop3A_162 : vector<16xf32>
        %parallel_loop3A_167 = arith.minimumf %parallel_loop3A_133, %parallel_loop3A_162 : vector<16xf32>
        %parallel_loop3A_168 = arith.constant 3 : i32
        %parallel_loop3A_169 = arith.addi %parallel_loop3A_118, %parallel_loop3A_168 : i32
        %parallel_loop3A_170 = arith.constant 16 : i32
        %parallel_loop3A_171 = arith.muli %parallel_loop3A_169, %parallel_loop3A_170 : i32
        %parallel_loop3A_172 = arith.index_cast %parallel_loop3A_171 : i32 to index
        %parallel_loop3A_173 = tpu.vector_load %arg4[%parallel_loop3A_172] {strides = array<i32>} : memref<32768xf32, #tpu.memory_space<vmem>>, vector<16xf32>,
        %parallel_loop3A_174 = arith.addf %parallel_loop3A_122, %parallel_loop3A_173 : vector<16xf32>
        %parallel_loop3A_175 = arith.mulf %parallel_loop3A_173, %parallel_loop3A_173 : vector<16xf32>
        %parallel_loop3A_176 = arith.addf %parallel_loop3A_126, %parallel_loop3A_175 : vector<16xf32>
        %parallel_loop3A_177 = arith.maximumf %parallel_loop3A_130, %parallel_loop3A_173 : vector<16xf32>
        %parallel_loop3A_178 = arith.minimumf %parallel_loop3A_134, %parallel_loop3A_173 : vector<16xf32>
        scf.yield %parallel_loop3A_141, %parallel_loop3A_152, %parallel_loop3A_163, %parallel_loop3A_174, %parallel_loop3A_143, %parallel_loop3A_154, %parallel_loop3A_165, %parallel_loop3A_176, %parallel_loop3A_144, %parallel_loop3A_155, %parallel_loop3A_166, %parallel_loop3A_177, %parallel_loop3A_145, %parallel_loop3A_156, %parallel_loop3A_167, %parallel_loop3A_178 : vector<16xf32>, vector<16xf32>, vector<16xf32>, vector<16xf32>, vector<16xf32>, vector<16xf32>, vector<16xf32>, vector<16xf32>, vector<16xf32>, vector<16xf32>, vector<16xf32>, vector<16xf32>, vector<16xf32>, vector<16xf32>, vector<16xf32>, vector<16xf32>
      } {sc.loop_unroll_factor = 4 : i64, sc.parallel_access}
      %add3A_95 = arith.constant 2 : i32
      %add3A_96 = arith.addi %add3A_88, %add3A_95 : i32
      %lt3A = arith.constant 16 : i32
      %lt3A_97 = arith.cmpi slt, %add3A_96, %lt3A : i32
      %convert_element_type3A = arith.extui %lt3A_97 : i1 to i32
      %cond3A = arith.constant 0 : i32
      %cond3A_98 = arith.cmpi ne, %convert_element_type3A, %cond3A : i32
      scf.if %cond3A_98 {
        %add3A_118 = arith.constant 2 : i32
        %add3A_119 = arith.addi %add3A_88, %add3A_118 : i32
        %mul3A_120 = arith.constant 32768 : i32
        %mul3A_121 = arith.muli %add3A_119, %mul3A_120 : i32
        %add3A_122 = arith.addi %mul3A_2, %mul3A_121 : i32
        %dma_start3A_123 = tpu.memref_slice %arg2[%add3A_122] : memref<16777216xf32, #tpu.memory_space<hbm>> -> memref<32768xf32, #tpu.memory_space<hbm>>
        %dma_start3A_124 = tpu.memref_slice %arg2[%add3A_122] : memref<16777216xf32, #tpu.memory_space<hbm>> -> memref<32768xf32, #tpu.memory_space<hbm>>
        tpu.enqueue_dma source(%dma_start3A_124 : memref<32768xf32, #tpu.memory_space<hbm>>) target(%arg4 : memref<32768xf32, #tpu.memory_space<vmem>>) target_semaphore(%arg7 : memref<!tpu.dma_semaphore, #tpu.memory_space<semaphore_mem>>)
      } else {
      }
      %mul3A_99 = arith.constant 2 : i32
      %mul3A_100 = arith.muli %mul3A_99, %scan3A_68 : i32
      %add3A_101 = arith.constant 1 : i32
      %add3A_102 = arith.addi %mul3A_100, %add3A_101 : i32
      %dma_wait3A_103 = arith.constant 0 : i32
      %dma_wait3A_104 = tpu.memref_slice %arg2[%dma_wait3A_103] : memref<16777216xf32, #tpu.memory_space<hbm>> -> memref<32768xf32, #tpu.memory_space<hbm>>
      %dma_wait3A_105 = arith.constant 0 : i32
      %dma_wait3A_106 = tpu.memref_slice %arg2[%dma_wait3A_105] : memref<16777216xf32, #tpu.memory_space<hbm>> -> memref<32768xf32, #tpu.memory_space<hbm>>
      tpu.wait_dma2 semaphore(%arg8 : memref<!tpu.dma_semaphore, #tpu.memory_space<semaphore_mem>>) src(%dma_wait3A_106 : memref<32768xf32, #tpu.memory_space<hbm>>) dst(%arg5 : memref<32768xf32, #tpu.memory_space<vmem>>)
      %parallel_loop3A_107 = arith.constant 0 : i32
      %parallel_loop3A_108 = arith.constant 2048 : i32
      %parallel_loop3A_109 = arith.constant 4 : i32
      %parallel_loop3A_110:16 = scf.for %parallel_loop3A_118 = %parallel_loop3A_107 to %parallel_loop3A_108 step %parallel_loop3A_109 iter_args(%parallel_loop3A_119 = %parallel_loop3A_94#0, %parallel_loop3A_120 = %parallel_loop3A_94#1, %parallel_loop3A_121 = %parallel_loop3A_94#2, %parallel_loop3A_122 = %parallel_loop3A_94#3, %parallel_loop3A_123 = %parallel_loop3A_94#4, %parallel_loop3A_124 = %parallel_loop3A_94#5, %parallel_loop3A_125 = %parallel_loop3A_94#6, %parallel_loop3A_126 = %parallel_loop3A_94#7, %parallel_loop3A_127 = %parallel_loop3A_94#8, %parallel_loop3A_128 = %parallel_loop3A_94#9, %parallel_loop3A_129 = %parallel_loop3A_94#10, %parallel_loop3A_130 = %parallel_loop3A_94#11, %parallel_loop3A_131 = %parallel_loop3A_94#12, %parallel_loop3A_132 = %parallel_loop3A_94#13, %parallel_loop3A_133 = %parallel_loop3A_94#14, %parallel_loop3A_134 = %parallel_loop3A_94#15) -> (vector<16xf32>, vector<16xf32>, vector<16xf32>, vector<16xf32>, vector<16xf32>, vector<16xf32>, vector<16xf32>, vector<16xf32>, vector<16xf32>, vector<16xf32>, vector<16xf32>, vector<16xf32>, vector<16xf32>, vector<16xf32>, vector<16xf32>, vector<16xf32>)  : i32 {
        %parallel_loop3A_135 = arith.constant 0 : i32
        %parallel_loop3A_136 = arith.addi %parallel_loop3A_118, %parallel_loop3A_135 : i32
        %parallel_loop3A_137 = arith.constant 16 : i32
        %parallel_loop3A_138 = arith.muli %parallel_loop3A_136, %parallel_loop3A_137 : i32
        %parallel_loop3A_139 = arith.index_cast %parallel_loop3A_138 : i32 to index
        %parallel_loop3A_140 = tpu.vector_load %arg5[%parallel_loop3A_139] {strides = array<i32>} : memref<32768xf32, #tpu.memory_space<vmem>>, vector<16xf32>,
        %parallel_loop3A_141 = arith.addf %parallel_loop3A_119, %parallel_loop3A_140 : vector<16xf32>
        %parallel_loop3A_142 = arith.mulf %parallel_loop3A_140, %parallel_loop3A_140 : vector<16xf32>
        %parallel_loop3A_143 = arith.addf %parallel_loop3A_123, %parallel_loop3A_142 : vector<16xf32>
        %parallel_loop3A_144 = arith.maximumf %parallel_loop3A_127, %parallel_loop3A_140 : vector<16xf32>
        %parallel_loop3A_145 = arith.minimumf %parallel_loop3A_131, %parallel_loop3A_140 : vector<16xf32>
        %parallel_loop3A_146 = arith.constant 1 : i32
        %parallel_loop3A_147 = arith.addi %parallel_loop3A_118, %parallel_loop3A_146 : i32
        %parallel_loop3A_148 = arith.constant 16 : i32
        %parallel_loop3A_149 = arith.muli %parallel_loop3A_147, %parallel_loop3A_148 : i32
        %parallel_loop3A_150 = arith.index_cast %parallel_loop3A_149 : i32 to index
        %parallel_loop3A_151 = tpu.vector_load %arg5[%parallel_loop3A_150] {strides = array<i32>} : memref<32768xf32, #tpu.memory_space<vmem>>, vector<16xf32>,
        %parallel_loop3A_152 = arith.addf %parallel_loop3A_120, %parallel_loop3A_151 : vector<16xf32>
        %parallel_loop3A_153 = arith.mulf %parallel_loop3A_151, %parallel_loop3A_151 : vector<16xf32>
        %parallel_loop3A_154 = arith.addf %parallel_loop3A_124, %parallel_loop3A_153 : vector<16xf32>
        %parallel_loop3A_155 = arith.maximumf %parallel_loop3A_128, %parallel_loop3A_151 : vector<16xf32>
        %parallel_loop3A_156 = arith.minimumf %parallel_loop3A_132, %parallel_loop3A_151 : vector<16xf32>
        %parallel_loop3A_157 = arith.constant 2 : i32
        %parallel_loop3A_158 = arith.addi %parallel_loop3A_118, %parallel_loop3A_157 : i32
        %parallel_loop3A_159 = arith.constant 16 : i32
        %parallel_loop3A_160 = arith.muli %parallel_loop3A_158, %parallel_loop3A_159 : i32
        %parallel_loop3A_161 = arith.index_cast %parallel_loop3A_160 : i32 to index
        %parallel_loop3A_162 = tpu.vector_load %arg5[%parallel_loop3A_161] {strides = array<i32>} : memref<32768xf32, #tpu.memory_space<vmem>>, vector<16xf32>,
        %parallel_loop3A_163 = arith.addf %parallel_loop3A_121, %parallel_loop3A_162 : vector<16xf32>
        %parallel_loop3A_164 = arith.mulf %parallel_loop3A_162, %parallel_loop3A_162 : vector<16xf32>
        %parallel_loop3A_165 = arith.addf %parallel_loop3A_125, %parallel_loop3A_164 : vector<16xf32>
        %parallel_loop3A_166 = arith.maximumf %parallel_loop3A_129, %parallel_loop3A_162 : vector<16xf32>
        %parallel_loop3A_167 = arith.minimumf %parallel_loop3A_133, %parallel_loop3A_162 : vector<16xf32>
        %parallel_loop3A_168 = arith.constant 3 : i32
        %parallel_loop3A_169 = arith.addi %parallel_loop3A_118, %parallel_loop3A_168 : i32
        %parallel_loop3A_170 = arith.constant 16 : i32
        %parallel_loop3A_171 = arith.muli %parallel_loop3A_169, %parallel_loop3A_170 : i32
        %parallel_loop3A_172 = arith.index_cast %parallel_loop3A_171 : i32 to index
        %parallel_loop3A_173 = tpu.vector_load %arg5[%parallel_loop3A_172] {strides = array<i32>} : memref<32768xf32, #tpu.memory_space<vmem>>, vector<16xf32>,
        %parallel_loop3A_174 = arith.addf %parallel_loop3A_122, %parallel_loop3A_173 : vector<16xf32>
        %parallel_loop3A_175 = arith.mulf %parallel_loop3A_173, %parallel_loop3A_173 : vector<16xf32>
        %parallel_loop3A_176 = arith.addf %parallel_loop3A_126, %parallel_loop3A_175 : vector<16xf32>
        %parallel_loop3A_177 = arith.maximumf %parallel_loop3A_130, %parallel_loop3A_173 : vector<16xf32>
        %parallel_loop3A_178 = arith.minimumf %parallel_loop3A_134, %parallel_loop3A_173 : vector<16xf32>
        scf.yield %parallel_loop3A_141, %parallel_loop3A_152, %parallel_loop3A_163, %parallel_loop3A_174, %parallel_loop3A_143, %parallel_loop3A_154, %parallel_loop3A_165, %parallel_loop3A_176, %parallel_loop3A_144, %parallel_loop3A_155, %parallel_loop3A_166, %parallel_loop3A_177, %parallel_loop3A_145, %parallel_loop3A_156, %parallel_loop3A_167, %parallel_loop3A_178 : vector<16xf32>, vector<16xf32>, vector<16xf32>, vector<16xf32>, vector<16xf32>, vector<16xf32>, vector<16xf32>, vector<16xf32>, vector<16xf32>, vector<16xf32>, vector<16xf32>, vector<16xf32>, vector<16xf32>, vector<16xf32>, vector<16xf32>, vector<16xf32>
      } {sc.loop_unroll_factor = 4 : i64, sc.parallel_access}
      %add3A_111 = arith.constant 2 : i32
      %add3A_112 = arith.addi %add3A_102, %add3A_111 : i32
      %lt3A_113 = arith.constant 16 : i32
      %lt3A_114 = arith.cmpi slt, %add3A_112, %lt3A_113 : i32
      %convert_element_type3A_115 = arith.extui %lt3A_114 : i1 to i32
      %cond3A_116 = arith.constant 0 : i32
      %cond3A_117 = arith.cmpi ne, %convert_element_type3A_115, %cond3A_116 : i32
      scf.if %cond3A_117 {
        %add3A_118 = arith.constant 2 : i32
        %add3A_119 = arith.addi %add3A_102, %add3A_118 : i32
        %mul3A_120 = arith.constant 32768 : i32
        %mul3A_121 = arith.muli %add3A_119, %mul3A_120 : i32
        %add3A_122 = arith.addi %mul3A_2, %mul3A_121 : i32
        %dma_start3A_123 = tpu.memref_slice %arg2[%add3A_122] : memref<16777216xf32, #tpu.memory_space<hbm>> -> memref<32768xf32, #tpu.memory_space<hbm>>
        %dma_start3A_124 = tpu.memref_slice %arg2[%add3A_122] : memref<16777216xf32, #tpu.memory_space<hbm>> -> memref<32768xf32, #tpu.memory_space<hbm>>
        tpu.enqueue_dma source(%dma_start3A_124 : memref<32768xf32, #tpu.memory_space<hbm>>) target(%arg5 : memref<32768xf32, #tpu.memory_space<vmem>>) target_semaphore(%arg8 : memref<!tpu.dma_semaphore, #tpu.memory_space<semaphore_mem>>)
      } else {
      }
      scf.yield %parallel_loop3A_110#0, %parallel_loop3A_110#1, %parallel_loop3A_110#2, %parallel_loop3A_110#3, %parallel_loop3A_110#4, %parallel_loop3A_110#5, %parallel_loop3A_110#6, %parallel_loop3A_110#7, %parallel_loop3A_110#8, %parallel_loop3A_110#9, %parallel_loop3A_110#10, %parallel_loop3A_110#11, %parallel_loop3A_110#12, %parallel_loop3A_110#13, %parallel_loop3A_110#14, %parallel_loop3A_110#15 : vector<16xf32>, vector<16xf32>, vector<16xf32>, vector<16xf32>, vector<16xf32>, vector<16xf32>, vector<16xf32>, vector<16xf32>, vector<16xf32>, vector<16xf32>, vector<16xf32>, vector<16xf32>, vector<16xf32>, vector<16xf32>, vector<16xf32>, vector<16xf32>
    }
    %scan3A_42 = arith.constant 8 : i32
    %add3A_43 = arith.addf %scan3A_41#0, %scan3A_41#1 : vector<16xf32>
    %add3A_44 = arith.addf %add3A_43, %scan3A_41#2 : vector<16xf32>
    %add3A_45 = arith.addf %add3A_44, %scan3A_41#3 : vector<16xf32>
    %add3A_46 = arith.addf %scan3A_41#4, %scan3A_41#5 : vector<16xf32>
    %add3A_47 = arith.addf %add3A_46, %scan3A_41#6 : vector<16xf32>
    %add3A_48 = arith.addf %add3A_47, %scan3A_41#7 : vector<16xf32>
    %max3A = arith.maximumf %scan3A_41#8, %scan3A_41#9 : vector<16xf32>
    %max3A_49 = arith.maximumf %scan3A_41#10, %scan3A_41#11 : vector<16xf32>
    %max3A_50 = arith.maximumf %max3A, %max3A_49 : vector<16xf32>
    %min3A = arith.minimumf %scan3A_41#12, %scan3A_41#13 : vector<16xf32>
    %min3A_51 = arith.minimumf %scan3A_41#14, %scan3A_41#15 : vector<16xf32>
    %min3A_52 = arith.minimumf %min3A, %min3A_51 : vector<16xf32>
    %swap3A = arith.constant 0 : i32
    %swap3A_53 = arith.index_cast %swap3A : i32 to index
    %swap3A_54 = arith.constant 0 : index
    %swap3A_55 = tpu.vector_load %arg6[%swap3A_53, %swap3A_54] {strides = array<i32>} : memref<4x16xf32, #tpu.memory_space<vmem>>, vector<16xf32>,
    tpu.vector_store %arg6[%swap3A_53, %swap3A_54], %add3A_45 {strides = array<i32>} : memref<4x16xf32, #tpu.memory_space<vmem>>, vector<16xf32>,
    %swap3A_56 = arith.constant 1 : i32
    %swap3A_57 = arith.index_cast %swap3A_56 : i32 to index
    %swap3A_58 = arith.constant 0 : index
    %swap3A_59 = tpu.vector_load %arg6[%swap3A_57, %swap3A_58] {strides = array<i32>} : memref<4x16xf32, #tpu.memory_space<vmem>>, vector<16xf32>,
    tpu.vector_store %arg6[%swap3A_57, %swap3A_58], %add3A_48 {strides = array<i32>} : memref<4x16xf32, #tpu.memory_space<vmem>>, vector<16xf32>,
    %swap3A_60 = arith.constant 2 : i32
    %swap3A_61 = arith.index_cast %swap3A_60 : i32 to index
    %swap3A_62 = arith.constant 0 : index
    %swap3A_63 = tpu.vector_load %arg6[%swap3A_61, %swap3A_62] {strides = array<i32>} : memref<4x16xf32, #tpu.memory_space<vmem>>, vector<16xf32>,
    tpu.vector_store %arg6[%swap3A_61, %swap3A_62], %max3A_50 {strides = array<i32>} : memref<4x16xf32, #tpu.memory_space<vmem>>, vector<16xf32>,
    %swap3A_64 = arith.constant 3 : i32
    %swap3A_65 = arith.index_cast %swap3A_64 : i32 to index
    %swap3A_66 = arith.constant 0 : index
    %swap3A_67 = tpu.vector_load %arg6[%swap3A_65, %swap3A_66] {strides = array<i32>} : memref<4x16xf32, #tpu.memory_space<vmem>>, vector<16xf32>,
    tpu.vector_store %arg6[%swap3A_65, %swap3A_66], %min3A_52 {strides = array<i32>} : memref<4x16xf32, #tpu.memory_space<vmem>>, vector<16xf32>,
    "tpu.region"() ({
      %run_scoped3A = tpu.sem_alloc : memref<!tpu.dma_semaphore, #tpu.memory_space<semaphore_mem>>
      %dma_start3A_68 = arith.constant 0 : i32
      %dma_start3A_69 = arith.constant 0 : i32
      %dma_start3A_70 = tpu.memref_slice %arg3[%add3A, %dma_start3A_68, %dma_start3A_69] : memref<32x4x16xf32, #tpu.memory_space<hbm>> -> memref<1x4x16xf32, #tpu.memory_space<hbm>>
      %dma_start3A_71 = tpu.memref_squeeze %dma_start3A_70 : memref<1x4x16xf32, #tpu.memory_space<hbm>> -> memref<4x16xf32, #tpu.memory_space<hbm>>
      %dma_start3A_72 = arith.constant 0 : i32
      %dma_start3A_73 = arith.constant 0 : i32
      %dma_start3A_74 = tpu.memref_slice %arg3[%add3A, %dma_start3A_72, %dma_start3A_73] : memref<32x4x16xf32, #tpu.memory_space<hbm>> -> memref<1x4x16xf32, #tpu.memory_space<hbm>>
      %dma_start3A_75 = tpu.memref_squeeze %dma_start3A_74 : memref<1x4x16xf32, #tpu.memory_space<hbm>> -> memref<4x16xf32, #tpu.memory_space<hbm>>
      tpu.enqueue_dma source(%arg6 : memref<4x16xf32, #tpu.memory_space<vmem>>) target(%dma_start3A_75 : memref<4x16xf32, #tpu.memory_space<hbm>>) target_semaphore(%run_scoped3A : memref<!tpu.dma_semaphore, #tpu.memory_space<semaphore_mem>>)
      %dma_wait3A = arith.constant 0 : i32
      %dma_wait3A_76 = arith.constant 0 : i32
      %dma_wait3A_77 = tpu.memref_slice %arg3[%add3A, %dma_wait3A, %dma_wait3A_76] : memref<32x4x16xf32, #tpu.memory_space<hbm>> -> memref<1x4x16xf32, #tpu.memory_space<hbm>>
      %dma_wait3A_78 = tpu.memref_squeeze %dma_wait3A_77 : memref<1x4x16xf32, #tpu.memory_space<hbm>> -> memref<4x16xf32, #tpu.memory_space<hbm>>
      %dma_wait3A_79 = arith.constant 0 : i32
      %dma_wait3A_80 = arith.constant 0 : i32
      %dma_wait3A_81 = tpu.memref_slice %arg3[%add3A, %dma_wait3A_79, %dma_wait3A_80] : memref<32x4x16xf32, #tpu.memory_space<hbm>> -> memref<1x4x16xf32, #tpu.memory_space<hbm>>
      %dma_wait3A_82 = tpu.memref_squeeze %dma_wait3A_81 : memref<1x4x16xf32, #tpu.memory_space<hbm>> -> memref<4x16xf32, #tpu.memory_space<hbm>>
      tpu.wait_dma2 semaphore(%run_scoped3A : memref<!tpu.dma_semaphore, #tpu.memory_space<semaphore_mem>>) src(%arg6 : memref<4x16xf32, #tpu.memory_space<vmem>>) dst(%dma_wait3A_82 : memref<4x16xf32, #tpu.memory_space<hbm>>)
      tpu.yield
    }) : () -> ()
    return
  }
}

#map = affine_map<(d0, d1) -> (0)>
#map1 = affine_map<(d0, d1) -> (0, 0)>
module attributes {stable_mosaic.version = 14 : i64} {
  func.func @_hist_body(%arg0: i32, %arg1: i32, %arg2: memref<16777216xf32, #tpu.memory_space<hbm>>, %arg3: memref<16xf32, #tpu.memory_space<hbm>>, %arg4: memref<32x16xf32, #tpu.memory_space<hbm>>, %arg5: memref<32768xf32, #tpu.memory_space<vmem>>, %arg6: memref<32768xf32, #tpu.memory_space<vmem>>, %arg7: memref<16xf32, #tpu.memory_space<vmem>>, %arg8: memref<16xf32, #tpu.memory_space<vmem>>, %arg9: memref<2048xf32, #tpu.memory_space<vmem>>, %arg10: memref<!tpu.dma_semaphore, #tpu.memory_space<semaphore_mem>>, %arg11: memref<!tpu.dma_semaphore, #tpu.memory_space<semaphore_mem>>) attributes {dimension_semantics = [#tpu.dimension_semantics<core_parallel>, #tpu.dimension_semantics<subcore_parallel>], iteration_bounds = array<i64: 2, 16>, scalar_prefetch = 0 : i64, scratch_operands = 7 : i64, tpu.core_type = #tpu.core_type<sc_vector_subcore>, window_params = [{transform_indices = #map}, {transform_indices = #map}, {transform_indices = #map1}]} {
    %mul3A = arith.constant 16 : i32
    %mul3A_0 = arith.muli %arg0, %mul3A : i32
    %add3A = arith.addi %mul3A_0, %arg1 : i32
    %mul3A_1 = arith.constant 524288 : i32
    %mul3A_2 = arith.muli %add3A, %mul3A_1 : i32
    "tpu.region"() ({
      %run_scoped3A = tpu.sem_alloc : memref<!tpu.dma_semaphore, #tpu.memory_space<semaphore_mem>>
      tpu.enqueue_dma source(%arg3 : memref<16xf32, #tpu.memory_space<hbm>>) target(%arg7 : memref<16xf32, #tpu.memory_space<vmem>>) target_semaphore(%run_scoped3A : memref<!tpu.dma_semaphore, #tpu.memory_space<semaphore_mem>>)
      tpu.wait_dma2 semaphore(%run_scoped3A : memref<!tpu.dma_semaphore, #tpu.memory_space<semaphore_mem>>) src(%arg3 : memref<16xf32, #tpu.memory_space<hbm>>) dst(%arg7 : memref<16xf32, #tpu.memory_space<vmem>>)
      tpu.yield
    }) : () -> ()
    %add3A_3 = arith.constant 0 : i32
    %add3A_4 = arith.addi %mul3A_2, %add3A_3 : i32
    %dma_start3A = tpu.memref_slice %arg2[%add3A_4] : memref<16777216xf32, #tpu.memory_space<hbm>> -> memref<32768xf32, #tpu.memory_space<hbm>>
    %dma_start3A_5 = tpu.memref_slice %arg2[%add3A_4] : memref<16777216xf32, #tpu.memory_space<hbm>> -> memref<32768xf32, #tpu.memory_space<hbm>>
    tpu.enqueue_dma source(%dma_start3A_5 : memref<32768xf32, #tpu.memory_space<hbm>>) target(%arg5 : memref<32768xf32, #tpu.memory_space<vmem>>) target_semaphore(%arg10 : memref<!tpu.dma_semaphore, #tpu.memory_space<semaphore_mem>>)
    %add3A_6 = arith.constant 32768 : i32
    %add3A_7 = arith.addi %mul3A_2, %add3A_6 : i32
    %dma_start3A_8 = tpu.memref_slice %arg2[%add3A_7] : memref<16777216xf32, #tpu.memory_space<hbm>> -> memref<32768xf32, #tpu.memory_space<hbm>>
    %dma_start3A_9 = tpu.memref_slice %arg2[%add3A_7] : memref<16777216xf32, #tpu.memory_space<hbm>> -> memref<32768xf32, #tpu.memory_space<hbm>>
    tpu.enqueue_dma source(%dma_start3A_9 : memref<32768xf32, #tpu.memory_space<hbm>>) target(%arg6 : memref<32768xf32, #tpu.memory_space<vmem>>) target_semaphore(%arg11 : memref<!tpu.dma_semaphore, #tpu.memory_space<semaphore_mem>>)
    %broadcast_in_dim3A = arith.constant 5 : i32
    %broadcast_in_dim3A_10 = vector.broadcast %broadcast_in_dim3A : i32 to vector<16xi32>
    %gather3A = tpu.vector_load_idx %arg7[%broadcast_in_dim3A_10] : memref<16xf32, #tpu.memory_space<vmem>>[vector<16xi32>], vector<16xf32>,
    %broadcast_in_dim3A_11 = arith.constant 6 : i32
    %broadcast_in_dim3A_12 = vector.broadcast %broadcast_in_dim3A_11 : i32 to vector<16xi32>
    %gather3A_13 = tpu.vector_load_idx %arg7[%broadcast_in_dim3A_12] : memref<16xf32, #tpu.memory_space<vmem>>[vector<16xi32>], vector<16xf32>,
    %broadcast_in_dim3A_14 = arith.constant 1.000000e+00 : f32
    %broadcast_in_dim3A_15 = vector.broadcast %broadcast_in_dim3A_14 : f32 to vector<16xf32>
    %broadcast_in_dim3A_16 = arith.constant 0.000000e+00 : f32
    %broadcast_in_dim3A_17 = vector.broadcast %broadcast_in_dim3A_16 : f32 to vector<16xf32>
    %swap3A = arith.constant 0 : index
    %swap3A_18 = tpu.vector_load %arg9[%swap3A] {strides = array<i32>} : memref<2048xf32, #tpu.memory_space<vmem>>, vector<16xf32>,
    tpu.vector_store %arg9[%swap3A], %broadcast_in_dim3A_17 {strides = array<i32>} : memref<2048xf32, #tpu.memory_space<vmem>>, vector<16xf32>,
    %broadcast_in_dim3A_19 = arith.constant 0.000000e+00 : f32
    %broadcast_in_dim3A_20 = vector.broadcast %broadcast_in_dim3A_19 : f32 to vector<16xf32>
    %swap3A_21 = arith.constant 16 : index
    %swap3A_22 = tpu.vector_load %arg9[%swap3A_21] {strides = array<i32>} : memref<2048xf32, #tpu.memory_space<vmem>>, vector<16xf32>,
    tpu.vector_store %arg9[%swap3A_21], %broadcast_in_dim3A_20 {strides = array<i32>} : memref<2048xf32, #tpu.memory_space<vmem>>, vector<16xf32>,
    %broadcast_in_dim3A_23 = arith.constant 0.000000e+00 : f32
    %broadcast_in_dim3A_24 = vector.broadcast %broadcast_in_dim3A_23 : f32 to vector<16xf32>
    %swap3A_25 = arith.constant 32 : index
    %swap3A_26 = tpu.vector_load %arg9[%swap3A_25] {strides = array<i32>} : memref<2048xf32, #tpu.memory_space<vmem>>, vector<16xf32>,
    tpu.vector_store %arg9[%swap3A_25], %broadcast_in_dim3A_24 {strides = array<i32>} : memref<2048xf32, #tpu.memory_space<vmem>>, vector<16xf32>,
    %broadcast_in_dim3A_27 = arith.constant 0.000000e+00 : f32
    %broadcast_in_dim3A_28 = vector.broadcast %broadcast_in_dim3A_27 : f32 to vector<16xf32>
    %swap3A_29 = arith.constant 48 : index
    %swap3A_30 = tpu.vector_load %arg9[%swap3A_29] {strides = array<i32>} : memref<2048xf32, #tpu.memory_space<vmem>>, vector<16xf32>,
    tpu.vector_store %arg9[%swap3A_29], %broadcast_in_dim3A_28 {strides = array<i32>} : memref<2048xf32, #tpu.memory_space<vmem>>, vector<16xf32>,
    %broadcast_in_dim3A_31 = arith.constant 0.000000e+00 : f32
    %broadcast_in_dim3A_32 = vector.broadcast %broadcast_in_dim3A_31 : f32 to vector<16xf32>
    %swap3A_33 = arith.constant 64 : index
    %swap3A_34 = tpu.vector_load %arg9[%swap3A_33] {strides = array<i32>} : memref<2048xf32, #tpu.memory_space<vmem>>, vector<16xf32>,
    tpu.vector_store %arg9[%swap3A_33], %broadcast_in_dim3A_32 {strides = array<i32>} : memref<2048xf32, #tpu.memory_space<vmem>>, vector<16xf32>,
    %broadcast_in_dim3A_35 = arith.constant 0.000000e+00 : f32
    %broadcast_in_dim3A_36 = vector.broadcast %broadcast_in_dim3A_35 : f32 to vector<16xf32>
    %swap3A_37 = arith.constant 80 : index
    %swap3A_38 = tpu.vector_load %arg9[%swap3A_37] {strides = array<i32>} : memref<2048xf32, #tpu.memory_space<vmem>>, vector<16xf32>,
    tpu.vector_store %arg9[%swap3A_37], %broadcast_in_dim3A_36 {strides = array<i32>} : memref<2048xf32, #tpu.memory_space<vmem>>, vector<16xf32>,
    %broadcast_in_dim3A_39 = arith.constant 0.000000e+00 : f32
    %broadcast_in_dim3A_40 = vector.broadcast %broadcast_in_dim3A_39 : f32 to vector<16xf32>
    %swap3A_41 = arith.constant 96 : index
    %swap3A_42 = tpu.vector_load %arg9[%swap3A_41] {strides = array<i32>} : memref<2048xf32, #tpu.memory_space<vmem>>, vector<16xf32>,
    tpu.vector_store %arg9[%swap3A_41], %broadcast_in_dim3A_40 {strides = array<i32>} : memref<2048xf32, #tpu.memory_space<vmem>>, vector<16xf32>,
    %broadcast_in_dim3A_43 = arith.constant 0.000000e+00 : f32
    %broadcast_in_dim3A_44 = vector.broadcast %broadcast_in_dim3A_43 : f32 to vector<16xf32>
    %swap3A_45 = arith.constant 112 : index
    %swap3A_46 = tpu.vector_load %arg9[%swap3A_45] {strides = array<i32>} : memref<2048xf32, #tpu.memory_space<vmem>>, vector<16xf32>,
    tpu.vector_store %arg9[%swap3A_45], %broadcast_in_dim3A_44 {strides = array<i32>} : memref<2048xf32, #tpu.memory_space<vmem>>, vector<16xf32>,
    %broadcast_in_dim3A_47 = arith.constant 0.000000e+00 : f32
    %broadcast_in_dim3A_48 = vector.broadcast %broadcast_in_dim3A_47 : f32 to vector<16xf32>
    %swap3A_49 = arith.constant 128 : index
    %swap3A_50 = tpu.vector_load %arg9[%swap3A_49] {strides = array<i32>} : memref<2048xf32, #tpu.memory_space<vmem>>, vector<16xf32>,
    tpu.vector_store %arg9[%swap3A_49], %broadcast_in_dim3A_48 {strides = array<i32>} : memref<2048xf32, #tpu.memory_space<vmem>>, vector<16xf32>,
    %broadcast_in_dim3A_51 = arith.constant 0.000000e+00 : f32
    %broadcast_in_dim3A_52 = vector.broadcast %broadcast_in_dim3A_51 : f32 to vector<16xf32>
    %swap3A_53 = arith.constant 144 : index
    %swap3A_54 = tpu.vector_load %arg9[%swap3A_53] {strides = array<i32>} : memref<2048xf32, #tpu.memory_space<vmem>>, vector<16xf32>,
    tpu.vector_store %arg9[%swap3A_53], %broadcast_in_dim3A_52 {strides = array<i32>} : memref<2048xf32, #tpu.memory_space<vmem>>, vector<16xf32>,
    %broadcast_in_dim3A_55 = arith.constant 0.000000e+00 : f32
    %broadcast_in_dim3A_56 = vector.broadcast %broadcast_in_dim3A_55 : f32 to vector<16xf32>
    %swap3A_57 = arith.constant 160 : index
    %swap3A_58 = tpu.vector_load %arg9[%swap3A_57] {strides = array<i32>} : memref<2048xf32, #tpu.memory_space<vmem>>, vector<16xf32>,
    tpu.vector_store %arg9[%swap3A_57], %broadcast_in_dim3A_56 {strides = array<i32>} : memref<2048xf32, #tpu.memory_space<vmem>>, vector<16xf32>,
    %broadcast_in_dim3A_59 = arith.constant 0.000000e+00 : f32
    %broadcast_in_dim3A_60 = vector.broadcast %broadcast_in_dim3A_59 : f32 to vector<16xf32>
    %swap3A_61 = arith.constant 176 : index
    %swap3A_62 = tpu.vector_load %arg9[%swap3A_61] {strides = array<i32>} : memref<2048xf32, #tpu.memory_space<vmem>>, vector<16xf32>,
    tpu.vector_store %arg9[%swap3A_61], %broadcast_in_dim3A_60 {strides = array<i32>} : memref<2048xf32, #tpu.memory_space<vmem>>, vector<16xf32>,
    %broadcast_in_dim3A_63 = arith.constant 0.000000e+00 : f32
    %broadcast_in_dim3A_64 = vector.broadcast %broadcast_in_dim3A_63 : f32 to vector<16xf32>
    %swap3A_65 = arith.constant 192 : index
    %swap3A_66 = tpu.vector_load %arg9[%swap3A_65] {strides = array<i32>} : memref<2048xf32, #tpu.memory_space<vmem>>, vector<16xf32>,
    tpu.vector_store %arg9[%swap3A_65], %broadcast_in_dim3A_64 {strides = array<i32>} : memref<2048xf32, #tpu.memory_space<vmem>>, vector<16xf32>,
    %broadcast_in_dim3A_67 = arith.constant 0.000000e+00 : f32
    %broadcast_in_dim3A_68 = vector.broadcast %broadcast_in_dim3A_67 : f32 to vector<16xf32>
    %swap3A_69 = arith.constant 208 : index
    %swap3A_70 = tpu.vector_load %arg9[%swap3A_69] {strides = array<i32>} : memref<2048xf32, #tpu.memory_space<vmem>>, vector<16xf32>,
    tpu.vector_store %arg9[%swap3A_69], %broadcast_in_dim3A_68 {strides = array<i32>} : memref<2048xf32, #tpu.memory_space<vmem>>, vector<16xf32>,
    %broadcast_in_dim3A_71 = arith.constant 0.000000e+00 : f32
    %broadcast_in_dim3A_72 = vector.broadcast %broadcast_in_dim3A_71 : f32 to vector<16xf32>
    %swap3A_73 = arith.constant 224 : index
    %swap3A_74 = tpu.vector_load %arg9[%swap3A_73] {strides = array<i32>} : memref<2048xf32, #tpu.memory_space<vmem>>, vector<16xf32>,
    tpu.vector_store %arg9[%swap3A_73], %broadcast_in_dim3A_72 {strides = array<i32>} : memref<2048xf32, #tpu.memory_space<vmem>>, vector<16xf32>,
    %broadcast_in_dim3A_75 = arith.constant 0.000000e+00 : f32
    %broadcast_in_dim3A_76 = vector.broadcast %broadcast_in_dim3A_75 : f32 to vector<16xf32>
    %swap3A_77 = arith.constant 240 : index
    %swap3A_78 = tpu.vector_load %arg9[%swap3A_77] {strides = array<i32>} : memref<2048xf32, #tpu.memory_space<vmem>>, vector<16xf32>,
    tpu.vector_store %arg9[%swap3A_77], %broadcast_in_dim3A_76 {strides = array<i32>} : memref<2048xf32, #tpu.memory_space<vmem>>, vector<16xf32>,
    %broadcast_in_dim3A_79 = arith.constant 0.000000e+00 : f32
    %broadcast_in_dim3A_80 = vector.broadcast %broadcast_in_dim3A_79 : f32 to vector<16xf32>
    %swap3A_81 = arith.constant 256 : index
    %swap3A_82 = tpu.vector_load %arg9[%swap3A_81] {strides = array<i32>} : memref<2048xf32, #tpu.memory_space<vmem>>, vector<16xf32>,
    tpu.vector_store %arg9[%swap3A_81], %broadcast_in_dim3A_80 {strides = array<i32>} : memref<2048xf32, #tpu.memory_space<vmem>>, vector<16xf32>,
    %broadcast_in_dim3A_83 = arith.constant 0.000000e+00 : f32
    %broadcast_in_dim3A_84 = vector.broadcast %broadcast_in_dim3A_83 : f32 to vector<16xf32>
    %swap3A_85 = arith.constant 272 : index
    %swap3A_86 = tpu.vector_load %arg9[%swap3A_85] {strides = array<i32>} : memref<2048xf32, #tpu.memory_space<vmem>>, vector<16xf32>,
    tpu.vector_store %arg9[%swap3A_85], %broadcast_in_dim3A_84 {strides = array<i32>} : memref<2048xf32, #tpu.memory_space<vmem>>, vector<16xf32>,
    %broadcast_in_dim3A_87 = arith.constant 0.000000e+00 : f32
    %broadcast_in_dim3A_88 = vector.broadcast %broadcast_in_dim3A_87 : f32 to vector<16xf32>
    %swap3A_89 = arith.constant 288 : index
    %swap3A_90 = tpu.vector_load %arg9[%swap3A_89] {strides = array<i32>} : memref<2048xf32, #tpu.memory_space<vmem>>, vector<16xf32>,
    tpu.vector_store %arg9[%swap3A_89], %broadcast_in_dim3A_88 {strides = array<i32>} : memref<2048xf32, #tpu.memory_space<vmem>>, vector<16xf32>,
    %broadcast_in_dim3A_91 = arith.constant 0.000000e+00 : f32
    %broadcast_in_dim3A_92 = vector.broadcast %broadcast_in_dim3A_91 : f32 to vector<16xf32>
    %swap3A_93 = arith.constant 304 : index
    %swap3A_94 = tpu.vector_load %arg9[%swap3A_93] {strides = array<i32>} : memref<2048xf32, #tpu.memory_space<vmem>>, vector<16xf32>,
    tpu.vector_store %arg9[%swap3A_93], %broadcast_in_dim3A_92 {strides = array<i32>} : memref<2048xf32, #tpu.memory_space<vmem>>, vector<16xf32>,
    %broadcast_in_dim3A_95 = arith.constant 0.000000e+00 : f32
    %broadcast_in_dim3A_96 = vector.broadcast %broadcast_in_dim3A_95 : f32 to vector<16xf32>
    %swap3A_97 = arith.constant 320 : index
    %swap3A_98 = tpu.vector_load %arg9[%swap3A_97] {strides = array<i32>} : memref<2048xf32, #tpu.memory_space<vmem>>, vector<16xf32>,
    tpu.vector_store %arg9[%swap3A_97], %broadcast_in_dim3A_96 {strides = array<i32>} : memref<2048xf32, #tpu.memory_space<vmem>>, vector<16xf32>,
    %broadcast_in_dim3A_99 = arith.constant 0.000000e+00 : f32
    %broadcast_in_dim3A_100 = vector.broadcast %broadcast_in_dim3A_99 : f32 to vector<16xf32>
    %swap3A_101 = arith.constant 336 : index
    %swap3A_102 = tpu.vector_load %arg9[%swap3A_101] {strides = array<i32>} : memref<2048xf32, #tpu.memory_space<vmem>>, vector<16xf32>,
    tpu.vector_store %arg9[%swap3A_101], %broadcast_in_dim3A_100 {strides = array<i32>} : memref<2048xf32, #tpu.memory_space<vmem>>, vector<16xf32>,
    %broadcast_in_dim3A_103 = arith.constant 0.000000e+00 : f32
    %broadcast_in_dim3A_104 = vector.broadcast %broadcast_in_dim3A_103 : f32 to vector<16xf32>
    %swap3A_105 = arith.constant 352 : index
    %swap3A_106 = tpu.vector_load %arg9[%swap3A_105] {strides = array<i32>} : memref<2048xf32, #tpu.memory_space<vmem>>, vector<16xf32>,
    tpu.vector_store %arg9[%swap3A_105], %broadcast_in_dim3A_104 {strides = array<i32>} : memref<2048xf32, #tpu.memory_space<vmem>>, vector<16xf32>,
    %broadcast_in_dim3A_107 = arith.constant 0.000000e+00 : f32
    %broadcast_in_dim3A_108 = vector.broadcast %broadcast_in_dim3A_107 : f32 to vector<16xf32>
    %swap3A_109 = arith.constant 368 : index
    %swap3A_110 = tpu.vector_load %arg9[%swap3A_109] {strides = array<i32>} : memref<2048xf32, #tpu.memory_space<vmem>>, vector<16xf32>,
    tpu.vector_store %arg9[%swap3A_109], %broadcast_in_dim3A_108 {strides = array<i32>} : memref<2048xf32, #tpu.memory_space<vmem>>, vector<16xf32>,
    %broadcast_in_dim3A_111 = arith.constant 0.000000e+00 : f32
    %broadcast_in_dim3A_112 = vector.broadcast %broadcast_in_dim3A_111 : f32 to vector<16xf32>
    %swap3A_113 = arith.constant 384 : index
    %swap3A_114 = tpu.vector_load %arg9[%swap3A_113] {strides = array<i32>} : memref<2048xf32, #tpu.memory_space<vmem>>, vector<16xf32>,
    tpu.vector_store %arg9[%swap3A_113], %broadcast_in_dim3A_112 {strides = array<i32>} : memref<2048xf32, #tpu.memory_space<vmem>>, vector<16xf32>,
    %broadcast_in_dim3A_115 = arith.constant 0.000000e+00 : f32
    %broadcast_in_dim3A_116 = vector.broadcast %broadcast_in_dim3A_115 : f32 to vector<16xf32>
    %swap3A_117 = arith.constant 400 : index
    %swap3A_118 = tpu.vector_load %arg9[%swap3A_117] {strides = array<i32>} : memref<2048xf32, #tpu.memory_space<vmem>>, vector<16xf32>,
    tpu.vector_store %arg9[%swap3A_117], %broadcast_in_dim3A_116 {strides = array<i32>} : memref<2048xf32, #tpu.memory_space<vmem>>, vector<16xf32>,
    %broadcast_in_dim3A_119 = arith.constant 0.000000e+00 : f32
    %broadcast_in_dim3A_120 = vector.broadcast %broadcast_in_dim3A_119 : f32 to vector<16xf32>
    %swap3A_121 = arith.constant 416 : index
    %swap3A_122 = tpu.vector_load %arg9[%swap3A_121] {strides = array<i32>} : memref<2048xf32, #tpu.memory_space<vmem>>, vector<16xf32>,
    tpu.vector_store %arg9[%swap3A_121], %broadcast_in_dim3A_120 {strides = array<i32>} : memref<2048xf32, #tpu.memory_space<vmem>>, vector<16xf32>,
    %broadcast_in_dim3A_123 = arith.constant 0.000000e+00 : f32
    %broadcast_in_dim3A_124 = vector.broadcast %broadcast_in_dim3A_123 : f32 to vector<16xf32>
    %swap3A_125 = arith.constant 432 : index
    %swap3A_126 = tpu.vector_load %arg9[%swap3A_125] {strides = array<i32>} : memref<2048xf32, #tpu.memory_space<vmem>>, vector<16xf32>,
    tpu.vector_store %arg9[%swap3A_125], %broadcast_in_dim3A_124 {strides = array<i32>} : memref<2048xf32, #tpu.memory_space<vmem>>, vector<16xf32>,
    %broadcast_in_dim3A_127 = arith.constant 0.000000e+00 : f32
    %broadcast_in_dim3A_128 = vector.broadcast %broadcast_in_dim3A_127 : f32 to vector<16xf32>
    %swap3A_129 = arith.constant 448 : index
    %swap3A_130 = tpu.vector_load %arg9[%swap3A_129] {strides = array<i32>} : memref<2048xf32, #tpu.memory_space<vmem>>, vector<16xf32>,
    tpu.vector_store %arg9[%swap3A_129], %broadcast_in_dim3A_128 {strides = array<i32>} : memref<2048xf32, #tpu.memory_space<vmem>>, vector<16xf32>,
    %broadcast_in_dim3A_131 = arith.constant 0.000000e+00 : f32
    %broadcast_in_dim3A_132 = vector.broadcast %broadcast_in_dim3A_131 : f32 to vector<16xf32>
    %swap3A_133 = arith.constant 464 : index
    %swap3A_134 = tpu.vector_load %arg9[%swap3A_133] {strides = array<i32>} : memref<2048xf32, #tpu.memory_space<vmem>>, vector<16xf32>,
    tpu.vector_store %arg9[%swap3A_133], %broadcast_in_dim3A_132 {strides = array<i32>} : memref<2048xf32, #tpu.memory_space<vmem>>, vector<16xf32>,
    %broadcast_in_dim3A_135 = arith.constant 0.000000e+00 : f32
    %broadcast_in_dim3A_136 = vector.broadcast %broadcast_in_dim3A_135 : f32 to vector<16xf32>
    %swap3A_137 = arith.constant 480 : index
    %swap3A_138 = tpu.vector_load %arg9[%swap3A_137] {strides = array<i32>} : memref<2048xf32, #tpu.memory_space<vmem>>, vector<16xf32>,
    tpu.vector_store %arg9[%swap3A_137], %broadcast_in_dim3A_136 {strides = array<i32>} : memref<2048xf32, #tpu.memory_space<vmem>>, vector<16xf32>,
    %broadcast_in_dim3A_139 = arith.constant 0.000000e+00 : f32
    %broadcast_in_dim3A_140 = vector.broadcast %broadcast_in_dim3A_139 : f32 to vector<16xf32>
    %swap3A_141 = arith.constant 496 : index
    %swap3A_142 = tpu.vector_load %arg9[%swap3A_141] {strides = array<i32>} : memref<2048xf32, #tpu.memory_space<vmem>>, vector<16xf32>,
    tpu.vector_store %arg9[%swap3A_141], %broadcast_in_dim3A_140 {strides = array<i32>} : memref<2048xf32, #tpu.memory_space<vmem>>, vector<16xf32>,
    %broadcast_in_dim3A_143 = arith.constant 0.000000e+00 : f32
    %broadcast_in_dim3A_144 = vector.broadcast %broadcast_in_dim3A_143 : f32 to vector<16xf32>
    %swap3A_145 = arith.constant 512 : index
    %swap3A_146 = tpu.vector_load %arg9[%swap3A_145] {strides = array<i32>} : memref<2048xf32, #tpu.memory_space<vmem>>, vector<16xf32>,
    tpu.vector_store %arg9[%swap3A_145], %broadcast_in_dim3A_144 {strides = array<i32>} : memref<2048xf32, #tpu.memory_space<vmem>>, vector<16xf32>,
    %broadcast_in_dim3A_147 = arith.constant 0.000000e+00 : f32
    %broadcast_in_dim3A_148 = vector.broadcast %broadcast_in_dim3A_147 : f32 to vector<16xf32>
    %swap3A_149 = arith.constant 528 : index
    %swap3A_150 = tpu.vector_load %arg9[%swap3A_149] {strides = array<i32>} : memref<2048xf32, #tpu.memory_space<vmem>>, vector<16xf32>,
    tpu.vector_store %arg9[%swap3A_149], %broadcast_in_dim3A_148 {strides = array<i32>} : memref<2048xf32, #tpu.memory_space<vmem>>, vector<16xf32>,
    %broadcast_in_dim3A_151 = arith.constant 0.000000e+00 : f32
    %broadcast_in_dim3A_152 = vector.broadcast %broadcast_in_dim3A_151 : f32 to vector<16xf32>
    %swap3A_153 = arith.constant 544 : index
    %swap3A_154 = tpu.vector_load %arg9[%swap3A_153] {strides = array<i32>} : memref<2048xf32, #tpu.memory_space<vmem>>, vector<16xf32>,
    tpu.vector_store %arg9[%swap3A_153], %broadcast_in_dim3A_152 {strides = array<i32>} : memref<2048xf32, #tpu.memory_space<vmem>>, vector<16xf32>,
    %broadcast_in_dim3A_155 = arith.constant 0.000000e+00 : f32
    %broadcast_in_dim3A_156 = vector.broadcast %broadcast_in_dim3A_155 : f32 to vector<16xf32>
    %swap3A_157 = arith.constant 560 : index
    %swap3A_158 = tpu.vector_load %arg9[%swap3A_157] {strides = array<i32>} : memref<2048xf32, #tpu.memory_space<vmem>>, vector<16xf32>,
    tpu.vector_store %arg9[%swap3A_157], %broadcast_in_dim3A_156 {strides = array<i32>} : memref<2048xf32, #tpu.memory_space<vmem>>, vector<16xf32>,
    %broadcast_in_dim3A_159 = arith.constant 0.000000e+00 : f32
    %broadcast_in_dim3A_160 = vector.broadcast %broadcast_in_dim3A_159 : f32 to vector<16xf32>
    %swap3A_161 = arith.constant 576 : index
    %swap3A_162 = tpu.vector_load %arg9[%swap3A_161] {strides = array<i32>} : memref<2048xf32, #tpu.memory_space<vmem>>, vector<16xf32>,
    tpu.vector_store %arg9[%swap3A_161], %broadcast_in_dim3A_160 {strides = array<i32>} : memref<2048xf32, #tpu.memory_space<vmem>>, vector<16xf32>,
    %broadcast_in_dim3A_163 = arith.constant 0.000000e+00 : f32
    %broadcast_in_dim3A_164 = vector.broadcast %broadcast_in_dim3A_163 : f32 to vector<16xf32>
    %swap3A_165 = arith.constant 592 : index
    %swap3A_166 = tpu.vector_load %arg9[%swap3A_165] {strides = array<i32>} : memref<2048xf32, #tpu.memory_space<vmem>>, vector<16xf32>,
    tpu.vector_store %arg9[%swap3A_165], %broadcast_in_dim3A_164 {strides = array<i32>} : memref<2048xf32, #tpu.memory_space<vmem>>, vector<16xf32>,
    %broadcast_in_dim3A_167 = arith.constant 0.000000e+00 : f32
    %broadcast_in_dim3A_168 = vector.broadcast %broadcast_in_dim3A_167 : f32 to vector<16xf32>
    %swap3A_169 = arith.constant 608 : index
    %swap3A_170 = tpu.vector_load %arg9[%swap3A_169] {strides = array<i32>} : memref<2048xf32, #tpu.memory_space<vmem>>, vector<16xf32>,
    tpu.vector_store %arg9[%swap3A_169], %broadcast_in_dim3A_168 {strides = array<i32>} : memref<2048xf32, #tpu.memory_space<vmem>>, vector<16xf32>,
    %broadcast_in_dim3A_171 = arith.constant 0.000000e+00 : f32
    %broadcast_in_dim3A_172 = vector.broadcast %broadcast_in_dim3A_171 : f32 to vector<16xf32>
    %swap3A_173 = arith.constant 624 : index
    %swap3A_174 = tpu.vector_load %arg9[%swap3A_173] {strides = array<i32>} : memref<2048xf32, #tpu.memory_space<vmem>>, vector<16xf32>,
    tpu.vector_store %arg9[%swap3A_173], %broadcast_in_dim3A_172 {strides = array<i32>} : memref<2048xf32, #tpu.memory_space<vmem>>, vector<16xf32>,
    %broadcast_in_dim3A_175 = arith.constant 0.000000e+00 : f32
    %broadcast_in_dim3A_176 = vector.broadcast %broadcast_in_dim3A_175 : f32 to vector<16xf32>
    %swap3A_177 = arith.constant 640 : index
    %swap3A_178 = tpu.vector_load %arg9[%swap3A_177] {strides = array<i32>} : memref<2048xf32, #tpu.memory_space<vmem>>, vector<16xf32>,
    tpu.vector_store %arg9[%swap3A_177], %broadcast_in_dim3A_176 {strides = array<i32>} : memref<2048xf32, #tpu.memory_space<vmem>>, vector<16xf32>,
    %broadcast_in_dim3A_179 = arith.constant 0.000000e+00 : f32
    %broadcast_in_dim3A_180 = vector.broadcast %broadcast_in_dim3A_179 : f32 to vector<16xf32>
    %swap3A_181 = arith.constant 656 : index
    %swap3A_182 = tpu.vector_load %arg9[%swap3A_181] {strides = array<i32>} : memref<2048xf32, #tpu.memory_space<vmem>>, vector<16xf32>,
    tpu.vector_store %arg9[%swap3A_181], %broadcast_in_dim3A_180 {strides = array<i32>} : memref<2048xf32, #tpu.memory_space<vmem>>, vector<16xf32>,
    %broadcast_in_dim3A_183 = arith.constant 0.000000e+00 : f32
    %broadcast_in_dim3A_184 = vector.broadcast %broadcast_in_dim3A_183 : f32 to vector<16xf32>
    %swap3A_185 = arith.constant 672 : index
    %swap3A_186 = tpu.vector_load %arg9[%swap3A_185] {strides = array<i32>} : memref<2048xf32, #tpu.memory_space<vmem>>, vector<16xf32>,
    tpu.vector_store %arg9[%swap3A_185], %broadcast_in_dim3A_184 {strides = array<i32>} : memref<2048xf32, #tpu.memory_space<vmem>>, vector<16xf32>,
    %broadcast_in_dim3A_187 = arith.constant 0.000000e+00 : f32
    %broadcast_in_dim3A_188 = vector.broadcast %broadcast_in_dim3A_187 : f32 to vector<16xf32>
    %swap3A_189 = arith.constant 688 : index
    %swap3A_190 = tpu.vector_load %arg9[%swap3A_189] {strides = array<i32>} : memref<2048xf32, #tpu.memory_space<vmem>>, vector<16xf32>,
    tpu.vector_store %arg9[%swap3A_189], %broadcast_in_dim3A_188 {strides = array<i32>} : memref<2048xf32, #tpu.memory_space<vmem>>, vector<16xf32>,
    %broadcast_in_dim3A_191 = arith.constant 0.000000e+00 : f32
    %broadcast_in_dim3A_192 = vector.broadcast %broadcast_in_dim3A_191 : f32 to vector<16xf32>
    %swap3A_193 = arith.constant 704 : index
    %swap3A_194 = tpu.vector_load %arg9[%swap3A_193] {strides = array<i32>} : memref<2048xf32, #tpu.memory_space<vmem>>, vector<16xf32>,
    tpu.vector_store %arg9[%swap3A_193], %broadcast_in_dim3A_192 {strides = array<i32>} : memref<2048xf32, #tpu.memory_space<vmem>>, vector<16xf32>,
    %broadcast_in_dim3A_195 = arith.constant 0.000000e+00 : f32
    %broadcast_in_dim3A_196 = vector.broadcast %broadcast_in_dim3A_195 : f32 to vector<16xf32>
    %swap3A_197 = arith.constant 720 : index
    %swap3A_198 = tpu.vector_load %arg9[%swap3A_197] {strides = array<i32>} : memref<2048xf32, #tpu.memory_space<vmem>>, vector<16xf32>,
    tpu.vector_store %arg9[%swap3A_197], %broadcast_in_dim3A_196 {strides = array<i32>} : memref<2048xf32, #tpu.memory_space<vmem>>, vector<16xf32>,
    %broadcast_in_dim3A_199 = arith.constant 0.000000e+00 : f32
    %broadcast_in_dim3A_200 = vector.broadcast %broadcast_in_dim3A_199 : f32 to vector<16xf32>
    %swap3A_201 = arith.constant 736 : index
    %swap3A_202 = tpu.vector_load %arg9[%swap3A_201] {strides = array<i32>} : memref<2048xf32, #tpu.memory_space<vmem>>, vector<16xf32>,
    tpu.vector_store %arg9[%swap3A_201], %broadcast_in_dim3A_200 {strides = array<i32>} : memref<2048xf32, #tpu.memory_space<vmem>>, vector<16xf32>,
    %broadcast_in_dim3A_203 = arith.constant 0.000000e+00 : f32
    %broadcast_in_dim3A_204 = vector.broadcast %broadcast_in_dim3A_203 : f32 to vector<16xf32>
    %swap3A_205 = arith.constant 752 : index
    %swap3A_206 = tpu.vector_load %arg9[%swap3A_205] {strides = array<i32>} : memref<2048xf32, #tpu.memory_space<vmem>>, vector<16xf32>,
    tpu.vector_store %arg9[%swap3A_205], %broadcast_in_dim3A_204 {strides = array<i32>} : memref<2048xf32, #tpu.memory_space<vmem>>, vector<16xf32>,
    %broadcast_in_dim3A_207 = arith.constant 0.000000e+00 : f32
    %broadcast_in_dim3A_208 = vector.broadcast %broadcast_in_dim3A_207 : f32 to vector<16xf32>
    %swap3A_209 = arith.constant 768 : index
    %swap3A_210 = tpu.vector_load %arg9[%swap3A_209] {strides = array<i32>} : memref<2048xf32, #tpu.memory_space<vmem>>, vector<16xf32>,
    tpu.vector_store %arg9[%swap3A_209], %broadcast_in_dim3A_208 {strides = array<i32>} : memref<2048xf32, #tpu.memory_space<vmem>>, vector<16xf32>,
    %broadcast_in_dim3A_211 = arith.constant 0.000000e+00 : f32
    %broadcast_in_dim3A_212 = vector.broadcast %broadcast_in_dim3A_211 : f32 to vector<16xf32>
    %swap3A_213 = arith.constant 784 : index
    %swap3A_214 = tpu.vector_load %arg9[%swap3A_213] {strides = array<i32>} : memref<2048xf32, #tpu.memory_space<vmem>>, vector<16xf32>,
    tpu.vector_store %arg9[%swap3A_213], %broadcast_in_dim3A_212 {strides = array<i32>} : memref<2048xf32, #tpu.memory_space<vmem>>, vector<16xf32>,
    %broadcast_in_dim3A_215 = arith.constant 0.000000e+00 : f32
    %broadcast_in_dim3A_216 = vector.broadcast %broadcast_in_dim3A_215 : f32 to vector<16xf32>
    %swap3A_217 = arith.constant 800 : index
    %swap3A_218 = tpu.vector_load %arg9[%swap3A_217] {strides = array<i32>} : memref<2048xf32, #tpu.memory_space<vmem>>, vector<16xf32>,
    tpu.vector_store %arg9[%swap3A_217], %broadcast_in_dim3A_216 {strides = array<i32>} : memref<2048xf32, #tpu.memory_space<vmem>>, vector<16xf32>,
    %broadcast_in_dim3A_219 = arith.constant 0.000000e+00 : f32
    %broadcast_in_dim3A_220 = vector.broadcast %broadcast_in_dim3A_219 : f32 to vector<16xf32>
    %swap3A_221 = arith.constant 816 : index
    %swap3A_222 = tpu.vector_load %arg9[%swap3A_221] {strides = array<i32>} : memref<2048xf32, #tpu.memory_space<vmem>>, vector<16xf32>,
    tpu.vector_store %arg9[%swap3A_221], %broadcast_in_dim3A_220 {strides = array<i32>} : memref<2048xf32, #tpu.memory_space<vmem>>, vector<16xf32>,
    %broadcast_in_dim3A_223 = arith.constant 0.000000e+00 : f32
    %broadcast_in_dim3A_224 = vector.broadcast %broadcast_in_dim3A_223 : f32 to vector<16xf32>
    %swap3A_225 = arith.constant 832 : index
    %swap3A_226 = tpu.vector_load %arg9[%swap3A_225] {strides = array<i32>} : memref<2048xf32, #tpu.memory_space<vmem>>, vector<16xf32>,
    tpu.vector_store %arg9[%swap3A_225], %broadcast_in_dim3A_224 {strides = array<i32>} : memref<2048xf32, #tpu.memory_space<vmem>>, vector<16xf32>,
    %broadcast_in_dim3A_227 = arith.constant 0.000000e+00 : f32
    %broadcast_in_dim3A_228 = vector.broadcast %broadcast_in_dim3A_227 : f32 to vector<16xf32>
    %swap3A_229 = arith.constant 848 : index
    %swap3A_230 = tpu.vector_load %arg9[%swap3A_229] {strides = array<i32>} : memref<2048xf32, #tpu.memory_space<vmem>>, vector<16xf32>,
    tpu.vector_store %arg9[%swap3A_229], %broadcast_in_dim3A_228 {strides = array<i32>} : memref<2048xf32, #tpu.memory_space<vmem>>, vector<16xf32>,
    %broadcast_in_dim3A_231 = arith.constant 0.000000e+00 : f32
    %broadcast_in_dim3A_232 = vector.broadcast %broadcast_in_dim3A_231 : f32 to vector<16xf32>
    %swap3A_233 = arith.constant 864 : index
    %swap3A_234 = tpu.vector_load %arg9[%swap3A_233] {strides = array<i32>} : memref<2048xf32, #tpu.memory_space<vmem>>, vector<16xf32>,
    tpu.vector_store %arg9[%swap3A_233], %broadcast_in_dim3A_232 {strides = array<i32>} : memref<2048xf32, #tpu.memory_space<vmem>>, vector<16xf32>,
    %broadcast_in_dim3A_235 = arith.constant 0.000000e+00 : f32
    %broadcast_in_dim3A_236 = vector.broadcast %broadcast_in_dim3A_235 : f32 to vector<16xf32>
    %swap3A_237 = arith.constant 880 : index
    %swap3A_238 = tpu.vector_load %arg9[%swap3A_237] {strides = array<i32>} : memref<2048xf32, #tpu.memory_space<vmem>>, vector<16xf32>,
    tpu.vector_store %arg9[%swap3A_237], %broadcast_in_dim3A_236 {strides = array<i32>} : memref<2048xf32, #tpu.memory_space<vmem>>, vector<16xf32>,
    %broadcast_in_dim3A_239 = arith.constant 0.000000e+00 : f32
    %broadcast_in_dim3A_240 = vector.broadcast %broadcast_in_dim3A_239 : f32 to vector<16xf32>
    %swap3A_241 = arith.constant 896 : index
    %swap3A_242 = tpu.vector_load %arg9[%swap3A_241] {strides = array<i32>} : memref<2048xf32, #tpu.memory_space<vmem>>, vector<16xf32>,
    tpu.vector_store %arg9[%swap3A_241], %broadcast_in_dim3A_240 {strides = array<i32>} : memref<2048xf32, #tpu.memory_space<vmem>>, vector<16xf32>,
    %broadcast_in_dim3A_243 = arith.constant 0.000000e+00 : f32
    %broadcast_in_dim3A_244 = vector.broadcast %broadcast_in_dim3A_243 : f32 to vector<16xf32>
    %swap3A_245 = arith.constant 912 : index
    %swap3A_246 = tpu.vector_load %arg9[%swap3A_245] {strides = array<i32>} : memref<2048xf32, #tpu.memory_space<vmem>>, vector<16xf32>,
    tpu.vector_store %arg9[%swap3A_245], %broadcast_in_dim3A_244 {strides = array<i32>} : memref<2048xf32, #tpu.memory_space<vmem>>, vector<16xf32>,
    %broadcast_in_dim3A_247 = arith.constant 0.000000e+00 : f32
    %broadcast_in_dim3A_248 = vector.broadcast %broadcast_in_dim3A_247 : f32 to vector<16xf32>
    %swap3A_249 = arith.constant 928 : index
    %swap3A_250 = tpu.vector_load %arg9[%swap3A_249] {strides = array<i32>} : memref<2048xf32, #tpu.memory_space<vmem>>, vector<16xf32>,
    tpu.vector_store %arg9[%swap3A_249], %broadcast_in_dim3A_248 {strides = array<i32>} : memref<2048xf32, #tpu.memory_space<vmem>>, vector<16xf32>,
    %broadcast_in_dim3A_251 = arith.constant 0.000000e+00 : f32
    %broadcast_in_dim3A_252 = vector.broadcast %broadcast_in_dim3A_251 : f32 to vector<16xf32>
    %swap3A_253 = arith.constant 944 : index
    %swap3A_254 = tpu.vector_load %arg9[%swap3A_253] {strides = array<i32>} : memref<2048xf32, #tpu.memory_space<vmem>>, vector<16xf32>,
    tpu.vector_store %arg9[%swap3A_253], %broadcast_in_dim3A_252 {strides = array<i32>} : memref<2048xf32, #tpu.memory_space<vmem>>, vector<16xf32>,
    %broadcast_in_dim3A_255 = arith.constant 0.000000e+00 : f32
    %broadcast_in_dim3A_256 = vector.broadcast %broadcast_in_dim3A_255 : f32 to vector<16xf32>
    %swap3A_257 = arith.constant 960 : index
    %swap3A_258 = tpu.vector_load %arg9[%swap3A_257] {strides = array<i32>} : memref<2048xf32, #tpu.memory_space<vmem>>, vector<16xf32>,
    tpu.vector_store %arg9[%swap3A_257], %broadcast_in_dim3A_256 {strides = array<i32>} : memref<2048xf32, #tpu.memory_space<vmem>>, vector<16xf32>,
    %broadcast_in_dim3A_259 = arith.constant 0.000000e+00 : f32
    %broadcast_in_dim3A_260 = vector.broadcast %broadcast_in_dim3A_259 : f32 to vector<16xf32>
    %swap3A_261 = arith.constant 976 : index
    %swap3A_262 = tpu.vector_load %arg9[%swap3A_261] {strides = array<i32>} : memref<2048xf32, #tpu.memory_space<vmem>>, vector<16xf32>,
    tpu.vector_store %arg9[%swap3A_261], %broadcast_in_dim3A_260 {strides = array<i32>} : memref<2048xf32, #tpu.memory_space<vmem>>, vector<16xf32>,
    %broadcast_in_dim3A_263 = arith.constant 0.000000e+00 : f32
    %broadcast_in_dim3A_264 = vector.broadcast %broadcast_in_dim3A_263 : f32 to vector<16xf32>
    %swap3A_265 = arith.constant 992 : index
    %swap3A_266 = tpu.vector_load %arg9[%swap3A_265] {strides = array<i32>} : memref<2048xf32, #tpu.memory_space<vmem>>, vector<16xf32>,
    tpu.vector_store %arg9[%swap3A_265], %broadcast_in_dim3A_264 {strides = array<i32>} : memref<2048xf32, #tpu.memory_space<vmem>>, vector<16xf32>,
    %broadcast_in_dim3A_267 = arith.constant 0.000000e+00 : f32
    %broadcast_in_dim3A_268 = vector.broadcast %broadcast_in_dim3A_267 : f32 to vector<16xf32>
    %swap3A_269 = arith.constant 1008 : index
    %swap3A_270 = tpu.vector_load %arg9[%swap3A_269] {strides = array<i32>} : memref<2048xf32, #tpu.memory_space<vmem>>, vector<16xf32>,
    tpu.vector_store %arg9[%swap3A_269], %broadcast_in_dim3A_268 {strides = array<i32>} : memref<2048xf32, #tpu.memory_space<vmem>>, vector<16xf32>,
    %broadcast_in_dim3A_271 = arith.constant 0.000000e+00 : f32
    %broadcast_in_dim3A_272 = vector.broadcast %broadcast_in_dim3A_271 : f32 to vector<16xf32>
    %swap3A_273 = arith.constant 1024 : index
    %swap3A_274 = tpu.vector_load %arg9[%swap3A_273] {strides = array<i32>} : memref<2048xf32, #tpu.memory_space<vmem>>, vector<16xf32>,
    tpu.vector_store %arg9[%swap3A_273], %broadcast_in_dim3A_272 {strides = array<i32>} : memref<2048xf32, #tpu.memory_space<vmem>>, vector<16xf32>,
    %broadcast_in_dim3A_275 = arith.constant 0.000000e+00 : f32
    %broadcast_in_dim3A_276 = vector.broadcast %broadcast_in_dim3A_275 : f32 to vector<16xf32>
    %swap3A_277 = arith.constant 1040 : index
    %swap3A_278 = tpu.vector_load %arg9[%swap3A_277] {strides = array<i32>} : memref<2048xf32, #tpu.memory_space<vmem>>, vector<16xf32>,
    tpu.vector_store %arg9[%swap3A_277], %broadcast_in_dim3A_276 {strides = array<i32>} : memref<2048xf32, #tpu.memory_space<vmem>>, vector<16xf32>,
    %broadcast_in_dim3A_279 = arith.constant 0.000000e+00 : f32
    %broadcast_in_dim3A_280 = vector.broadcast %broadcast_in_dim3A_279 : f32 to vector<16xf32>
    %swap3A_281 = arith.constant 1056 : index
    %swap3A_282 = tpu.vector_load %arg9[%swap3A_281] {strides = array<i32>} : memref<2048xf32, #tpu.memory_space<vmem>>, vector<16xf32>,
    tpu.vector_store %arg9[%swap3A_281], %broadcast_in_dim3A_280 {strides = array<i32>} : memref<2048xf32, #tpu.memory_space<vmem>>, vector<16xf32>,
    %broadcast_in_dim3A_283 = arith.constant 0.000000e+00 : f32
    %broadcast_in_dim3A_284 = vector.broadcast %broadcast_in_dim3A_283 : f32 to vector<16xf32>
    %swap3A_285 = arith.constant 1072 : index
    %swap3A_286 = tpu.vector_load %arg9[%swap3A_285] {strides = array<i32>} : memref<2048xf32, #tpu.memory_space<vmem>>, vector<16xf32>,
    tpu.vector_store %arg9[%swap3A_285], %broadcast_in_dim3A_284 {strides = array<i32>} : memref<2048xf32, #tpu.memory_space<vmem>>, vector<16xf32>,
    %broadcast_in_dim3A_287 = arith.constant 0.000000e+00 : f32
    %broadcast_in_dim3A_288 = vector.broadcast %broadcast_in_dim3A_287 : f32 to vector<16xf32>
    %swap3A_289 = arith.constant 1088 : index
    %swap3A_290 = tpu.vector_load %arg9[%swap3A_289] {strides = array<i32>} : memref<2048xf32, #tpu.memory_space<vmem>>, vector<16xf32>,
    tpu.vector_store %arg9[%swap3A_289], %broadcast_in_dim3A_288 {strides = array<i32>} : memref<2048xf32, #tpu.memory_space<vmem>>, vector<16xf32>,
    %broadcast_in_dim3A_291 = arith.constant 0.000000e+00 : f32
    %broadcast_in_dim3A_292 = vector.broadcast %broadcast_in_dim3A_291 : f32 to vector<16xf32>
    %swap3A_293 = arith.constant 1104 : index
    %swap3A_294 = tpu.vector_load %arg9[%swap3A_293] {strides = array<i32>} : memref<2048xf32, #tpu.memory_space<vmem>>, vector<16xf32>,
    tpu.vector_store %arg9[%swap3A_293], %broadcast_in_dim3A_292 {strides = array<i32>} : memref<2048xf32, #tpu.memory_space<vmem>>, vector<16xf32>,
    %broadcast_in_dim3A_295 = arith.constant 0.000000e+00 : f32
    %broadcast_in_dim3A_296 = vector.broadcast %broadcast_in_dim3A_295 : f32 to vector<16xf32>
    %swap3A_297 = arith.constant 1120 : index
    %swap3A_298 = tpu.vector_load %arg9[%swap3A_297] {strides = array<i32>} : memref<2048xf32, #tpu.memory_space<vmem>>, vector<16xf32>,
    tpu.vector_store %arg9[%swap3A_297], %broadcast_in_dim3A_296 {strides = array<i32>} : memref<2048xf32, #tpu.memory_space<vmem>>, vector<16xf32>,
    %broadcast_in_dim3A_299 = arith.constant 0.000000e+00 : f32
    %broadcast_in_dim3A_300 = vector.broadcast %broadcast_in_dim3A_299 : f32 to vector<16xf32>
    %swap3A_301 = arith.constant 1136 : index
    %swap3A_302 = tpu.vector_load %arg9[%swap3A_301] {strides = array<i32>} : memref<2048xf32, #tpu.memory_space<vmem>>, vector<16xf32>,
    tpu.vector_store %arg9[%swap3A_301], %broadcast_in_dim3A_300 {strides = array<i32>} : memref<2048xf32, #tpu.memory_space<vmem>>, vector<16xf32>,
    %broadcast_in_dim3A_303 = arith.constant 0.000000e+00 : f32
    %broadcast_in_dim3A_304 = vector.broadcast %broadcast_in_dim3A_303 : f32 to vector<16xf32>
    %swap3A_305 = arith.constant 1152 : index
    %swap3A_306 = tpu.vector_load %arg9[%swap3A_305] {strides = array<i32>} : memref<2048xf32, #tpu.memory_space<vmem>>, vector<16xf32>,
    tpu.vector_store %arg9[%swap3A_305], %broadcast_in_dim3A_304 {strides = array<i32>} : memref<2048xf32, #tpu.memory_space<vmem>>, vector<16xf32>,
    %broadcast_in_dim3A_307 = arith.constant 0.000000e+00 : f32
    %broadcast_in_dim3A_308 = vector.broadcast %broadcast_in_dim3A_307 : f32 to vector<16xf32>
    %swap3A_309 = arith.constant 1168 : index
    %swap3A_310 = tpu.vector_load %arg9[%swap3A_309] {strides = array<i32>} : memref<2048xf32, #tpu.memory_space<vmem>>, vector<16xf32>,
    tpu.vector_store %arg9[%swap3A_309], %broadcast_in_dim3A_308 {strides = array<i32>} : memref<2048xf32, #tpu.memory_space<vmem>>, vector<16xf32>,
    %broadcast_in_dim3A_311 = arith.constant 0.000000e+00 : f32
    %broadcast_in_dim3A_312 = vector.broadcast %broadcast_in_dim3A_311 : f32 to vector<16xf32>
    %swap3A_313 = arith.constant 1184 : index
    %swap3A_314 = tpu.vector_load %arg9[%swap3A_313] {strides = array<i32>} : memref<2048xf32, #tpu.memory_space<vmem>>, vector<16xf32>,
    tpu.vector_store %arg9[%swap3A_313], %broadcast_in_dim3A_312 {strides = array<i32>} : memref<2048xf32, #tpu.memory_space<vmem>>, vector<16xf32>,
    %broadcast_in_dim3A_315 = arith.constant 0.000000e+00 : f32
    %broadcast_in_dim3A_316 = vector.broadcast %broadcast_in_dim3A_315 : f32 to vector<16xf32>
    %swap3A_317 = arith.constant 1200 : index
    %swap3A_318 = tpu.vector_load %arg9[%swap3A_317] {strides = array<i32>} : memref<2048xf32, #tpu.memory_space<vmem>>, vector<16xf32>,
    tpu.vector_store %arg9[%swap3A_317], %broadcast_in_dim3A_316 {strides = array<i32>} : memref<2048xf32, #tpu.memory_space<vmem>>, vector<16xf32>,
    %broadcast_in_dim3A_319 = arith.constant 0.000000e+00 : f32
    %broadcast_in_dim3A_320 = vector.broadcast %broadcast_in_dim3A_319 : f32 to vector<16xf32>
    %swap3A_321 = arith.constant 1216 : index
    %swap3A_322 = tpu.vector_load %arg9[%swap3A_321] {strides = array<i32>} : memref<2048xf32, #tpu.memory_space<vmem>>, vector<16xf32>,
    tpu.vector_store %arg9[%swap3A_321], %broadcast_in_dim3A_320 {strides = array<i32>} : memref<2048xf32, #tpu.memory_space<vmem>>, vector<16xf32>,
    %broadcast_in_dim3A_323 = arith.constant 0.000000e+00 : f32
    %broadcast_in_dim3A_324 = vector.broadcast %broadcast_in_dim3A_323 : f32 to vector<16xf32>
    %swap3A_325 = arith.constant 1232 : index
    %swap3A_326 = tpu.vector_load %arg9[%swap3A_325] {strides = array<i32>} : memref<2048xf32, #tpu.memory_space<vmem>>, vector<16xf32>,
    tpu.vector_store %arg9[%swap3A_325], %broadcast_in_dim3A_324 {strides = array<i32>} : memref<2048xf32, #tpu.memory_space<vmem>>, vector<16xf32>,
    %broadcast_in_dim3A_327 = arith.constant 0.000000e+00 : f32
    %broadcast_in_dim3A_328 = vector.broadcast %broadcast_in_dim3A_327 : f32 to vector<16xf32>
    %swap3A_329 = arith.constant 1248 : index
    %swap3A_330 = tpu.vector_load %arg9[%swap3A_329] {strides = array<i32>} : memref<2048xf32, #tpu.memory_space<vmem>>, vector<16xf32>,
    tpu.vector_store %arg9[%swap3A_329], %broadcast_in_dim3A_328 {strides = array<i32>} : memref<2048xf32, #tpu.memory_space<vmem>>, vector<16xf32>,
    %broadcast_in_dim3A_331 = arith.constant 0.000000e+00 : f32
    %broadcast_in_dim3A_332 = vector.broadcast %broadcast_in_dim3A_331 : f32 to vector<16xf32>
    %swap3A_333 = arith.constant 1264 : index
    %swap3A_334 = tpu.vector_load %arg9[%swap3A_333] {strides = array<i32>} : memref<2048xf32, #tpu.memory_space<vmem>>, vector<16xf32>,
    tpu.vector_store %arg9[%swap3A_333], %broadcast_in_dim3A_332 {strides = array<i32>} : memref<2048xf32, #tpu.memory_space<vmem>>, vector<16xf32>,
    %broadcast_in_dim3A_335 = arith.constant 0.000000e+00 : f32
    %broadcast_in_dim3A_336 = vector.broadcast %broadcast_in_dim3A_335 : f32 to vector<16xf32>
    %swap3A_337 = arith.constant 1280 : index
    %swap3A_338 = tpu.vector_load %arg9[%swap3A_337] {strides = array<i32>} : memref<2048xf32, #tpu.memory_space<vmem>>, vector<16xf32>,
    tpu.vector_store %arg9[%swap3A_337], %broadcast_in_dim3A_336 {strides = array<i32>} : memref<2048xf32, #tpu.memory_space<vmem>>, vector<16xf32>,
    %broadcast_in_dim3A_339 = arith.constant 0.000000e+00 : f32
    %broadcast_in_dim3A_340 = vector.broadcast %broadcast_in_dim3A_339 : f32 to vector<16xf32>
    %swap3A_341 = arith.constant 1296 : index
    %swap3A_342 = tpu.vector_load %arg9[%swap3A_341] {strides = array<i32>} : memref<2048xf32, #tpu.memory_space<vmem>>, vector<16xf32>,
    tpu.vector_store %arg9[%swap3A_341], %broadcast_in_dim3A_340 {strides = array<i32>} : memref<2048xf32, #tpu.memory_space<vmem>>, vector<16xf32>,
    %broadcast_in_dim3A_343 = arith.constant 0.000000e+00 : f32
    %broadcast_in_dim3A_344 = vector.broadcast %broadcast_in_dim3A_343 : f32 to vector<16xf32>
    %swap3A_345 = arith.constant 1312 : index
    %swap3A_346 = tpu.vector_load %arg9[%swap3A_345] {strides = array<i32>} : memref<2048xf32, #tpu.memory_space<vmem>>, vector<16xf32>,
    tpu.vector_store %arg9[%swap3A_345], %broadcast_in_dim3A_344 {strides = array<i32>} : memref<2048xf32, #tpu.memory_space<vmem>>, vector<16xf32>,
    %broadcast_in_dim3A_347 = arith.constant 0.000000e+00 : f32
    %broadcast_in_dim3A_348 = vector.broadcast %broadcast_in_dim3A_347 : f32 to vector<16xf32>
    %swap3A_349 = arith.constant 1328 : index
    %swap3A_350 = tpu.vector_load %arg9[%swap3A_349] {strides = array<i32>} : memref<2048xf32, #tpu.memory_space<vmem>>, vector<16xf32>,
    tpu.vector_store %arg9[%swap3A_349], %broadcast_in_dim3A_348 {strides = array<i32>} : memref<2048xf32, #tpu.memory_space<vmem>>, vector<16xf32>,
    %broadcast_in_dim3A_351 = arith.constant 0.000000e+00 : f32
    %broadcast_in_dim3A_352 = vector.broadcast %broadcast_in_dim3A_351 : f32 to vector<16xf32>
    %swap3A_353 = arith.constant 1344 : index
    %swap3A_354 = tpu.vector_load %arg9[%swap3A_353] {strides = array<i32>} : memref<2048xf32, #tpu.memory_space<vmem>>, vector<16xf32>,
    tpu.vector_store %arg9[%swap3A_353], %broadcast_in_dim3A_352 {strides = array<i32>} : memref<2048xf32, #tpu.memory_space<vmem>>, vector<16xf32>,
    %broadcast_in_dim3A_355 = arith.constant 0.000000e+00 : f32
    %broadcast_in_dim3A_356 = vector.broadcast %broadcast_in_dim3A_355 : f32 to vector<16xf32>
    %swap3A_357 = arith.constant 1360 : index
    %swap3A_358 = tpu.vector_load %arg9[%swap3A_357] {strides = array<i32>} : memref<2048xf32, #tpu.memory_space<vmem>>, vector<16xf32>,
    tpu.vector_store %arg9[%swap3A_357], %broadcast_in_dim3A_356 {strides = array<i32>} : memref<2048xf32, #tpu.memory_space<vmem>>, vector<16xf32>,
    %broadcast_in_dim3A_359 = arith.constant 0.000000e+00 : f32
    %broadcast_in_dim3A_360 = vector.broadcast %broadcast_in_dim3A_359 : f32 to vector<16xf32>
    %swap3A_361 = arith.constant 1376 : index
    %swap3A_362 = tpu.vector_load %arg9[%swap3A_361] {strides = array<i32>} : memref<2048xf32, #tpu.memory_space<vmem>>, vector<16xf32>,
    tpu.vector_store %arg9[%swap3A_361], %broadcast_in_dim3A_360 {strides = array<i32>} : memref<2048xf32, #tpu.memory_space<vmem>>, vector<16xf32>,
    %broadcast_in_dim3A_363 = arith.constant 0.000000e+00 : f32
    %broadcast_in_dim3A_364 = vector.broadcast %broadcast_in_dim3A_363 : f32 to vector<16xf32>
    %swap3A_365 = arith.constant 1392 : index
    %swap3A_366 = tpu.vector_load %arg9[%swap3A_365] {strides = array<i32>} : memref<2048xf32, #tpu.memory_space<vmem>>, vector<16xf32>,
    tpu.vector_store %arg9[%swap3A_365], %broadcast_in_dim3A_364 {strides = array<i32>} : memref<2048xf32, #tpu.memory_space<vmem>>, vector<16xf32>,
    %broadcast_in_dim3A_367 = arith.constant 0.000000e+00 : f32
    %broadcast_in_dim3A_368 = vector.broadcast %broadcast_in_dim3A_367 : f32 to vector<16xf32>
    %swap3A_369 = arith.constant 1408 : index
    %swap3A_370 = tpu.vector_load %arg9[%swap3A_369] {strides = array<i32>} : memref<2048xf32, #tpu.memory_space<vmem>>, vector<16xf32>,
    tpu.vector_store %arg9[%swap3A_369], %broadcast_in_dim3A_368 {strides = array<i32>} : memref<2048xf32, #tpu.memory_space<vmem>>, vector<16xf32>,
    %broadcast_in_dim3A_371 = arith.constant 0.000000e+00 : f32
    %broadcast_in_dim3A_372 = vector.broadcast %broadcast_in_dim3A_371 : f32 to vector<16xf32>
    %swap3A_373 = arith.constant 1424 : index
    %swap3A_374 = tpu.vector_load %arg9[%swap3A_373] {strides = array<i32>} : memref<2048xf32, #tpu.memory_space<vmem>>, vector<16xf32>,
    tpu.vector_store %arg9[%swap3A_373], %broadcast_in_dim3A_372 {strides = array<i32>} : memref<2048xf32, #tpu.memory_space<vmem>>, vector<16xf32>,
    %broadcast_in_dim3A_375 = arith.constant 0.000000e+00 : f32
    %broadcast_in_dim3A_376 = vector.broadcast %broadcast_in_dim3A_375 : f32 to vector<16xf32>
    %swap3A_377 = arith.constant 1440 : index
    %swap3A_378 = tpu.vector_load %arg9[%swap3A_377] {strides = array<i32>} : memref<2048xf32, #tpu.memory_space<vmem>>, vector<16xf32>,
    tpu.vector_store %arg9[%swap3A_377], %broadcast_in_dim3A_376 {strides = array<i32>} : memref<2048xf32, #tpu.memory_space<vmem>>, vector<16xf32>,
    %broadcast_in_dim3A_379 = arith.constant 0.000000e+00 : f32
    %broadcast_in_dim3A_380 = vector.broadcast %broadcast_in_dim3A_379 : f32 to vector<16xf32>
    %swap3A_381 = arith.constant 1456 : index
    %swap3A_382 = tpu.vector_load %arg9[%swap3A_381] {strides = array<i32>} : memref<2048xf32, #tpu.memory_space<vmem>>, vector<16xf32>,
    tpu.vector_store %arg9[%swap3A_381], %broadcast_in_dim3A_380 {strides = array<i32>} : memref<2048xf32, #tpu.memory_space<vmem>>, vector<16xf32>,
    %broadcast_in_dim3A_383 = arith.constant 0.000000e+00 : f32
    %broadcast_in_dim3A_384 = vector.broadcast %broadcast_in_dim3A_383 : f32 to vector<16xf32>
    %swap3A_385 = arith.constant 1472 : index
    %swap3A_386 = tpu.vector_load %arg9[%swap3A_385] {strides = array<i32>} : memref<2048xf32, #tpu.memory_space<vmem>>, vector<16xf32>,
    tpu.vector_store %arg9[%swap3A_385], %broadcast_in_dim3A_384 {strides = array<i32>} : memref<2048xf32, #tpu.memory_space<vmem>>, vector<16xf32>,
    %broadcast_in_dim3A_387 = arith.constant 0.000000e+00 : f32
    %broadcast_in_dim3A_388 = vector.broadcast %broadcast_in_dim3A_387 : f32 to vector<16xf32>
    %swap3A_389 = arith.constant 1488 : index
    %swap3A_390 = tpu.vector_load %arg9[%swap3A_389] {strides = array<i32>} : memref<2048xf32, #tpu.memory_space<vmem>>, vector<16xf32>,
    tpu.vector_store %arg9[%swap3A_389], %broadcast_in_dim3A_388 {strides = array<i32>} : memref<2048xf32, #tpu.memory_space<vmem>>, vector<16xf32>,
    %broadcast_in_dim3A_391 = arith.constant 0.000000e+00 : f32
    %broadcast_in_dim3A_392 = vector.broadcast %broadcast_in_dim3A_391 : f32 to vector<16xf32>
    %swap3A_393 = arith.constant 1504 : index
    %swap3A_394 = tpu.vector_load %arg9[%swap3A_393] {strides = array<i32>} : memref<2048xf32, #tpu.memory_space<vmem>>, vector<16xf32>,
    tpu.vector_store %arg9[%swap3A_393], %broadcast_in_dim3A_392 {strides = array<i32>} : memref<2048xf32, #tpu.memory_space<vmem>>, vector<16xf32>,
    %broadcast_in_dim3A_395 = arith.constant 0.000000e+00 : f32
    %broadcast_in_dim3A_396 = vector.broadcast %broadcast_in_dim3A_395 : f32 to vector<16xf32>
    %swap3A_397 = arith.constant 1520 : index
    %swap3A_398 = tpu.vector_load %arg9[%swap3A_397] {strides = array<i32>} : memref<2048xf32, #tpu.memory_space<vmem>>, vector<16xf32>,
    tpu.vector_store %arg9[%swap3A_397], %broadcast_in_dim3A_396 {strides = array<i32>} : memref<2048xf32, #tpu.memory_space<vmem>>, vector<16xf32>,
    %broadcast_in_dim3A_399 = arith.constant 0.000000e+00 : f32
    %broadcast_in_dim3A_400 = vector.broadcast %broadcast_in_dim3A_399 : f32 to vector<16xf32>
    %swap3A_401 = arith.constant 1536 : index
    %swap3A_402 = tpu.vector_load %arg9[%swap3A_401] {strides = array<i32>} : memref<2048xf32, #tpu.memory_space<vmem>>, vector<16xf32>,
    tpu.vector_store %arg9[%swap3A_401], %broadcast_in_dim3A_400 {strides = array<i32>} : memref<2048xf32, #tpu.memory_space<vmem>>, vector<16xf32>,
    %broadcast_in_dim3A_403 = arith.constant 0.000000e+00 : f32
    %broadcast_in_dim3A_404 = vector.broadcast %broadcast_in_dim3A_403 : f32 to vector<16xf32>
    %swap3A_405 = arith.constant 1552 : index
    %swap3A_406 = tpu.vector_load %arg9[%swap3A_405] {strides = array<i32>} : memref<2048xf32, #tpu.memory_space<vmem>>, vector<16xf32>,
    tpu.vector_store %arg9[%swap3A_405], %broadcast_in_dim3A_404 {strides = array<i32>} : memref<2048xf32, #tpu.memory_space<vmem>>, vector<16xf32>,
    %broadcast_in_dim3A_407 = arith.constant 0.000000e+00 : f32
    %broadcast_in_dim3A_408 = vector.broadcast %broadcast_in_dim3A_407 : f32 to vector<16xf32>
    %swap3A_409 = arith.constant 1568 : index
    %swap3A_410 = tpu.vector_load %arg9[%swap3A_409] {strides = array<i32>} : memref<2048xf32, #tpu.memory_space<vmem>>, vector<16xf32>,
    tpu.vector_store %arg9[%swap3A_409], %broadcast_in_dim3A_408 {strides = array<i32>} : memref<2048xf32, #tpu.memory_space<vmem>>, vector<16xf32>,
    %broadcast_in_dim3A_411 = arith.constant 0.000000e+00 : f32
    %broadcast_in_dim3A_412 = vector.broadcast %broadcast_in_dim3A_411 : f32 to vector<16xf32>
    %swap3A_413 = arith.constant 1584 : index
    %swap3A_414 = tpu.vector_load %arg9[%swap3A_413] {strides = array<i32>} : memref<2048xf32, #tpu.memory_space<vmem>>, vector<16xf32>,
    tpu.vector_store %arg9[%swap3A_413], %broadcast_in_dim3A_412 {strides = array<i32>} : memref<2048xf32, #tpu.memory_space<vmem>>, vector<16xf32>,
    %broadcast_in_dim3A_415 = arith.constant 0.000000e+00 : f32
    %broadcast_in_dim3A_416 = vector.broadcast %broadcast_in_dim3A_415 : f32 to vector<16xf32>
    %swap3A_417 = arith.constant 1600 : index
    %swap3A_418 = tpu.vector_load %arg9[%swap3A_417] {strides = array<i32>} : memref<2048xf32, #tpu.memory_space<vmem>>, vector<16xf32>,
    tpu.vector_store %arg9[%swap3A_417], %broadcast_in_dim3A_416 {strides = array<i32>} : memref<2048xf32, #tpu.memory_space<vmem>>, vector<16xf32>,
    %broadcast_in_dim3A_419 = arith.constant 0.000000e+00 : f32
    %broadcast_in_dim3A_420 = vector.broadcast %broadcast_in_dim3A_419 : f32 to vector<16xf32>
    %swap3A_421 = arith.constant 1616 : index
    %swap3A_422 = tpu.vector_load %arg9[%swap3A_421] {strides = array<i32>} : memref<2048xf32, #tpu.memory_space<vmem>>, vector<16xf32>,
    tpu.vector_store %arg9[%swap3A_421], %broadcast_in_dim3A_420 {strides = array<i32>} : memref<2048xf32, #tpu.memory_space<vmem>>, vector<16xf32>,
    %broadcast_in_dim3A_423 = arith.constant 0.000000e+00 : f32
    %broadcast_in_dim3A_424 = vector.broadcast %broadcast_in_dim3A_423 : f32 to vector<16xf32>
    %swap3A_425 = arith.constant 1632 : index
    %swap3A_426 = tpu.vector_load %arg9[%swap3A_425] {strides = array<i32>} : memref<2048xf32, #tpu.memory_space<vmem>>, vector<16xf32>,
    tpu.vector_store %arg9[%swap3A_425], %broadcast_in_dim3A_424 {strides = array<i32>} : memref<2048xf32, #tpu.memory_space<vmem>>, vector<16xf32>,
    %broadcast_in_dim3A_427 = arith.constant 0.000000e+00 : f32
    %broadcast_in_dim3A_428 = vector.broadcast %broadcast_in_dim3A_427 : f32 to vector<16xf32>
    %swap3A_429 = arith.constant 1648 : index
    %swap3A_430 = tpu.vector_load %arg9[%swap3A_429] {strides = array<i32>} : memref<2048xf32, #tpu.memory_space<vmem>>, vector<16xf32>,
    tpu.vector_store %arg9[%swap3A_429], %broadcast_in_dim3A_428 {strides = array<i32>} : memref<2048xf32, #tpu.memory_space<vmem>>, vector<16xf32>,
    %broadcast_in_dim3A_431 = arith.constant 0.000000e+00 : f32
    %broadcast_in_dim3A_432 = vector.broadcast %broadcast_in_dim3A_431 : f32 to vector<16xf32>
    %swap3A_433 = arith.constant 1664 : index
    %swap3A_434 = tpu.vector_load %arg9[%swap3A_433] {strides = array<i32>} : memref<2048xf32, #tpu.memory_space<vmem>>, vector<16xf32>,
    tpu.vector_store %arg9[%swap3A_433], %broadcast_in_dim3A_432 {strides = array<i32>} : memref<2048xf32, #tpu.memory_space<vmem>>, vector<16xf32>,
    %broadcast_in_dim3A_435 = arith.constant 0.000000e+00 : f32
    %broadcast_in_dim3A_436 = vector.broadcast %broadcast_in_dim3A_435 : f32 to vector<16xf32>
    %swap3A_437 = arith.constant 1680 : index
    %swap3A_438 = tpu.vector_load %arg9[%swap3A_437] {strides = array<i32>} : memref<2048xf32, #tpu.memory_space<vmem>>, vector<16xf32>,
    tpu.vector_store %arg9[%swap3A_437], %broadcast_in_dim3A_436 {strides = array<i32>} : memref<2048xf32, #tpu.memory_space<vmem>>, vector<16xf32>,
    %broadcast_in_dim3A_439 = arith.constant 0.000000e+00 : f32
    %broadcast_in_dim3A_440 = vector.broadcast %broadcast_in_dim3A_439 : f32 to vector<16xf32>
    %swap3A_441 = arith.constant 1696 : index
    %swap3A_442 = tpu.vector_load %arg9[%swap3A_441] {strides = array<i32>} : memref<2048xf32, #tpu.memory_space<vmem>>, vector<16xf32>,
    tpu.vector_store %arg9[%swap3A_441], %broadcast_in_dim3A_440 {strides = array<i32>} : memref<2048xf32, #tpu.memory_space<vmem>>, vector<16xf32>,
    %broadcast_in_dim3A_443 = arith.constant 0.000000e+00 : f32
    %broadcast_in_dim3A_444 = vector.broadcast %broadcast_in_dim3A_443 : f32 to vector<16xf32>
    %swap3A_445 = arith.constant 1712 : index
    %swap3A_446 = tpu.vector_load %arg9[%swap3A_445] {strides = array<i32>} : memref<2048xf32, #tpu.memory_space<vmem>>, vector<16xf32>,
    tpu.vector_store %arg9[%swap3A_445], %broadcast_in_dim3A_444 {strides = array<i32>} : memref<2048xf32, #tpu.memory_space<vmem>>, vector<16xf32>,
    %broadcast_in_dim3A_447 = arith.constant 0.000000e+00 : f32
    %broadcast_in_dim3A_448 = vector.broadcast %broadcast_in_dim3A_447 : f32 to vector<16xf32>
    %swap3A_449 = arith.constant 1728 : index
    %swap3A_450 = tpu.vector_load %arg9[%swap3A_449] {strides = array<i32>} : memref<2048xf32, #tpu.memory_space<vmem>>, vector<16xf32>,
    tpu.vector_store %arg9[%swap3A_449], %broadcast_in_dim3A_448 {strides = array<i32>} : memref<2048xf32, #tpu.memory_space<vmem>>, vector<16xf32>,
    %broadcast_in_dim3A_451 = arith.constant 0.000000e+00 : f32
    %broadcast_in_dim3A_452 = vector.broadcast %broadcast_in_dim3A_451 : f32 to vector<16xf32>
    %swap3A_453 = arith.constant 1744 : index
    %swap3A_454 = tpu.vector_load %arg9[%swap3A_453] {strides = array<i32>} : memref<2048xf32, #tpu.memory_space<vmem>>, vector<16xf32>,
    tpu.vector_store %arg9[%swap3A_453], %broadcast_in_dim3A_452 {strides = array<i32>} : memref<2048xf32, #tpu.memory_space<vmem>>, vector<16xf32>,
    %broadcast_in_dim3A_455 = arith.constant 0.000000e+00 : f32
    %broadcast_in_dim3A_456 = vector.broadcast %broadcast_in_dim3A_455 : f32 to vector<16xf32>
    %swap3A_457 = arith.constant 1760 : index
    %swap3A_458 = tpu.vector_load %arg9[%swap3A_457] {strides = array<i32>} : memref<2048xf32, #tpu.memory_space<vmem>>, vector<16xf32>,
    tpu.vector_store %arg9[%swap3A_457], %broadcast_in_dim3A_456 {strides = array<i32>} : memref<2048xf32, #tpu.memory_space<vmem>>, vector<16xf32>,
    %broadcast_in_dim3A_459 = arith.constant 0.000000e+00 : f32
    %broadcast_in_dim3A_460 = vector.broadcast %broadcast_in_dim3A_459 : f32 to vector<16xf32>
    %swap3A_461 = arith.constant 1776 : index
    %swap3A_462 = tpu.vector_load %arg9[%swap3A_461] {strides = array<i32>} : memref<2048xf32, #tpu.memory_space<vmem>>, vector<16xf32>,
    tpu.vector_store %arg9[%swap3A_461], %broadcast_in_dim3A_460 {strides = array<i32>} : memref<2048xf32, #tpu.memory_space<vmem>>, vector<16xf32>,
    %broadcast_in_dim3A_463 = arith.constant 0.000000e+00 : f32
    %broadcast_in_dim3A_464 = vector.broadcast %broadcast_in_dim3A_463 : f32 to vector<16xf32>
    %swap3A_465 = arith.constant 1792 : index
    %swap3A_466 = tpu.vector_load %arg9[%swap3A_465] {strides = array<i32>} : memref<2048xf32, #tpu.memory_space<vmem>>, vector<16xf32>,
    tpu.vector_store %arg9[%swap3A_465], %broadcast_in_dim3A_464 {strides = array<i32>} : memref<2048xf32, #tpu.memory_space<vmem>>, vector<16xf32>,
    %broadcast_in_dim3A_467 = arith.constant 0.000000e+00 : f32
    %broadcast_in_dim3A_468 = vector.broadcast %broadcast_in_dim3A_467 : f32 to vector<16xf32>
    %swap3A_469 = arith.constant 1808 : index
    %swap3A_470 = tpu.vector_load %arg9[%swap3A_469] {strides = array<i32>} : memref<2048xf32, #tpu.memory_space<vmem>>, vector<16xf32>,
    tpu.vector_store %arg9[%swap3A_469], %broadcast_in_dim3A_468 {strides = array<i32>} : memref<2048xf32, #tpu.memory_space<vmem>>, vector<16xf32>,
    %broadcast_in_dim3A_471 = arith.constant 0.000000e+00 : f32
    %broadcast_in_dim3A_472 = vector.broadcast %broadcast_in_dim3A_471 : f32 to vector<16xf32>
    %swap3A_473 = arith.constant 1824 : index
    %swap3A_474 = tpu.vector_load %arg9[%swap3A_473] {strides = array<i32>} : memref<2048xf32, #tpu.memory_space<vmem>>, vector<16xf32>,
    tpu.vector_store %arg9[%swap3A_473], %broadcast_in_dim3A_472 {strides = array<i32>} : memref<2048xf32, #tpu.memory_space<vmem>>, vector<16xf32>,
    %broadcast_in_dim3A_475 = arith.constant 0.000000e+00 : f32
    %broadcast_in_dim3A_476 = vector.broadcast %broadcast_in_dim3A_475 : f32 to vector<16xf32>
    %swap3A_477 = arith.constant 1840 : index
    %swap3A_478 = tpu.vector_load %arg9[%swap3A_477] {strides = array<i32>} : memref<2048xf32, #tpu.memory_space<vmem>>, vector<16xf32>,
    tpu.vector_store %arg9[%swap3A_477], %broadcast_in_dim3A_476 {strides = array<i32>} : memref<2048xf32, #tpu.memory_space<vmem>>, vector<16xf32>,
    %broadcast_in_dim3A_479 = arith.constant 0.000000e+00 : f32
    %broadcast_in_dim3A_480 = vector.broadcast %broadcast_in_dim3A_479 : f32 to vector<16xf32>
    %swap3A_481 = arith.constant 1856 : index
    %swap3A_482 = tpu.vector_load %arg9[%swap3A_481] {strides = array<i32>} : memref<2048xf32, #tpu.memory_space<vmem>>, vector<16xf32>,
    tpu.vector_store %arg9[%swap3A_481], %broadcast_in_dim3A_480 {strides = array<i32>} : memref<2048xf32, #tpu.memory_space<vmem>>, vector<16xf32>,
    %broadcast_in_dim3A_483 = arith.constant 0.000000e+00 : f32
    %broadcast_in_dim3A_484 = vector.broadcast %broadcast_in_dim3A_483 : f32 to vector<16xf32>
    %swap3A_485 = arith.constant 1872 : index
    %swap3A_486 = tpu.vector_load %arg9[%swap3A_485] {strides = array<i32>} : memref<2048xf32, #tpu.memory_space<vmem>>, vector<16xf32>,
    tpu.vector_store %arg9[%swap3A_485], %broadcast_in_dim3A_484 {strides = array<i32>} : memref<2048xf32, #tpu.memory_space<vmem>>, vector<16xf32>,
    %broadcast_in_dim3A_487 = arith.constant 0.000000e+00 : f32
    %broadcast_in_dim3A_488 = vector.broadcast %broadcast_in_dim3A_487 : f32 to vector<16xf32>
    %swap3A_489 = arith.constant 1888 : index
    %swap3A_490 = tpu.vector_load %arg9[%swap3A_489] {strides = array<i32>} : memref<2048xf32, #tpu.memory_space<vmem>>, vector<16xf32>,
    tpu.vector_store %arg9[%swap3A_489], %broadcast_in_dim3A_488 {strides = array<i32>} : memref<2048xf32, #tpu.memory_space<vmem>>, vector<16xf32>,
    %broadcast_in_dim3A_491 = arith.constant 0.000000e+00 : f32
    %broadcast_in_dim3A_492 = vector.broadcast %broadcast_in_dim3A_491 : f32 to vector<16xf32>
    %swap3A_493 = arith.constant 1904 : index
    %swap3A_494 = tpu.vector_load %arg9[%swap3A_493] {strides = array<i32>} : memref<2048xf32, #tpu.memory_space<vmem>>, vector<16xf32>,
    tpu.vector_store %arg9[%swap3A_493], %broadcast_in_dim3A_492 {strides = array<i32>} : memref<2048xf32, #tpu.memory_space<vmem>>, vector<16xf32>,
    %broadcast_in_dim3A_495 = arith.constant 0.000000e+00 : f32
    %broadcast_in_dim3A_496 = vector.broadcast %broadcast_in_dim3A_495 : f32 to vector<16xf32>
    %swap3A_497 = arith.constant 1920 : index
    %swap3A_498 = tpu.vector_load %arg9[%swap3A_497] {strides = array<i32>} : memref<2048xf32, #tpu.memory_space<vmem>>, vector<16xf32>,
    tpu.vector_store %arg9[%swap3A_497], %broadcast_in_dim3A_496 {strides = array<i32>} : memref<2048xf32, #tpu.memory_space<vmem>>, vector<16xf32>,
    %broadcast_in_dim3A_499 = arith.constant 0.000000e+00 : f32
    %broadcast_in_dim3A_500 = vector.broadcast %broadcast_in_dim3A_499 : f32 to vector<16xf32>
    %swap3A_501 = arith.constant 1936 : index
    %swap3A_502 = tpu.vector_load %arg9[%swap3A_501] {strides = array<i32>} : memref<2048xf32, #tpu.memory_space<vmem>>, vector<16xf32>,
    tpu.vector_store %arg9[%swap3A_501], %broadcast_in_dim3A_500 {strides = array<i32>} : memref<2048xf32, #tpu.memory_space<vmem>>, vector<16xf32>,
    %broadcast_in_dim3A_503 = arith.constant 0.000000e+00 : f32
    %broadcast_in_dim3A_504 = vector.broadcast %broadcast_in_dim3A_503 : f32 to vector<16xf32>
    %swap3A_505 = arith.constant 1952 : index
    %swap3A_506 = tpu.vector_load %arg9[%swap3A_505] {strides = array<i32>} : memref<2048xf32, #tpu.memory_space<vmem>>, vector<16xf32>,
    tpu.vector_store %arg9[%swap3A_505], %broadcast_in_dim3A_504 {strides = array<i32>} : memref<2048xf32, #tpu.memory_space<vmem>>, vector<16xf32>,
    %broadcast_in_dim3A_507 = arith.constant 0.000000e+00 : f32
    %broadcast_in_dim3A_508 = vector.broadcast %broadcast_in_dim3A_507 : f32 to vector<16xf32>
    %swap3A_509 = arith.constant 1968 : index
    %swap3A_510 = tpu.vector_load %arg9[%swap3A_509] {strides = array<i32>} : memref<2048xf32, #tpu.memory_space<vmem>>, vector<16xf32>,
    tpu.vector_store %arg9[%swap3A_509], %broadcast_in_dim3A_508 {strides = array<i32>} : memref<2048xf32, #tpu.memory_space<vmem>>, vector<16xf32>,
    %broadcast_in_dim3A_511 = arith.constant 0.000000e+00 : f32
    %broadcast_in_dim3A_512 = vector.broadcast %broadcast_in_dim3A_511 : f32 to vector<16xf32>
    %swap3A_513 = arith.constant 1984 : index
    %swap3A_514 = tpu.vector_load %arg9[%swap3A_513] {strides = array<i32>} : memref<2048xf32, #tpu.memory_space<vmem>>, vector<16xf32>,
    tpu.vector_store %arg9[%swap3A_513], %broadcast_in_dim3A_512 {strides = array<i32>} : memref<2048xf32, #tpu.memory_space<vmem>>, vector<16xf32>,
    %broadcast_in_dim3A_515 = arith.constant 0.000000e+00 : f32
    %broadcast_in_dim3A_516 = vector.broadcast %broadcast_in_dim3A_515 : f32 to vector<16xf32>
    %swap3A_517 = arith.constant 2000 : index
    %swap3A_518 = tpu.vector_load %arg9[%swap3A_517] {strides = array<i32>} : memref<2048xf32, #tpu.memory_space<vmem>>, vector<16xf32>,
    tpu.vector_store %arg9[%swap3A_517], %broadcast_in_dim3A_516 {strides = array<i32>} : memref<2048xf32, #tpu.memory_space<vmem>>, vector<16xf32>,
    %broadcast_in_dim3A_519 = arith.constant 0.000000e+00 : f32
    %broadcast_in_dim3A_520 = vector.broadcast %broadcast_in_dim3A_519 : f32 to vector<16xf32>
    %swap3A_521 = arith.constant 2016 : index
    %swap3A_522 = tpu.vector_load %arg9[%swap3A_521] {strides = array<i32>} : memref<2048xf32, #tpu.memory_space<vmem>>, vector<16xf32>,
    tpu.vector_store %arg9[%swap3A_521], %broadcast_in_dim3A_520 {strides = array<i32>} : memref<2048xf32, #tpu.memory_space<vmem>>, vector<16xf32>,
    %broadcast_in_dim3A_523 = arith.constant 0.000000e+00 : f32
    %broadcast_in_dim3A_524 = vector.broadcast %broadcast_in_dim3A_523 : f32 to vector<16xf32>
    %swap3A_525 = arith.constant 2032 : index
    %swap3A_526 = tpu.vector_load %arg9[%swap3A_525] {strides = array<i32>} : memref<2048xf32, #tpu.memory_space<vmem>>, vector<16xf32>,
    tpu.vector_store %arg9[%swap3A_525], %broadcast_in_dim3A_524 {strides = array<i32>} : memref<2048xf32, #tpu.memory_space<vmem>>, vector<16xf32>,
    %iota3A = tpu.iota {dimensions = array<i32: 0>} : vector<16xi32>
    %mul3A_527 = arith.constant 16 : i32
    %mul3A_528 = vector.broadcast %mul3A_527 : i32 to vector<16xi32>
    %mul3A_529 = arith.muli %iota3A, %mul3A_528 : vector<16xi32>
    %scan3A = arith.constant 0 : i32
    %scan3A_530 = arith.constant 0 : i32
    %scan3A_531 = arith.constant 8 : i32
    %scan3A_532 = arith.addi %scan3A_530, %scan3A_531 : i32
    %scan3A_533 = arith.constant 1 : i32
    scf.for %scan3A_922 = %scan3A_530 to %scan3A_532 step %scan3A_533  : i32 {
      %mul3A_923 = arith.constant 2 : i32
      %mul3A_924 = arith.muli %mul3A_923, %scan3A_922 : i32
      %add3A_925 = arith.constant 0 : i32
      %add3A_926 = arith.addi %mul3A_924, %add3A_925 : i32
      %dma_wait3A = arith.constant 0 : i32
      %dma_wait3A_927 = tpu.memref_slice %arg2[%dma_wait3A] : memref<16777216xf32, #tpu.memory_space<hbm>> -> memref<32768xf32, #tpu.memory_space<hbm>>
      %dma_wait3A_928 = arith.constant 0 : i32
      %dma_wait3A_929 = tpu.memref_slice %arg2[%dma_wait3A_928] : memref<16777216xf32, #tpu.memory_space<hbm>> -> memref<32768xf32, #tpu.memory_space<hbm>>
      tpu.wait_dma2 semaphore(%arg10 : memref<!tpu.dma_semaphore, #tpu.memory_space<semaphore_mem>>) src(%dma_wait3A_929 : memref<32768xf32, #tpu.memory_space<hbm>>) dst(%arg5 : memref<32768xf32, #tpu.memory_space<vmem>>)
      %parallel_loop3A = arith.constant 0 : i32
      %parallel_loop3A_930 = arith.constant 2048 : i32
      %parallel_loop3A_931 = arith.constant 1 : i32
      scf.for %parallel_loop3A_954 = %parallel_loop3A to %parallel_loop3A_930 step %parallel_loop3A_931  : i32 {
        %parallel_loop3A_955 = arith.constant 16 : i32
        %parallel_loop3A_956 = arith.muli %parallel_loop3A_954, %parallel_loop3A_955 : i32
        %parallel_loop3A_957 = arith.index_cast %parallel_loop3A_956 : i32 to index
        %parallel_loop3A_958 = tpu.vector_load %arg5[%parallel_loop3A_957] {strides = array<i32>} : memref<32768xf32, #tpu.memory_space<vmem>>, vector<16xf32>,
        %parallel_loop3A_959 = arith.mulf %parallel_loop3A_958, %gather3A : vector<16xf32>
        %parallel_loop3A_960 = arith.addf %parallel_loop3A_959, %gather3A_13 : vector<16xf32>
        %parallel_loop3A_961 = arith.fptosi %parallel_loop3A_960 : vector<16xf32> to vector<16xi32>
        %parallel_loop3A_962 = arith.constant 0 : i32
        %parallel_loop3A_963 = arith.constant 15 : i32
        %parallel_loop3A_964 = vector.broadcast %parallel_loop3A_962 : i32 to vector<16xi32>
        %parallel_loop3A_965 = arith.maxsi %parallel_loop3A_964, %parallel_loop3A_961 : vector<16xi32>
        %parallel_loop3A_966 = vector.broadcast %parallel_loop3A_963 : i32 to vector<16xi32>
        %parallel_loop3A_967 = arith.minsi %parallel_loop3A_966, %parallel_loop3A_965 : vector<16xi32>
        %parallel_loop3A_968 = arith.constant 7 : i32
        %parallel_loop3A_969 = arith.andi %parallel_loop3A_954, %parallel_loop3A_968 : i32
        %parallel_loop3A_970 = arith.constant 256 : i32
        %parallel_loop3A_971 = arith.muli %parallel_loop3A_969, %parallel_loop3A_970 : i32
        %parallel_loop3A_972 = vector.broadcast %parallel_loop3A_971 : i32 to vector<16xi32>
        %parallel_loop3A_973 = arith.addi %mul3A_529, %parallel_loop3A_972 : vector<16xi32>
        %parallel_loop3A_974 = arith.addi %parallel_loop3A_967, %parallel_loop3A_973 : vector<16xi32>
        tpu.vector_store_idx %arg9[%parallel_loop3A_974], %broadcast_in_dim3A_15 {add = true} : memref<2048xf32, #tpu.memory_space<vmem>>[vector<16xi32>], vector<16xf32>,
      } {sc.loop_unroll_factor = 8 : i64, sc.parallel_access}
      %add3A_932 = arith.constant 2 : i32
      %add3A_933 = arith.addi %add3A_926, %add3A_932 : i32
      %lt3A = arith.constant 16 : i32
      %lt3A_934 = arith.cmpi slt, %add3A_933, %lt3A : i32
      %convert_element_type3A = arith.extui %lt3A_934 : i1 to i32
      %cond3A = arith.constant 0 : i32
      %cond3A_935 = arith.cmpi ne, %convert_element_type3A, %cond3A : i32
      scf.if %cond3A_935 {
        %add3A_954 = arith.constant 2 : i32
        %add3A_955 = arith.addi %add3A_926, %add3A_954 : i32
        %mul3A_956 = arith.constant 32768 : i32
        %mul3A_957 = arith.muli %add3A_955, %mul3A_956 : i32
        %add3A_958 = arith.addi %mul3A_2, %mul3A_957 : i32
        %dma_start3A_959 = tpu.memref_slice %arg2[%add3A_958] : memref<16777216xf32, #tpu.memory_space<hbm>> -> memref<32768xf32, #tpu.memory_space<hbm>>
        %dma_start3A_960 = tpu.memref_slice %arg2[%add3A_958] : memref<16777216xf32, #tpu.memory_space<hbm>> -> memref<32768xf32, #tpu.memory_space<hbm>>
        tpu.enqueue_dma source(%dma_start3A_960 : memref<32768xf32, #tpu.memory_space<hbm>>) target(%arg5 : memref<32768xf32, #tpu.memory_space<vmem>>) target_semaphore(%arg10 : memref<!tpu.dma_semaphore, #tpu.memory_space<semaphore_mem>>)
      } else {
      }
      %mul3A_936 = arith.constant 2 : i32
      %mul3A_937 = arith.muli %mul3A_936, %scan3A_922 : i32
      %add3A_938 = arith.constant 1 : i32
      %add3A_939 = arith.addi %mul3A_937, %add3A_938 : i32
      %dma_wait3A_940 = arith.constant 0 : i32
      %dma_wait3A_941 = tpu.memref_slice %arg2[%dma_wait3A_940] : memref<16777216xf32, #tpu.memory_space<hbm>> -> memref<32768xf32, #tpu.memory_space<hbm>>
      %dma_wait3A_942 = arith.constant 0 : i32
      %dma_wait3A_943 = tpu.memref_slice %arg2[%dma_wait3A_942] : memref<16777216xf32, #tpu.memory_space<hbm>> -> memref<32768xf32, #tpu.memory_space<hbm>>
      tpu.wait_dma2 semaphore(%arg11 : memref<!tpu.dma_semaphore, #tpu.memory_space<semaphore_mem>>) src(%dma_wait3A_943 : memref<32768xf32, #tpu.memory_space<hbm>>) dst(%arg6 : memref<32768xf32, #tpu.memory_space<vmem>>)
      %parallel_loop3A_944 = arith.constant 0 : i32
      %parallel_loop3A_945 = arith.constant 2048 : i32
      %parallel_loop3A_946 = arith.constant 1 : i32
      scf.for %parallel_loop3A_954 = %parallel_loop3A_944 to %parallel_loop3A_945 step %parallel_loop3A_946  : i32 {
        %parallel_loop3A_955 = arith.constant 16 : i32
        %parallel_loop3A_956 = arith.muli %parallel_loop3A_954, %parallel_loop3A_955 : i32
        %parallel_loop3A_957 = arith.index_cast %parallel_loop3A_956 : i32 to index
        %parallel_loop3A_958 = tpu.vector_load %arg6[%parallel_loop3A_957] {strides = array<i32>} : memref<32768xf32, #tpu.memory_space<vmem>>, vector<16xf32>,
        %parallel_loop3A_959 = arith.mulf %parallel_loop3A_958, %gather3A : vector<16xf32>
        %parallel_loop3A_960 = arith.addf %parallel_loop3A_959, %gather3A_13 : vector<16xf32>
        %parallel_loop3A_961 = arith.fptosi %parallel_loop3A_960 : vector<16xf32> to vector<16xi32>
        %parallel_loop3A_962 = arith.constant 0 : i32
        %parallel_loop3A_963 = arith.constant 15 : i32
        %parallel_loop3A_964 = vector.broadcast %parallel_loop3A_962 : i32 to vector<16xi32>
        %parallel_loop3A_965 = arith.maxsi %parallel_loop3A_964, %parallel_loop3A_961 : vector<16xi32>
        %parallel_loop3A_966 = vector.broadcast %parallel_loop3A_963 : i32 to vector<16xi32>
        %parallel_loop3A_967 = arith.minsi %parallel_loop3A_966, %parallel_loop3A_965 : vector<16xi32>
        %parallel_loop3A_968 = arith.constant 7 : i32
        %parallel_loop3A_969 = arith.andi %parallel_loop3A_954, %parallel_loop3A_968 : i32
        %parallel_loop3A_970 = arith.constant 256 : i32
        %parallel_loop3A_971 = arith.muli %parallel_loop3A_969, %parallel_loop3A_970 : i32
        %parallel_loop3A_972 = vector.broadcast %parallel_loop3A_971 : i32 to vector<16xi32>
        %parallel_loop3A_973 = arith.addi %mul3A_529, %parallel_loop3A_972 : vector<16xi32>
        %parallel_loop3A_974 = arith.addi %parallel_loop3A_967, %parallel_loop3A_973 : vector<16xi32>
        tpu.vector_store_idx %arg9[%parallel_loop3A_974], %broadcast_in_dim3A_15 {add = true} : memref<2048xf32, #tpu.memory_space<vmem>>[vector<16xi32>], vector<16xf32>,
      } {sc.loop_unroll_factor = 8 : i64, sc.parallel_access}
      %add3A_947 = arith.constant 2 : i32
      %add3A_948 = arith.addi %add3A_939, %add3A_947 : i32
      %lt3A_949 = arith.constant 16 : i32
      %lt3A_950 = arith.cmpi slt, %add3A_948, %lt3A_949 : i32
      %convert_element_type3A_951 = arith.extui %lt3A_950 : i1 to i32
      %cond3A_952 = arith.constant 0 : i32
      %cond3A_953 = arith.cmpi ne, %convert_element_type3A_951, %cond3A_952 : i32
      scf.if %cond3A_953 {
        %add3A_954 = arith.constant 2 : i32
        %add3A_955 = arith.addi %add3A_939, %add3A_954 : i32
        %mul3A_956 = arith.constant 32768 : i32
        %mul3A_957 = arith.muli %add3A_955, %mul3A_956 : i32
        %add3A_958 = arith.addi %mul3A_2, %mul3A_957 : i32
        %dma_start3A_959 = tpu.memref_slice %arg2[%add3A_958] : memref<16777216xf32, #tpu.memory_space<hbm>> -> memref<32768xf32, #tpu.memory_space<hbm>>
        %dma_start3A_960 = tpu.memref_slice %arg2[%add3A_958] : memref<16777216xf32, #tpu.memory_space<hbm>> -> memref<32768xf32, #tpu.memory_space<hbm>>
        tpu.enqueue_dma source(%dma_start3A_960 : memref<32768xf32, #tpu.memory_space<hbm>>) target(%arg6 : memref<32768xf32, #tpu.memory_space<vmem>>) target_semaphore(%arg11 : memref<!tpu.dma_semaphore, #tpu.memory_space<semaphore_mem>>)
      } else {
      }
    }
    %scan3A_534 = arith.constant 8 : i32
    %broadcast_in_dim3A_535 = arith.constant 0.000000e+00 : f32
    %broadcast_in_dim3A_536 = vector.broadcast %broadcast_in_dim3A_535 : f32 to vector<16xf32>
    %get3A = arith.constant 0 : index
    %get3A_537 = tpu.vector_load %arg9[%get3A] {strides = array<i32>} : memref<2048xf32, #tpu.memory_space<vmem>>, vector<16xf32>,
    %add3A_538 = arith.addf %broadcast_in_dim3A_536, %get3A_537 : vector<16xf32>
    %get3A_539 = arith.constant 16 : index
    %get3A_540 = tpu.vector_load %arg9[%get3A_539] {strides = array<i32>} : memref<2048xf32, #tpu.memory_space<vmem>>, vector<16xf32>,
    %add3A_541 = arith.addf %add3A_538, %get3A_540 : vector<16xf32>
    %get3A_542 = arith.constant 32 : index
    %get3A_543 = tpu.vector_load %arg9[%get3A_542] {strides = array<i32>} : memref<2048xf32, #tpu.memory_space<vmem>>, vector<16xf32>,
    %add3A_544 = arith.addf %add3A_541, %get3A_543 : vector<16xf32>
    %get3A_545 = arith.constant 48 : index
    %get3A_546 = tpu.vector_load %arg9[%get3A_545] {strides = array<i32>} : memref<2048xf32, #tpu.memory_space<vmem>>, vector<16xf32>,
    %add3A_547 = arith.addf %add3A_544, %get3A_546 : vector<16xf32>
    %get3A_548 = arith.constant 64 : index
    %get3A_549 = tpu.vector_load %arg9[%get3A_548] {strides = array<i32>} : memref<2048xf32, #tpu.memory_space<vmem>>, vector<16xf32>,
    %add3A_550 = arith.addf %add3A_547, %get3A_549 : vector<16xf32>
    %get3A_551 = arith.constant 80 : index
    %get3A_552 = tpu.vector_load %arg9[%get3A_551] {strides = array<i32>} : memref<2048xf32, #tpu.memory_space<vmem>>, vector<16xf32>,
    %add3A_553 = arith.addf %add3A_550, %get3A_552 : vector<16xf32>
    %get3A_554 = arith.constant 96 : index
    %get3A_555 = tpu.vector_load %arg9[%get3A_554] {strides = array<i32>} : memref<2048xf32, #tpu.memory_space<vmem>>, vector<16xf32>,
    %add3A_556 = arith.addf %add3A_553, %get3A_555 : vector<16xf32>
    %get3A_557 = arith.constant 112 : index
    %get3A_558 = tpu.vector_load %arg9[%get3A_557] {strides = array<i32>} : memref<2048xf32, #tpu.memory_space<vmem>>, vector<16xf32>,
    %add3A_559 = arith.addf %add3A_556, %get3A_558 : vector<16xf32>
    %get3A_560 = arith.constant 128 : index
    %get3A_561 = tpu.vector_load %arg9[%get3A_560] {strides = array<i32>} : memref<2048xf32, #tpu.memory_space<vmem>>, vector<16xf32>,
    %add3A_562 = arith.addf %add3A_559, %get3A_561 : vector<16xf32>
    %get3A_563 = arith.constant 144 : index
    %get3A_564 = tpu.vector_load %arg9[%get3A_563] {strides = array<i32>} : memref<2048xf32, #tpu.memory_space<vmem>>, vector<16xf32>,
    %add3A_565 = arith.addf %add3A_562, %get3A_564 : vector<16xf32>
    %get3A_566 = arith.constant 160 : index
    %get3A_567 = tpu.vector_load %arg9[%get3A_566] {strides = array<i32>} : memref<2048xf32, #tpu.memory_space<vmem>>, vector<16xf32>,
    %add3A_568 = arith.addf %add3A_565, %get3A_567 : vector<16xf32>
    %get3A_569 = arith.constant 176 : index
    %get3A_570 = tpu.vector_load %arg9[%get3A_569] {strides = array<i32>} : memref<2048xf32, #tpu.memory_space<vmem>>, vector<16xf32>,
    %add3A_571 = arith.addf %add3A_568, %get3A_570 : vector<16xf32>
    %get3A_572 = arith.constant 192 : index
    %get3A_573 = tpu.vector_load %arg9[%get3A_572] {strides = array<i32>} : memref<2048xf32, #tpu.memory_space<vmem>>, vector<16xf32>,
    %add3A_574 = arith.addf %add3A_571, %get3A_573 : vector<16xf32>
    %get3A_575 = arith.constant 208 : index
    %get3A_576 = tpu.vector_load %arg9[%get3A_575] {strides = array<i32>} : memref<2048xf32, #tpu.memory_space<vmem>>, vector<16xf32>,
    %add3A_577 = arith.addf %add3A_574, %get3A_576 : vector<16xf32>
    %get3A_578 = arith.constant 224 : index
    %get3A_579 = tpu.vector_load %arg9[%get3A_578] {strides = array<i32>} : memref<2048xf32, #tpu.memory_space<vmem>>, vector<16xf32>,
    %add3A_580 = arith.addf %add3A_577, %get3A_579 : vector<16xf32>
    %get3A_581 = arith.constant 240 : index
    %get3A_582 = tpu.vector_load %arg9[%get3A_581] {strides = array<i32>} : memref<2048xf32, #tpu.memory_space<vmem>>, vector<16xf32>,
    %add3A_583 = arith.addf %add3A_580, %get3A_582 : vector<16xf32>
    %get3A_584 = arith.constant 256 : index
    %get3A_585 = tpu.vector_load %arg9[%get3A_584] {strides = array<i32>} : memref<2048xf32, #tpu.memory_space<vmem>>, vector<16xf32>,
    %add3A_586 = arith.addf %add3A_583, %get3A_585 : vector<16xf32>
    %get3A_587 = arith.constant 272 : index
    %get3A_588 = tpu.vector_load %arg9[%get3A_587] {strides = array<i32>} : memref<2048xf32, #tpu.memory_space<vmem>>, vector<16xf32>,
    %add3A_589 = arith.addf %add3A_586, %get3A_588 : vector<16xf32>
    %get3A_590 = arith.constant 288 : index
    %get3A_591 = tpu.vector_load %arg9[%get3A_590] {strides = array<i32>} : memref<2048xf32, #tpu.memory_space<vmem>>, vector<16xf32>,
    %add3A_592 = arith.addf %add3A_589, %get3A_591 : vector<16xf32>
    %get3A_593 = arith.constant 304 : index
    %get3A_594 = tpu.vector_load %arg9[%get3A_593] {strides = array<i32>} : memref<2048xf32, #tpu.memory_space<vmem>>, vector<16xf32>,
    %add3A_595 = arith.addf %add3A_592, %get3A_594 : vector<16xf32>
    %get3A_596 = arith.constant 320 : index
    %get3A_597 = tpu.vector_load %arg9[%get3A_596] {strides = array<i32>} : memref<2048xf32, #tpu.memory_space<vmem>>, vector<16xf32>,
    %add3A_598 = arith.addf %add3A_595, %get3A_597 : vector<16xf32>
    %get3A_599 = arith.constant 336 : index
    %get3A_600 = tpu.vector_load %arg9[%get3A_599] {strides = array<i32>} : memref<2048xf32, #tpu.memory_space<vmem>>, vector<16xf32>,
    %add3A_601 = arith.addf %add3A_598, %get3A_600 : vector<16xf32>
    %get3A_602 = arith.constant 352 : index
    %get3A_603 = tpu.vector_load %arg9[%get3A_602] {strides = array<i32>} : memref<2048xf32, #tpu.memory_space<vmem>>, vector<16xf32>,
    %add3A_604 = arith.addf %add3A_601, %get3A_603 : vector<16xf32>
    %get3A_605 = arith.constant 368 : index
    %get3A_606 = tpu.vector_load %arg9[%get3A_605] {strides = array<i32>} : memref<2048xf32, #tpu.memory_space<vmem>>, vector<16xf32>,
    %add3A_607 = arith.addf %add3A_604, %get3A_606 : vector<16xf32>
    %get3A_608 = arith.constant 384 : index
    %get3A_609 = tpu.vector_load %arg9[%get3A_608] {strides = array<i32>} : memref<2048xf32, #tpu.memory_space<vmem>>, vector<16xf32>,
    %add3A_610 = arith.addf %add3A_607, %get3A_609 : vector<16xf32>
    %get3A_611 = arith.constant 400 : index
    %get3A_612 = tpu.vector_load %arg9[%get3A_611] {strides = array<i32>} : memref<2048xf32, #tpu.memory_space<vmem>>, vector<16xf32>,
    %add3A_613 = arith.addf %add3A_610, %get3A_612 : vector<16xf32>
    %get3A_614 = arith.constant 416 : index
    %get3A_615 = tpu.vector_load %arg9[%get3A_614] {strides = array<i32>} : memref<2048xf32, #tpu.memory_space<vmem>>, vector<16xf32>,
    %add3A_616 = arith.addf %add3A_613, %get3A_615 : vector<16xf32>
    %get3A_617 = arith.constant 432 : index
    %get3A_618 = tpu.vector_load %arg9[%get3A_617] {strides = array<i32>} : memref<2048xf32, #tpu.memory_space<vmem>>, vector<16xf32>,
    %add3A_619 = arith.addf %add3A_616, %get3A_618 : vector<16xf32>
    %get3A_620 = arith.constant 448 : index
    %get3A_621 = tpu.vector_load %arg9[%get3A_620] {strides = array<i32>} : memref<2048xf32, #tpu.memory_space<vmem>>, vector<16xf32>,
    %add3A_622 = arith.addf %add3A_619, %get3A_621 : vector<16xf32>
    %get3A_623 = arith.constant 464 : index
    %get3A_624 = tpu.vector_load %arg9[%get3A_623] {strides = array<i32>} : memref<2048xf32, #tpu.memory_space<vmem>>, vector<16xf32>,
    %add3A_625 = arith.addf %add3A_622, %get3A_624 : vector<16xf32>
    %get3A_626 = arith.constant 480 : index
    %get3A_627 = tpu.vector_load %arg9[%get3A_626] {strides = array<i32>} : memref<2048xf32, #tpu.memory_space<vmem>>, vector<16xf32>,
    %add3A_628 = arith.addf %add3A_625, %get3A_627 : vector<16xf32>
    %get3A_629 = arith.constant 496 : index
    %get3A_630 = tpu.vector_load %arg9[%get3A_629] {strides = array<i32>} : memref<2048xf32, #tpu.memory_space<vmem>>, vector<16xf32>,
    %add3A_631 = arith.addf %add3A_628, %get3A_630 : vector<16xf32>
    %get3A_632 = arith.constant 512 : index
    %get3A_633 = tpu.vector_load %arg9[%get3A_632] {strides = array<i32>} : memref<2048xf32, #tpu.memory_space<vmem>>, vector<16xf32>,
    %add3A_634 = arith.addf %add3A_631, %get3A_633 : vector<16xf32>
    %get3A_635 = arith.constant 528 : index
    %get3A_636 = tpu.vector_load %arg9[%get3A_635] {strides = array<i32>} : memref<2048xf32, #tpu.memory_space<vmem>>, vector<16xf32>,
    %add3A_637 = arith.addf %add3A_634, %get3A_636 : vector<16xf32>
    %get3A_638 = arith.constant 544 : index
    %get3A_639 = tpu.vector_load %arg9[%get3A_638] {strides = array<i32>} : memref<2048xf32, #tpu.memory_space<vmem>>, vector<16xf32>,
    %add3A_640 = arith.addf %add3A_637, %get3A_639 : vector<16xf32>
    %get3A_641 = arith.constant 560 : index
    %get3A_642 = tpu.vector_load %arg9[%get3A_641] {strides = array<i32>} : memref<2048xf32, #tpu.memory_space<vmem>>, vector<16xf32>,
    %add3A_643 = arith.addf %add3A_640, %get3A_642 : vector<16xf32>
    %get3A_644 = arith.constant 576 : index
    %get3A_645 = tpu.vector_load %arg9[%get3A_644] {strides = array<i32>} : memref<2048xf32, #tpu.memory_space<vmem>>, vector<16xf32>,
    %add3A_646 = arith.addf %add3A_643, %get3A_645 : vector<16xf32>
    %get3A_647 = arith.constant 592 : index
    %get3A_648 = tpu.vector_load %arg9[%get3A_647] {strides = array<i32>} : memref<2048xf32, #tpu.memory_space<vmem>>, vector<16xf32>,
    %add3A_649 = arith.addf %add3A_646, %get3A_648 : vector<16xf32>
    %get3A_650 = arith.constant 608 : index
    %get3A_651 = tpu.vector_load %arg9[%get3A_650] {strides = array<i32>} : memref<2048xf32, #tpu.memory_space<vmem>>, vector<16xf32>,
    %add3A_652 = arith.addf %add3A_649, %get3A_651 : vector<16xf32>
    %get3A_653 = arith.constant 624 : index
    %get3A_654 = tpu.vector_load %arg9[%get3A_653] {strides = array<i32>} : memref<2048xf32, #tpu.memory_space<vmem>>, vector<16xf32>,
    %add3A_655 = arith.addf %add3A_652, %get3A_654 : vector<16xf32>
    %get3A_656 = arith.constant 640 : index
    %get3A_657 = tpu.vector_load %arg9[%get3A_656] {strides = array<i32>} : memref<2048xf32, #tpu.memory_space<vmem>>, vector<16xf32>,
    %add3A_658 = arith.addf %add3A_655, %get3A_657 : vector<16xf32>
    %get3A_659 = arith.constant 656 : index
    %get3A_660 = tpu.vector_load %arg9[%get3A_659] {strides = array<i32>} : memref<2048xf32, #tpu.memory_space<vmem>>, vector<16xf32>,
    %add3A_661 = arith.addf %add3A_658, %get3A_660 : vector<16xf32>
    %get3A_662 = arith.constant 672 : index
    %get3A_663 = tpu.vector_load %arg9[%get3A_662] {strides = array<i32>} : memref<2048xf32, #tpu.memory_space<vmem>>, vector<16xf32>,
    %add3A_664 = arith.addf %add3A_661, %get3A_663 : vector<16xf32>
    %get3A_665 = arith.constant 688 : index
    %get3A_666 = tpu.vector_load %arg9[%get3A_665] {strides = array<i32>} : memref<2048xf32, #tpu.memory_space<vmem>>, vector<16xf32>,
    %add3A_667 = arith.addf %add3A_664, %get3A_666 : vector<16xf32>
    %get3A_668 = arith.constant 704 : index
    %get3A_669 = tpu.vector_load %arg9[%get3A_668] {strides = array<i32>} : memref<2048xf32, #tpu.memory_space<vmem>>, vector<16xf32>,
    %add3A_670 = arith.addf %add3A_667, %get3A_669 : vector<16xf32>
    %get3A_671 = arith.constant 720 : index
    %get3A_672 = tpu.vector_load %arg9[%get3A_671] {strides = array<i32>} : memref<2048xf32, #tpu.memory_space<vmem>>, vector<16xf32>,
    %add3A_673 = arith.addf %add3A_670, %get3A_672 : vector<16xf32>
    %get3A_674 = arith.constant 736 : index
    %get3A_675 = tpu.vector_load %arg9[%get3A_674] {strides = array<i32>} : memref<2048xf32, #tpu.memory_space<vmem>>, vector<16xf32>,
    %add3A_676 = arith.addf %add3A_673, %get3A_675 : vector<16xf32>
    %get3A_677 = arith.constant 752 : index
    %get3A_678 = tpu.vector_load %arg9[%get3A_677] {strides = array<i32>} : memref<2048xf32, #tpu.memory_space<vmem>>, vector<16xf32>,
    %add3A_679 = arith.addf %add3A_676, %get3A_678 : vector<16xf32>
    %get3A_680 = arith.constant 768 : index
    %get3A_681 = tpu.vector_load %arg9[%get3A_680] {strides = array<i32>} : memref<2048xf32, #tpu.memory_space<vmem>>, vector<16xf32>,
    %add3A_682 = arith.addf %add3A_679, %get3A_681 : vector<16xf32>
    %get3A_683 = arith.constant 784 : index
    %get3A_684 = tpu.vector_load %arg9[%get3A_683] {strides = array<i32>} : memref<2048xf32, #tpu.memory_space<vmem>>, vector<16xf32>,
    %add3A_685 = arith.addf %add3A_682, %get3A_684 : vector<16xf32>
    %get3A_686 = arith.constant 800 : index
    %get3A_687 = tpu.vector_load %arg9[%get3A_686] {strides = array<i32>} : memref<2048xf32, #tpu.memory_space<vmem>>, vector<16xf32>,
    %add3A_688 = arith.addf %add3A_685, %get3A_687 : vector<16xf32>
    %get3A_689 = arith.constant 816 : index
    %get3A_690 = tpu.vector_load %arg9[%get3A_689] {strides = array<i32>} : memref<2048xf32, #tpu.memory_space<vmem>>, vector<16xf32>,
    %add3A_691 = arith.addf %add3A_688, %get3A_690 : vector<16xf32>
    %get3A_692 = arith.constant 832 : index
    %get3A_693 = tpu.vector_load %arg9[%get3A_692] {strides = array<i32>} : memref<2048xf32, #tpu.memory_space<vmem>>, vector<16xf32>,
    %add3A_694 = arith.addf %add3A_691, %get3A_693 : vector<16xf32>
    %get3A_695 = arith.constant 848 : index
    %get3A_696 = tpu.vector_load %arg9[%get3A_695] {strides = array<i32>} : memref<2048xf32, #tpu.memory_space<vmem>>, vector<16xf32>,
    %add3A_697 = arith.addf %add3A_694, %get3A_696 : vector<16xf32>
    %get3A_698 = arith.constant 864 : index
    %get3A_699 = tpu.vector_load %arg9[%get3A_698] {strides = array<i32>} : memref<2048xf32, #tpu.memory_space<vmem>>, vector<16xf32>,
    %add3A_700 = arith.addf %add3A_697, %get3A_699 : vector<16xf32>
    %get3A_701 = arith.constant 880 : index
    %get3A_702 = tpu.vector_load %arg9[%get3A_701] {strides = array<i32>} : memref<2048xf32, #tpu.memory_space<vmem>>, vector<16xf32>,
    %add3A_703 = arith.addf %add3A_700, %get3A_702 : vector<16xf32>
    %get3A_704 = arith.constant 896 : index
    %get3A_705 = tpu.vector_load %arg9[%get3A_704] {strides = array<i32>} : memref<2048xf32, #tpu.memory_space<vmem>>, vector<16xf32>,
    %add3A_706 = arith.addf %add3A_703, %get3A_705 : vector<16xf32>
    %get3A_707 = arith.constant 912 : index
    %get3A_708 = tpu.vector_load %arg9[%get3A_707] {strides = array<i32>} : memref<2048xf32, #tpu.memory_space<vmem>>, vector<16xf32>,
    %add3A_709 = arith.addf %add3A_706, %get3A_708 : vector<16xf32>
    %get3A_710 = arith.constant 928 : index
    %get3A_711 = tpu.vector_load %arg9[%get3A_710] {strides = array<i32>} : memref<2048xf32, #tpu.memory_space<vmem>>, vector<16xf32>,
    %add3A_712 = arith.addf %add3A_709, %get3A_711 : vector<16xf32>
    %get3A_713 = arith.constant 944 : index
    %get3A_714 = tpu.vector_load %arg9[%get3A_713] {strides = array<i32>} : memref<2048xf32, #tpu.memory_space<vmem>>, vector<16xf32>,
    %add3A_715 = arith.addf %add3A_712, %get3A_714 : vector<16xf32>
    %get3A_716 = arith.constant 960 : index
    %get3A_717 = tpu.vector_load %arg9[%get3A_716] {strides = array<i32>} : memref<2048xf32, #tpu.memory_space<vmem>>, vector<16xf32>,
    %add3A_718 = arith.addf %add3A_715, %get3A_717 : vector<16xf32>
    %get3A_719 = arith.constant 976 : index
    %get3A_720 = tpu.vector_load %arg9[%get3A_719] {strides = array<i32>} : memref<2048xf32, #tpu.memory_space<vmem>>, vector<16xf32>,
    %add3A_721 = arith.addf %add3A_718, %get3A_720 : vector<16xf32>
    %get3A_722 = arith.constant 992 : index
    %get3A_723 = tpu.vector_load %arg9[%get3A_722] {strides = array<i32>} : memref<2048xf32, #tpu.memory_space<vmem>>, vector<16xf32>,
    %add3A_724 = arith.addf %add3A_721, %get3A_723 : vector<16xf32>
    %get3A_725 = arith.constant 1008 : index
    %get3A_726 = tpu.vector_load %arg9[%get3A_725] {strides = array<i32>} : memref<2048xf32, #tpu.memory_space<vmem>>, vector<16xf32>,
    %add3A_727 = arith.addf %add3A_724, %get3A_726 : vector<16xf32>
    %get3A_728 = arith.constant 1024 : index
    %get3A_729 = tpu.vector_load %arg9[%get3A_728] {strides = array<i32>} : memref<2048xf32, #tpu.memory_space<vmem>>, vector<16xf32>,
    %add3A_730 = arith.addf %add3A_727, %get3A_729 : vector<16xf32>
    %get3A_731 = arith.constant 1040 : index
    %get3A_732 = tpu.vector_load %arg9[%get3A_731] {strides = array<i32>} : memref<2048xf32, #tpu.memory_space<vmem>>, vector<16xf32>,
    %add3A_733 = arith.addf %add3A_730, %get3A_732 : vector<16xf32>
    %get3A_734 = arith.constant 1056 : index
    %get3A_735 = tpu.vector_load %arg9[%get3A_734] {strides = array<i32>} : memref<2048xf32, #tpu.memory_space<vmem>>, vector<16xf32>,
    %add3A_736 = arith.addf %add3A_733, %get3A_735 : vector<16xf32>
    %get3A_737 = arith.constant 1072 : index
    %get3A_738 = tpu.vector_load %arg9[%get3A_737] {strides = array<i32>} : memref<2048xf32, #tpu.memory_space<vmem>>, vector<16xf32>,
    %add3A_739 = arith.addf %add3A_736, %get3A_738 : vector<16xf32>
    %get3A_740 = arith.constant 1088 : index
    %get3A_741 = tpu.vector_load %arg9[%get3A_740] {strides = array<i32>} : memref<2048xf32, #tpu.memory_space<vmem>>, vector<16xf32>,
    %add3A_742 = arith.addf %add3A_739, %get3A_741 : vector<16xf32>
    %get3A_743 = arith.constant 1104 : index
    %get3A_744 = tpu.vector_load %arg9[%get3A_743] {strides = array<i32>} : memref<2048xf32, #tpu.memory_space<vmem>>, vector<16xf32>,
    %add3A_745 = arith.addf %add3A_742, %get3A_744 : vector<16xf32>
    %get3A_746 = arith.constant 1120 : index
    %get3A_747 = tpu.vector_load %arg9[%get3A_746] {strides = array<i32>} : memref<2048xf32, #tpu.memory_space<vmem>>, vector<16xf32>,
    %add3A_748 = arith.addf %add3A_745, %get3A_747 : vector<16xf32>
    %get3A_749 = arith.constant 1136 : index
    %get3A_750 = tpu.vector_load %arg9[%get3A_749] {strides = array<i32>} : memref<2048xf32, #tpu.memory_space<vmem>>, vector<16xf32>,
    %add3A_751 = arith.addf %add3A_748, %get3A_750 : vector<16xf32>
    %get3A_752 = arith.constant 1152 : index
    %get3A_753 = tpu.vector_load %arg9[%get3A_752] {strides = array<i32>} : memref<2048xf32, #tpu.memory_space<vmem>>, vector<16xf32>,
    %add3A_754 = arith.addf %add3A_751, %get3A_753 : vector<16xf32>
    %get3A_755 = arith.constant 1168 : index
    %get3A_756 = tpu.vector_load %arg9[%get3A_755] {strides = array<i32>} : memref<2048xf32, #tpu.memory_space<vmem>>, vector<16xf32>,
    %add3A_757 = arith.addf %add3A_754, %get3A_756 : vector<16xf32>
    %get3A_758 = arith.constant 1184 : index
    %get3A_759 = tpu.vector_load %arg9[%get3A_758] {strides = array<i32>} : memref<2048xf32, #tpu.memory_space<vmem>>, vector<16xf32>,
    %add3A_760 = arith.addf %add3A_757, %get3A_759 : vector<16xf32>
    %get3A_761 = arith.constant 1200 : index
    %get3A_762 = tpu.vector_load %arg9[%get3A_761] {strides = array<i32>} : memref<2048xf32, #tpu.memory_space<vmem>>, vector<16xf32>,
    %add3A_763 = arith.addf %add3A_760, %get3A_762 : vector<16xf32>
    %get3A_764 = arith.constant 1216 : index
    %get3A_765 = tpu.vector_load %arg9[%get3A_764] {strides = array<i32>} : memref<2048xf32, #tpu.memory_space<vmem>>, vector<16xf32>,
    %add3A_766 = arith.addf %add3A_763, %get3A_765 : vector<16xf32>
    %get3A_767 = arith.constant 1232 : index
    %get3A_768 = tpu.vector_load %arg9[%get3A_767] {strides = array<i32>} : memref<2048xf32, #tpu.memory_space<vmem>>, vector<16xf32>,
    %add3A_769 = arith.addf %add3A_766, %get3A_768 : vector<16xf32>
    %get3A_770 = arith.constant 1248 : index
    %get3A_771 = tpu.vector_load %arg9[%get3A_770] {strides = array<i32>} : memref<2048xf32, #tpu.memory_space<vmem>>, vector<16xf32>,
    %add3A_772 = arith.addf %add3A_769, %get3A_771 : vector<16xf32>
    %get3A_773 = arith.constant 1264 : index
    %get3A_774 = tpu.vector_load %arg9[%get3A_773] {strides = array<i32>} : memref<2048xf32, #tpu.memory_space<vmem>>, vector<16xf32>,
    %add3A_775 = arith.addf %add3A_772, %get3A_774 : vector<16xf32>
    %get3A_776 = arith.constant 1280 : index
    %get3A_777 = tpu.vector_load %arg9[%get3A_776] {strides = array<i32>} : memref<2048xf32, #tpu.memory_space<vmem>>, vector<16xf32>,
    %add3A_778 = arith.addf %add3A_775, %get3A_777 : vector<16xf32>
    %get3A_779 = arith.constant 1296 : index
    %get3A_780 = tpu.vector_load %arg9[%get3A_779] {strides = array<i32>} : memref<2048xf32, #tpu.memory_space<vmem>>, vector<16xf32>,
    %add3A_781 = arith.addf %add3A_778, %get3A_780 : vector<16xf32>
    %get3A_782 = arith.constant 1312 : index
    %get3A_783 = tpu.vector_load %arg9[%get3A_782] {strides = array<i32>} : memref<2048xf32, #tpu.memory_space<vmem>>, vector<16xf32>,
    %add3A_784 = arith.addf %add3A_781, %get3A_783 : vector<16xf32>
    %get3A_785 = arith.constant 1328 : index
    %get3A_786 = tpu.vector_load %arg9[%get3A_785] {strides = array<i32>} : memref<2048xf32, #tpu.memory_space<vmem>>, vector<16xf32>,
    %add3A_787 = arith.addf %add3A_784, %get3A_786 : vector<16xf32>
    %get3A_788 = arith.constant 1344 : index
    %get3A_789 = tpu.vector_load %arg9[%get3A_788] {strides = array<i32>} : memref<2048xf32, #tpu.memory_space<vmem>>, vector<16xf32>,
    %add3A_790 = arith.addf %add3A_787, %get3A_789 : vector<16xf32>
    %get3A_791 = arith.constant 1360 : index
    %get3A_792 = tpu.vector_load %arg9[%get3A_791] {strides = array<i32>} : memref<2048xf32, #tpu.memory_space<vmem>>, vector<16xf32>,
    %add3A_793 = arith.addf %add3A_790, %get3A_792 : vector<16xf32>
    %get3A_794 = arith.constant 1376 : index
    %get3A_795 = tpu.vector_load %arg9[%get3A_794] {strides = array<i32>} : memref<2048xf32, #tpu.memory_space<vmem>>, vector<16xf32>,
    %add3A_796 = arith.addf %add3A_793, %get3A_795 : vector<16xf32>
    %get3A_797 = arith.constant 1392 : index
    %get3A_798 = tpu.vector_load %arg9[%get3A_797] {strides = array<i32>} : memref<2048xf32, #tpu.memory_space<vmem>>, vector<16xf32>,
    %add3A_799 = arith.addf %add3A_796, %get3A_798 : vector<16xf32>
    %get3A_800 = arith.constant 1408 : index
    %get3A_801 = tpu.vector_load %arg9[%get3A_800] {strides = array<i32>} : memref<2048xf32, #tpu.memory_space<vmem>>, vector<16xf32>,
    %add3A_802 = arith.addf %add3A_799, %get3A_801 : vector<16xf32>
    %get3A_803 = arith.constant 1424 : index
    %get3A_804 = tpu.vector_load %arg9[%get3A_803] {strides = array<i32>} : memref<2048xf32, #tpu.memory_space<vmem>>, vector<16xf32>,
    %add3A_805 = arith.addf %add3A_802, %get3A_804 : vector<16xf32>
    %get3A_806 = arith.constant 1440 : index
    %get3A_807 = tpu.vector_load %arg9[%get3A_806] {strides = array<i32>} : memref<2048xf32, #tpu.memory_space<vmem>>, vector<16xf32>,
    %add3A_808 = arith.addf %add3A_805, %get3A_807 : vector<16xf32>
    %get3A_809 = arith.constant 1456 : index
    %get3A_810 = tpu.vector_load %arg9[%get3A_809] {strides = array<i32>} : memref<2048xf32, #tpu.memory_space<vmem>>, vector<16xf32>,
    %add3A_811 = arith.addf %add3A_808, %get3A_810 : vector<16xf32>
    %get3A_812 = arith.constant 1472 : index
    %get3A_813 = tpu.vector_load %arg9[%get3A_812] {strides = array<i32>} : memref<2048xf32, #tpu.memory_space<vmem>>, vector<16xf32>,
    %add3A_814 = arith.addf %add3A_811, %get3A_813 : vector<16xf32>
    %get3A_815 = arith.constant 1488 : index
    %get3A_816 = tpu.vector_load %arg9[%get3A_815] {strides = array<i32>} : memref<2048xf32, #tpu.memory_space<vmem>>, vector<16xf32>,
    %add3A_817 = arith.addf %add3A_814, %get3A_816 : vector<16xf32>
    %get3A_818 = arith.constant 1504 : index
    %get3A_819 = tpu.vector_load %arg9[%get3A_818] {strides = array<i32>} : memref<2048xf32, #tpu.memory_space<vmem>>, vector<16xf32>,
    %add3A_820 = arith.addf %add3A_817, %get3A_819 : vector<16xf32>
    %get3A_821 = arith.constant 1520 : index
    %get3A_822 = tpu.vector_load %arg9[%get3A_821] {strides = array<i32>} : memref<2048xf32, #tpu.memory_space<vmem>>, vector<16xf32>,
    %add3A_823 = arith.addf %add3A_820, %get3A_822 : vector<16xf32>
    %get3A_824 = arith.constant 1536 : index
    %get3A_825 = tpu.vector_load %arg9[%get3A_824] {strides = array<i32>} : memref<2048xf32, #tpu.memory_space<vmem>>, vector<16xf32>,
    %add3A_826 = arith.addf %add3A_823, %get3A_825 : vector<16xf32>
    %get3A_827 = arith.constant 1552 : index
    %get3A_828 = tpu.vector_load %arg9[%get3A_827] {strides = array<i32>} : memref<2048xf32, #tpu.memory_space<vmem>>, vector<16xf32>,
    %add3A_829 = arith.addf %add3A_826, %get3A_828 : vector<16xf32>
    %get3A_830 = arith.constant 1568 : index
    %get3A_831 = tpu.vector_load %arg9[%get3A_830] {strides = array<i32>} : memref<2048xf32, #tpu.memory_space<vmem>>, vector<16xf32>,
    %add3A_832 = arith.addf %add3A_829, %get3A_831 : vector<16xf32>
    %get3A_833 = arith.constant 1584 : index
    %get3A_834 = tpu.vector_load %arg9[%get3A_833] {strides = array<i32>} : memref<2048xf32, #tpu.memory_space<vmem>>, vector<16xf32>,
    %add3A_835 = arith.addf %add3A_832, %get3A_834 : vector<16xf32>
    %get3A_836 = arith.constant 1600 : index
    %get3A_837 = tpu.vector_load %arg9[%get3A_836] {strides = array<i32>} : memref<2048xf32, #tpu.memory_space<vmem>>, vector<16xf32>,
    %add3A_838 = arith.addf %add3A_835, %get3A_837 : vector<16xf32>
    %get3A_839 = arith.constant 1616 : index
    %get3A_840 = tpu.vector_load %arg9[%get3A_839] {strides = array<i32>} : memref<2048xf32, #tpu.memory_space<vmem>>, vector<16xf32>,
    %add3A_841 = arith.addf %add3A_838, %get3A_840 : vector<16xf32>
    %get3A_842 = arith.constant 1632 : index
    %get3A_843 = tpu.vector_load %arg9[%get3A_842] {strides = array<i32>} : memref<2048xf32, #tpu.memory_space<vmem>>, vector<16xf32>,
    %add3A_844 = arith.addf %add3A_841, %get3A_843 : vector<16xf32>
    %get3A_845 = arith.constant 1648 : index
    %get3A_846 = tpu.vector_load %arg9[%get3A_845] {strides = array<i32>} : memref<2048xf32, #tpu.memory_space<vmem>>, vector<16xf32>,
    %add3A_847 = arith.addf %add3A_844, %get3A_846 : vector<16xf32>
    %get3A_848 = arith.constant 1664 : index
    %get3A_849 = tpu.vector_load %arg9[%get3A_848] {strides = array<i32>} : memref<2048xf32, #tpu.memory_space<vmem>>, vector<16xf32>,
    %add3A_850 = arith.addf %add3A_847, %get3A_849 : vector<16xf32>
    %get3A_851 = arith.constant 1680 : index
    %get3A_852 = tpu.vector_load %arg9[%get3A_851] {strides = array<i32>} : memref<2048xf32, #tpu.memory_space<vmem>>, vector<16xf32>,
    %add3A_853 = arith.addf %add3A_850, %get3A_852 : vector<16xf32>
    %get3A_854 = arith.constant 1696 : index
    %get3A_855 = tpu.vector_load %arg9[%get3A_854] {strides = array<i32>} : memref<2048xf32, #tpu.memory_space<vmem>>, vector<16xf32>,
    %add3A_856 = arith.addf %add3A_853, %get3A_855 : vector<16xf32>
    %get3A_857 = arith.constant 1712 : index
    %get3A_858 = tpu.vector_load %arg9[%get3A_857] {strides = array<i32>} : memref<2048xf32, #tpu.memory_space<vmem>>, vector<16xf32>,
    %add3A_859 = arith.addf %add3A_856, %get3A_858 : vector<16xf32>
    %get3A_860 = arith.constant 1728 : index
    %get3A_861 = tpu.vector_load %arg9[%get3A_860] {strides = array<i32>} : memref<2048xf32, #tpu.memory_space<vmem>>, vector<16xf32>,
    %add3A_862 = arith.addf %add3A_859, %get3A_861 : vector<16xf32>
    %get3A_863 = arith.constant 1744 : index
    %get3A_864 = tpu.vector_load %arg9[%get3A_863] {strides = array<i32>} : memref<2048xf32, #tpu.memory_space<vmem>>, vector<16xf32>,
    %add3A_865 = arith.addf %add3A_862, %get3A_864 : vector<16xf32>
    %get3A_866 = arith.constant 1760 : index
    %get3A_867 = tpu.vector_load %arg9[%get3A_866] {strides = array<i32>} : memref<2048xf32, #tpu.memory_space<vmem>>, vector<16xf32>,
    %add3A_868 = arith.addf %add3A_865, %get3A_867 : vector<16xf32>
    %get3A_869 = arith.constant 1776 : index
    %get3A_870 = tpu.vector_load %arg9[%get3A_869] {strides = array<i32>} : memref<2048xf32, #tpu.memory_space<vmem>>, vector<16xf32>,
    %add3A_871 = arith.addf %add3A_868, %get3A_870 : vector<16xf32>
    %get3A_872 = arith.constant 1792 : index
    %get3A_873 = tpu.vector_load %arg9[%get3A_872] {strides = array<i32>} : memref<2048xf32, #tpu.memory_space<vmem>>, vector<16xf32>,
    %add3A_874 = arith.addf %add3A_871, %get3A_873 : vector<16xf32>
    %get3A_875 = arith.constant 1808 : index
    %get3A_876 = tpu.vector_load %arg9[%get3A_875] {strides = array<i32>} : memref<2048xf32, #tpu.memory_space<vmem>>, vector<16xf32>,
    %add3A_877 = arith.addf %add3A_874, %get3A_876 : vector<16xf32>
    %get3A_878 = arith.constant 1824 : index
    %get3A_879 = tpu.vector_load %arg9[%get3A_878] {strides = array<i32>} : memref<2048xf32, #tpu.memory_space<vmem>>, vector<16xf32>,
    %add3A_880 = arith.addf %add3A_877, %get3A_879 : vector<16xf32>
    %get3A_881 = arith.constant 1840 : index
    %get3A_882 = tpu.vector_load %arg9[%get3A_881] {strides = array<i32>} : memref<2048xf32, #tpu.memory_space<vmem>>, vector<16xf32>,
    %add3A_883 = arith.addf %add3A_880, %get3A_882 : vector<16xf32>
    %get3A_884 = arith.constant 1856 : index
    %get3A_885 = tpu.vector_load %arg9[%get3A_884] {strides = array<i32>} : memref<2048xf32, #tpu.memory_space<vmem>>, vector<16xf32>,
    %add3A_886 = arith.addf %add3A_883, %get3A_885 : vector<16xf32>
    %get3A_887 = arith.constant 1872 : index
    %get3A_888 = tpu.vector_load %arg9[%get3A_887] {strides = array<i32>} : memref<2048xf32, #tpu.memory_space<vmem>>, vector<16xf32>,
    %add3A_889 = arith.addf %add3A_886, %get3A_888 : vector<16xf32>
    %get3A_890 = arith.constant 1888 : index
    %get3A_891 = tpu.vector_load %arg9[%get3A_890] {strides = array<i32>} : memref<2048xf32, #tpu.memory_space<vmem>>, vector<16xf32>,
    %add3A_892 = arith.addf %add3A_889, %get3A_891 : vector<16xf32>
    %get3A_893 = arith.constant 1904 : index
    %get3A_894 = tpu.vector_load %arg9[%get3A_893] {strides = array<i32>} : memref<2048xf32, #tpu.memory_space<vmem>>, vector<16xf32>,
    %add3A_895 = arith.addf %add3A_892, %get3A_894 : vector<16xf32>
    %get3A_896 = arith.constant 1920 : index
    %get3A_897 = tpu.vector_load %arg9[%get3A_896] {strides = array<i32>} : memref<2048xf32, #tpu.memory_space<vmem>>, vector<16xf32>,
    %add3A_898 = arith.addf %add3A_895, %get3A_897 : vector<16xf32>
    %get3A_899 = arith.constant 1936 : index
    %get3A_900 = tpu.vector_load %arg9[%get3A_899] {strides = array<i32>} : memref<2048xf32, #tpu.memory_space<vmem>>, vector<16xf32>,
    %add3A_901 = arith.addf %add3A_898, %get3A_900 : vector<16xf32>
    %get3A_902 = arith.constant 1952 : index
    %get3A_903 = tpu.vector_load %arg9[%get3A_902] {strides = array<i32>} : memref<2048xf32, #tpu.memory_space<vmem>>, vector<16xf32>,
    %add3A_904 = arith.addf %add3A_901, %get3A_903 : vector<16xf32>
    %get3A_905 = arith.constant 1968 : index
    %get3A_906 = tpu.vector_load %arg9[%get3A_905] {strides = array<i32>} : memref<2048xf32, #tpu.memory_space<vmem>>, vector<16xf32>,
    %add3A_907 = arith.addf %add3A_904, %get3A_906 : vector<16xf32>
    %get3A_908 = arith.constant 1984 : index
    %get3A_909 = tpu.vector_load %arg9[%get3A_908] {strides = array<i32>} : memref<2048xf32, #tpu.memory_space<vmem>>, vector<16xf32>,
    %add3A_910 = arith.addf %add3A_907, %get3A_909 : vector<16xf32>
    %get3A_911 = arith.constant 2000 : index
    %get3A_912 = tpu.vector_load %arg9[%get3A_911] {strides = array<i32>} : memref<2048xf32, #tpu.memory_space<vmem>>, vector<16xf32>,
    %add3A_913 = arith.addf %add3A_910, %get3A_912 : vector<16xf32>
    %get3A_914 = arith.constant 2016 : index
    %get3A_915 = tpu.vector_load %arg9[%get3A_914] {strides = array<i32>} : memref<2048xf32, #tpu.memory_space<vmem>>, vector<16xf32>,
    %add3A_916 = arith.addf %add3A_913, %get3A_915 : vector<16xf32>
    %get3A_917 = arith.constant 2032 : index
    %get3A_918 = tpu.vector_load %arg9[%get3A_917] {strides = array<i32>} : memref<2048xf32, #tpu.memory_space<vmem>>, vector<16xf32>,
    %add3A_919 = arith.addf %add3A_916, %get3A_918 : vector<16xf32>
    %swap3A_920 = arith.constant 0 : index
    %swap3A_921 = tpu.vector_load %arg8[%swap3A_920] {strides = array<i32>} : memref<16xf32, #tpu.memory_space<vmem>>, vector<16xf32>,
    tpu.vector_store %arg8[%swap3A_920], %add3A_919 {strides = array<i32>} : memref<16xf32, #tpu.memory_space<vmem>>, vector<16xf32>,
    "tpu.region"() ({
      %run_scoped3A = tpu.sem_alloc : memref<!tpu.dma_semaphore, #tpu.memory_space<semaphore_mem>>
      %dma_start3A_922 = arith.constant 0 : i32
      %dma_start3A_923 = tpu.memref_slice %arg4[%add3A, %dma_start3A_922] : memref<32x16xf32, #tpu.memory_space<hbm>> -> memref<1x16xf32, #tpu.memory_space<hbm>>
      %dma_start3A_924 = tpu.memref_squeeze %dma_start3A_923 : memref<1x16xf32, #tpu.memory_space<hbm>> -> memref<16xf32, #tpu.memory_space<hbm>>
      %dma_start3A_925 = arith.constant 0 : i32
      %dma_start3A_926 = tpu.memref_slice %arg4[%add3A, %dma_start3A_925] : memref<32x16xf32, #tpu.memory_space<hbm>> -> memref<1x16xf32, #tpu.memory_space<hbm>>
      %dma_start3A_927 = tpu.memref_squeeze %dma_start3A_926 : memref<1x16xf32, #tpu.memory_space<hbm>> -> memref<16xf32, #tpu.memory_space<hbm>>
      tpu.enqueue_dma source(%arg8 : memref<16xf32, #tpu.memory_space<vmem>>) target(%dma_start3A_927 : memref<16xf32, #tpu.memory_space<hbm>>) target_semaphore(%run_scoped3A : memref<!tpu.dma_semaphore, #tpu.memory_space<semaphore_mem>>)
      %dma_wait3A = arith.constant 0 : i32
      %dma_wait3A_928 = tpu.memref_slice %arg4[%add3A, %dma_wait3A] : memref<32x16xf32, #tpu.memory_space<hbm>> -> memref<1x16xf32, #tpu.memory_space<hbm>>
      %dma_wait3A_929 = tpu.memref_squeeze %dma_wait3A_928 : memref<1x16xf32, #tpu.memory_space<hbm>> -> memref<16xf32, #tpu.memory_space<hbm>>
      %dma_wait3A_930 = arith.constant 0 : i32
      %dma_wait3A_931 = tpu.memref_slice %arg4[%add3A, %dma_wait3A_930] : memref<32x16xf32, #tpu.memory_space<hbm>> -> memref<1x16xf32, #tpu.memory_space<hbm>>
      %dma_wait3A_932 = tpu.memref_squeeze %dma_wait3A_931 : memref<1x16xf32, #tpu.memory_space<hbm>> -> memref<16xf32, #tpu.memory_space<hbm>>
      tpu.wait_dma2 semaphore(%run_scoped3A : memref<!tpu.dma_semaphore, #tpu.memory_space<semaphore_mem>>) src(%arg8 : memref<16xf32, #tpu.memory_space<vmem>>) dst(%dma_wait3A_932 : memref<16xf32, #tpu.memory_space<hbm>>)
      tpu.yield
    }) : () -> ()
    return
  }
}

#map = affine_map<(d0, d1) -> (0)>
module attributes {stable_mosaic.version = 14 : i64} {
  func.func @_apply_body(%arg0: i32, %arg1: i32, %arg2: memref<16777216xf32, #tpu.memory_space<hbm>>, %arg3: memref<16xf32, #tpu.memory_space<hbm>>, %arg4: memref<16xf32, #tpu.memory_space<hbm>>, %arg5: memref<16777216xf32, #tpu.memory_space<hbm>>, %arg6: memref<16777216xi32, #tpu.memory_space<hbm>>, %arg7: memref<16384xf32, #tpu.memory_space<vmem>>, %arg8: memref<16384xf32, #tpu.memory_space<vmem>>, %arg9: memref<16384xf32, #tpu.memory_space<vmem>>, %arg10: memref<16384xf32, #tpu.memory_space<vmem>>, %arg11: memref<16384xi32, #tpu.memory_space<vmem>>, %arg12: memref<16384xi32, #tpu.memory_space<vmem>>, %arg13: memref<16xf32, #tpu.memory_space<vmem>>, %arg14: memref<16xf32, #tpu.memory_space<vmem>>, %arg15: memref<!tpu.dma_semaphore, #tpu.memory_space<semaphore_mem>>, %arg16: memref<!tpu.dma_semaphore, #tpu.memory_space<semaphore_mem>>, %arg17: memref<!tpu.dma_semaphore, #tpu.memory_space<semaphore_mem>>, %arg18: memref<!tpu.dma_semaphore, #tpu.memory_space<semaphore_mem>>, %arg19: memref<!tpu.dma_semaphore, #tpu.memory_space<semaphore_mem>>, %arg20: memref<!tpu.dma_semaphore, #tpu.memory_space<semaphore_mem>>) attributes {dimension_semantics = [#tpu.dimension_semantics<core_parallel>, #tpu.dimension_semantics<subcore_parallel>], iteration_bounds = array<i64: 2, 16>, scalar_prefetch = 0 : i64, scratch_operands = 14 : i64, tpu.core_type = #tpu.core_type<sc_vector_subcore>, window_params = [{transform_indices = #map}, {transform_indices = #map}, {transform_indices = #map}, {transform_indices = #map}, {transform_indices = #map}]} {
    %mul3A = arith.constant 16 : i32
    %mul3A_0 = arith.muli %arg0, %mul3A : i32
    %add3A = arith.addi %mul3A_0, %arg1 : i32
    %mul3A_1 = arith.constant 524288 : i32
    %mul3A_2 = arith.muli %add3A, %mul3A_1 : i32
    "tpu.region"() ({
      %run_scoped3A = tpu.sem_alloc : memref<!tpu.dma_semaphore, #tpu.memory_space<semaphore_mem>>
      tpu.enqueue_dma source(%arg3 : memref<16xf32, #tpu.memory_space<hbm>>) target(%arg13 : memref<16xf32, #tpu.memory_space<vmem>>) target_semaphore(%run_scoped3A : memref<!tpu.dma_semaphore, #tpu.memory_space<semaphore_mem>>)
      tpu.wait_dma2 semaphore(%run_scoped3A : memref<!tpu.dma_semaphore, #tpu.memory_space<semaphore_mem>>) src(%arg3 : memref<16xf32, #tpu.memory_space<hbm>>) dst(%arg13 : memref<16xf32, #tpu.memory_space<vmem>>)
      tpu.yield
    }) : () -> ()
    "tpu.region"() ({
      %run_scoped3A = tpu.sem_alloc : memref<!tpu.dma_semaphore, #tpu.memory_space<semaphore_mem>>
      tpu.enqueue_dma source(%arg4 : memref<16xf32, #tpu.memory_space<hbm>>) target(%arg14 : memref<16xf32, #tpu.memory_space<vmem>>) target_semaphore(%run_scoped3A : memref<!tpu.dma_semaphore, #tpu.memory_space<semaphore_mem>>)
      tpu.wait_dma2 semaphore(%run_scoped3A : memref<!tpu.dma_semaphore, #tpu.memory_space<semaphore_mem>>) src(%arg4 : memref<16xf32, #tpu.memory_space<hbm>>) dst(%arg14 : memref<16xf32, #tpu.memory_space<vmem>>)
      tpu.yield
    }) : () -> ()
    %add3A_3 = arith.constant 0 : i32
    %add3A_4 = arith.addi %mul3A_2, %add3A_3 : i32
    %dma_start3A = tpu.memref_slice %arg2[%add3A_4] : memref<16777216xf32, #tpu.memory_space<hbm>> -> memref<16384xf32, #tpu.memory_space<hbm>>
    %dma_start3A_5 = tpu.memref_slice %arg2[%add3A_4] : memref<16777216xf32, #tpu.memory_space<hbm>> -> memref<16384xf32, #tpu.memory_space<hbm>>
    tpu.enqueue_dma source(%dma_start3A_5 : memref<16384xf32, #tpu.memory_space<hbm>>) target(%arg7 : memref<16384xf32, #tpu.memory_space<vmem>>) target_semaphore(%arg15 : memref<!tpu.dma_semaphore, #tpu.memory_space<semaphore_mem>>)
    %add3A_6 = arith.constant 16384 : i32
    %add3A_7 = arith.addi %mul3A_2, %add3A_6 : i32
    %dma_start3A_8 = tpu.memref_slice %arg2[%add3A_7] : memref<16777216xf32, #tpu.memory_space<hbm>> -> memref<16384xf32, #tpu.memory_space<hbm>>
    %dma_start3A_9 = tpu.memref_slice %arg2[%add3A_7] : memref<16777216xf32, #tpu.memory_space<hbm>> -> memref<16384xf32, #tpu.memory_space<hbm>>
    tpu.enqueue_dma source(%dma_start3A_9 : memref<16384xf32, #tpu.memory_space<hbm>>) target(%arg8 : memref<16384xf32, #tpu.memory_space<vmem>>) target_semaphore(%arg16 : memref<!tpu.dma_semaphore, #tpu.memory_space<semaphore_mem>>)
    %broadcast_in_dim3A = arith.constant 2 : i32
    %broadcast_in_dim3A_10 = vector.broadcast %broadcast_in_dim3A : i32 to vector<16xi32>
    %gather3A = tpu.vector_load_idx %arg13[%broadcast_in_dim3A_10] : memref<16xf32, #tpu.memory_space<vmem>>[vector<16xi32>], vector<16xf32>,
    %broadcast_in_dim3A_11 = arith.constant 4 : i32
    %broadcast_in_dim3A_12 = vector.broadcast %broadcast_in_dim3A_11 : i32 to vector<16xi32>
    %gather3A_13 = tpu.vector_load_idx %arg13[%broadcast_in_dim3A_12] : memref<16xf32, #tpu.memory_space<vmem>>[vector<16xi32>], vector<16xf32>,
    %broadcast_in_dim3A_14 = arith.constant 5 : i32
    %broadcast_in_dim3A_15 = vector.broadcast %broadcast_in_dim3A_14 : i32 to vector<16xi32>
    %gather3A_16 = tpu.vector_load_idx %arg13[%broadcast_in_dim3A_15] : memref<16xf32, #tpu.memory_space<vmem>>[vector<16xi32>], vector<16xf32>,
    %broadcast_in_dim3A_17 = arith.constant 6 : i32
    %broadcast_in_dim3A_18 = vector.broadcast %broadcast_in_dim3A_17 : i32 to vector<16xi32>
    %gather3A_19 = tpu.vector_load_idx %arg13[%broadcast_in_dim3A_18] : memref<16xf32, #tpu.memory_space<vmem>>[vector<16xi32>], vector<16xf32>,
    %broadcast_in_dim3A_20 = arith.constant 1 : i32
    %broadcast_in_dim3A_21 = vector.broadcast %broadcast_in_dim3A_20 : i32 to vector<16xi32>
    %broadcast_in_dim3A_22 = arith.constant 0 : i32
    %broadcast_in_dim3A_23 = vector.broadcast %broadcast_in_dim3A_22 : i32 to vector<16xi32>
    %scan3A = arith.constant 0 : i32
    %scan3A_24 = arith.constant 16 : i32
    %scan3A_25 = arith.addi %scan3A, %scan3A_24 : i32
    %scan3A_26 = arith.constant 1 : i32
    scf.for %scan3A_43 = %scan3A to %scan3A_25 step %scan3A_26  : i32 {
      %mul3A_44 = arith.constant 2 : i32
      %mul3A_45 = arith.muli %mul3A_44, %scan3A_43 : i32
      %add3A_46 = arith.constant 0 : i32
      %add3A_47 = arith.addi %mul3A_45, %add3A_46 : i32
      %dma_wait3A_48 = arith.constant 0 : i32
      %dma_wait3A_49 = tpu.memref_slice %arg2[%dma_wait3A_48] : memref<16777216xf32, #tpu.memory_space<hbm>> -> memref<16384xf32, #tpu.memory_space<hbm>>
      %dma_wait3A_50 = arith.constant 0 : i32
      %dma_wait3A_51 = tpu.memref_slice %arg2[%dma_wait3A_50] : memref<16777216xf32, #tpu.memory_space<hbm>> -> memref<16384xf32, #tpu.memory_space<hbm>>
      tpu.wait_dma2 semaphore(%arg15 : memref<!tpu.dma_semaphore, #tpu.memory_space<semaphore_mem>>) src(%dma_wait3A_51 : memref<16384xf32, #tpu.memory_space<hbm>>) dst(%arg7 : memref<16384xf32, #tpu.memory_space<vmem>>)
      %ge3A = arith.constant 2 : i32
      %ge3A_52 = arith.cmpi sge, %add3A_47, %ge3A : i32
      %convert_element_type3A = arith.extui %ge3A_52 : i1 to i32
      %cond3A = arith.constant 0 : i32
      %cond3A_53 = arith.cmpi ne, %convert_element_type3A, %cond3A : i32
      scf.if %cond3A_53 {
        %dma_wait3A_105 = arith.constant 0 : i32
        %dma_wait3A_106 = tpu.memref_slice %arg5[%dma_wait3A_105] : memref<16777216xf32, #tpu.memory_space<hbm>> -> memref<16384xf32, #tpu.memory_space<hbm>>
        %dma_wait3A_107 = arith.constant 0 : i32
        %dma_wait3A_108 = tpu.memref_slice %arg5[%dma_wait3A_107] : memref<16777216xf32, #tpu.memory_space<hbm>> -> memref<16384xf32, #tpu.memory_space<hbm>>
        tpu.wait_dma2 semaphore(%arg17 : memref<!tpu.dma_semaphore, #tpu.memory_space<semaphore_mem>>) src(%arg9 : memref<16384xf32, #tpu.memory_space<vmem>>) dst(%dma_wait3A_108 : memref<16384xf32, #tpu.memory_space<hbm>>)
        %dma_wait3A_109 = arith.constant 0 : i32
        %dma_wait3A_110 = tpu.memref_slice %arg6[%dma_wait3A_109] : memref<16777216xi32, #tpu.memory_space<hbm>> -> memref<16384xi32, #tpu.memory_space<hbm>>
        %dma_wait3A_111 = arith.constant 0 : i32
        %dma_wait3A_112 = tpu.memref_slice %arg6[%dma_wait3A_111] : memref<16777216xi32, #tpu.memory_space<hbm>> -> memref<16384xi32, #tpu.memory_space<hbm>>
        tpu.wait_dma2 semaphore(%arg19 : memref<!tpu.dma_semaphore, #tpu.memory_space<semaphore_mem>>) src(%arg11 : memref<16384xi32, #tpu.memory_space<vmem>>) dst(%dma_wait3A_112 : memref<16384xi32, #tpu.memory_space<hbm>>)
      } else {
      }
      %parallel_loop3A = arith.constant 0 : i32
      %parallel_loop3A_54 = arith.constant 1024 : i32
      %parallel_loop3A_55 = arith.constant 1 : i32
      scf.for %parallel_loop3A_105 = %parallel_loop3A to %parallel_loop3A_54 step %parallel_loop3A_55  : i32 {
        %parallel_loop3A_106 = arith.constant 16 : i32
        %parallel_loop3A_107 = arith.muli %parallel_loop3A_105, %parallel_loop3A_106 : i32
        %parallel_loop3A_108 = arith.index_cast %parallel_loop3A_107 : i32 to index
        %parallel_loop3A_109 = tpu.vector_load %arg7[%parallel_loop3A_108] {strides = array<i32>} : memref<16384xf32, #tpu.memory_space<vmem>>, vector<16xf32>,
        %parallel_loop3A_110 = arith.mulf %parallel_loop3A_109, %gather3A_16 : vector<16xf32>
        %parallel_loop3A_111 = arith.addf %parallel_loop3A_110, %gather3A_19 : vector<16xf32>
        %parallel_loop3A_112 = arith.fptosi %parallel_loop3A_111 : vector<16xf32> to vector<16xi32>
        %parallel_loop3A_113 = arith.constant 0 : i32
        %parallel_loop3A_114 = arith.constant 15 : i32
        %parallel_loop3A_115 = vector.broadcast %parallel_loop3A_113 : i32 to vector<16xi32>
        %parallel_loop3A_116 = arith.maxsi %parallel_loop3A_115, %parallel_loop3A_112 : vector<16xi32>
        %parallel_loop3A_117 = vector.broadcast %parallel_loop3A_114 : i32 to vector<16xi32>
        %parallel_loop3A_118 = arith.minsi %parallel_loop3A_117, %parallel_loop3A_116 : vector<16xi32>
        %parallel_loop3A_119 = tpu.vector_load_idx %arg14[%parallel_loop3A_118] : memref<16xf32, #tpu.memory_space<vmem>>[vector<16xi32>], vector<16xf32>,
        %parallel_loop3A_120 = arith.mulf %parallel_loop3A_109, %gather3A : vector<16xf32>
        %parallel_loop3A_121 = arith.addf %parallel_loop3A_120, %gather3A_13 : vector<16xf32>
        %parallel_loop3A_122 = arith.mulf %parallel_loop3A_119, %parallel_loop3A_121 : vector<16xf32>
        %parallel_loop3A_123 = arith.constant 16 : i32
        %parallel_loop3A_124 = arith.muli %parallel_loop3A_105, %parallel_loop3A_123 : i32
        %parallel_loop3A_125 = arith.index_cast %parallel_loop3A_124 : i32 to index
        %parallel_loop3A_126 = tpu.vector_load %arg9[%parallel_loop3A_125] {strides = array<i32>} : memref<16384xf32, #tpu.memory_space<vmem>>, vector<16xf32>,
        tpu.vector_store %arg9[%parallel_loop3A_125], %parallel_loop3A_122 {strides = array<i32>} : memref<16384xf32, #tpu.memory_space<vmem>>, vector<16xf32>,
        %parallel_loop3A_127 = arith.constant 1.000000e+00 : f32
        %parallel_loop3A_128 = vector.broadcast %parallel_loop3A_127 : f32 to vector<16xf32>
        %parallel_loop3A_129 = arith.cmpf olt, %parallel_loop3A_111, %parallel_loop3A_128 : vector<16xf32>
        %parallel_loop3A_130 = arith.constant 1.500000e+01 : f32
        %parallel_loop3A_131 = vector.broadcast %parallel_loop3A_130 : f32 to vector<16xf32>
        %parallel_loop3A_132 = arith.cmpf oge, %parallel_loop3A_111, %parallel_loop3A_131 : vector<16xf32>
        %parallel_loop3A_133 = arith.ori %parallel_loop3A_129, %parallel_loop3A_132 : vector<16xi1>
        %parallel_loop3A_134 = arith.select %parallel_loop3A_133, %broadcast_in_dim3A_21, %broadcast_in_dim3A_23 : vector<16xi1>, vector<16xi32>
        %parallel_loop3A_135 = arith.constant 16 : i32
        %parallel_loop3A_136 = arith.muli %parallel_loop3A_105, %parallel_loop3A_135 : i32
        %parallel_loop3A_137 = arith.index_cast %parallel_loop3A_136 : i32 to index
        %parallel_loop3A_138 = tpu.vector_load %arg11[%parallel_loop3A_137] {strides = array<i32>} : memref<16384xi32, #tpu.memory_space<vmem>>, vector<16xi32>,
        tpu.vector_store %arg11[%parallel_loop3A_137], %parallel_loop3A_134 {strides = array<i32>} : memref<16384xi32, #tpu.memory_space<vmem>>, vector<16xi32>,
      } {sc.loop_unroll_factor = 8 : i64, sc.parallel_access}
      %mul3A_56 = arith.constant 16384 : i32
      %mul3A_57 = arith.muli %add3A_47, %mul3A_56 : i32
      %add3A_58 = arith.addi %mul3A_2, %mul3A_57 : i32
      %dma_start3A_59 = tpu.memref_slice %arg5[%add3A_58] : memref<16777216xf32, #tpu.memory_space<hbm>> -> memref<16384xf32, #tpu.memory_space<hbm>>
      %dma_start3A_60 = tpu.memref_slice %arg5[%add3A_58] : memref<16777216xf32, #tpu.memory_space<hbm>> -> memref<16384xf32, #tpu.memory_space<hbm>>
      tpu.enqueue_dma source(%arg9 : memref<16384xf32, #tpu.memory_space<vmem>>) target(%dma_start3A_60 : memref<16384xf32, #tpu.memory_space<hbm>>) target_semaphore(%arg17 : memref<!tpu.dma_semaphore, #tpu.memory_space<semaphore_mem>>)
      %mul3A_61 = arith.constant 16384 : i32
      %mul3A_62 = arith.muli %add3A_47, %mul3A_61 : i32
      %add3A_63 = arith.addi %mul3A_2, %mul3A_62 : i32
      %dma_start3A_64 = tpu.memref_slice %arg6[%add3A_63] : memref<16777216xi32, #tpu.memory_space<hbm>> -> memref<16384xi32, #tpu.memory_space<hbm>>
      %dma_start3A_65 = tpu.memref_slice %arg6[%add3A_63] : memref<16777216xi32, #tpu.memory_space<hbm>> -> memref<16384xi32, #tpu.memory_space<hbm>>
      tpu.enqueue_dma source(%arg11 : memref<16384xi32, #tpu.memory_space<vmem>>) target(%dma_start3A_65 : memref<16384xi32, #tpu.memory_space<hbm>>) target_semaphore(%arg19 : memref<!tpu.dma_semaphore, #tpu.memory_space<semaphore_mem>>)
      %add3A_66 = arith.constant 2 : i32
      %add3A_67 = arith.addi %add3A_47, %add3A_66 : i32
      %lt3A = arith.constant 32 : i32
      %lt3A_68 = arith.cmpi slt, %add3A_67, %lt3A : i32
      %convert_element_type3A_69 = arith.extui %lt3A_68 : i1 to i32
      %cond3A_70 = arith.constant 0 : i32
      %cond3A_71 = arith.cmpi ne, %convert_element_type3A_69, %cond3A_70 : i32
      scf.if %cond3A_71 {
        %add3A_105 = arith.constant 2 : i32
        %add3A_106 = arith.addi %add3A_47, %add3A_105 : i32
        %mul3A_107 = arith.constant 16384 : i32
        %mul3A_108 = arith.muli %add3A_106, %mul3A_107 : i32
        %add3A_109 = arith.addi %mul3A_2, %mul3A_108 : i32
        %dma_start3A_110 = tpu.memref_slice %arg2[%add3A_109] : memref<16777216xf32, #tpu.memory_space<hbm>> -> memref<16384xf32, #tpu.memory_space<hbm>>
        %dma_start3A_111 = tpu.memref_slice %arg2[%add3A_109] : memref<16777216xf32, #tpu.memory_space<hbm>> -> memref<16384xf32, #tpu.memory_space<hbm>>
        tpu.enqueue_dma source(%dma_start3A_111 : memref<16384xf32, #tpu.memory_space<hbm>>) target(%arg7 : memref<16384xf32, #tpu.memory_space<vmem>>) target_semaphore(%arg15 : memref<!tpu.dma_semaphore, #tpu.memory_space<semaphore_mem>>)
      } else {
      }
      %mul3A_72 = arith.constant 2 : i32
      %mul3A_73 = arith.muli %mul3A_72, %scan3A_43 : i32
      %add3A_74 = arith.constant 1 : i32
      %add3A_75 = arith.addi %mul3A_73, %add3A_74 : i32
      %dma_wait3A_76 = arith.constant 0 : i32
      %dma_wait3A_77 = tpu.memref_slice %arg2[%dma_wait3A_76] : memref<16777216xf32, #tpu.memory_space<hbm>> -> memref<16384xf32, #tpu.memory_space<hbm>>
      %dma_wait3A_78 = arith.constant 0 : i32
      %dma_wait3A_79 = tpu.memref_slice %arg2[%dma_wait3A_78] : memref<16777216xf32, #tpu.memory_space<hbm>> -> memref<16384xf32, #tpu.memory_space<hbm>>
      tpu.wait_dma2 semaphore(%arg16 : memref<!tpu.dma_semaphore, #tpu.memory_space<semaphore_mem>>) src(%dma_wait3A_79 : memref<16384xf32, #tpu.memory_space<hbm>>) dst(%arg8 : memref<16384xf32, #tpu.memory_space<vmem>>)
      %ge3A_80 = arith.constant 2 : i32
      %ge3A_81 = arith.cmpi sge, %add3A_75, %ge3A_80 : i32
      %convert_element_type3A_82 = arith.extui %ge3A_81 : i1 to i32
      %cond3A_83 = arith.constant 0 : i32
      %cond3A_84 = arith.cmpi ne, %convert_element_type3A_82, %cond3A_83 : i32
      scf.if %cond3A_84 {
        %dma_wait3A_105 = arith.constant 0 : i32
        %dma_wait3A_106 = tpu.memref_slice %arg5[%dma_wait3A_105] : memref<16777216xf32, #tpu.memory_space<hbm>> -> memref<16384xf32, #tpu.memory_space<hbm>>
        %dma_wait3A_107 = arith.constant 0 : i32
        %dma_wait3A_108 = tpu.memref_slice %arg5[%dma_wait3A_107] : memref<16777216xf32, #tpu.memory_space<hbm>> -> memref<16384xf32, #tpu.memory_space<hbm>>
        tpu.wait_dma2 semaphore(%arg18 : memref<!tpu.dma_semaphore, #tpu.memory_space<semaphore_mem>>) src(%arg10 : memref<16384xf32, #tpu.memory_space<vmem>>) dst(%dma_wait3A_108 : memref<16384xf32, #tpu.memory_space<hbm>>)
        %dma_wait3A_109 = arith.constant 0 : i32
        %dma_wait3A_110 = tpu.memref_slice %arg6[%dma_wait3A_109] : memref<16777216xi32, #tpu.memory_space<hbm>> -> memref<16384xi32, #tpu.memory_space<hbm>>
        %dma_wait3A_111 = arith.constant 0 : i32
        %dma_wait3A_112 = tpu.memref_slice %arg6[%dma_wait3A_111] : memref<16777216xi32, #tpu.memory_space<hbm>> -> memref<16384xi32, #tpu.memory_space<hbm>>
        tpu.wait_dma2 semaphore(%arg20 : memref<!tpu.dma_semaphore, #tpu.memory_space<semaphore_mem>>) src(%arg12 : memref<16384xi32, #tpu.memory_space<vmem>>) dst(%dma_wait3A_112 : memref<16384xi32, #tpu.memory_space<hbm>>)
      } else {
      }
      %parallel_loop3A_85 = arith.constant 0 : i32
      %parallel_loop3A_86 = arith.constant 1024 : i32
      %parallel_loop3A_87 = arith.constant 1 : i32
      scf.for %parallel_loop3A_105 = %parallel_loop3A_85 to %parallel_loop3A_86 step %parallel_loop3A_87  : i32 {
        %parallel_loop3A_106 = arith.constant 16 : i32
        %parallel_loop3A_107 = arith.muli %parallel_loop3A_105, %parallel_loop3A_106 : i32
        %parallel_loop3A_108 = arith.index_cast %parallel_loop3A_107 : i32 to index
        %parallel_loop3A_109 = tpu.vector_load %arg8[%parallel_loop3A_108] {strides = array<i32>} : memref<16384xf32, #tpu.memory_space<vmem>>, vector<16xf32>,
        %parallel_loop3A_110 = arith.mulf %parallel_loop3A_109, %gather3A_16 : vector<16xf32>
        %parallel_loop3A_111 = arith.addf %parallel_loop3A_110, %gather3A_19 : vector<16xf32>
        %parallel_loop3A_112 = arith.fptosi %parallel_loop3A_111 : vector<16xf32> to vector<16xi32>
        %parallel_loop3A_113 = arith.constant 0 : i32
        %parallel_loop3A_114 = arith.constant 15 : i32
        %parallel_loop3A_115 = vector.broadcast %parallel_loop3A_113 : i32 to vector<16xi32>
        %parallel_loop3A_116 = arith.maxsi %parallel_loop3A_115, %parallel_loop3A_112 : vector<16xi32>
        %parallel_loop3A_117 = vector.broadcast %parallel_loop3A_114 : i32 to vector<16xi32>
        %parallel_loop3A_118 = arith.minsi %parallel_loop3A_117, %parallel_loop3A_116 : vector<16xi32>
        %parallel_loop3A_119 = tpu.vector_load_idx %arg14[%parallel_loop3A_118] : memref<16xf32, #tpu.memory_space<vmem>>[vector<16xi32>], vector<16xf32>,
        %parallel_loop3A_120 = arith.mulf %parallel_loop3A_109, %gather3A : vector<16xf32>
        %parallel_loop3A_121 = arith.addf %parallel_loop3A_120, %gather3A_13 : vector<16xf32>
        %parallel_loop3A_122 = arith.mulf %parallel_loop3A_119, %parallel_loop3A_121 : vector<16xf32>
        %parallel_loop3A_123 = arith.constant 16 : i32
        %parallel_loop3A_124 = arith.muli %parallel_loop3A_105, %parallel_loop3A_123 : i32
        %parallel_loop3A_125 = arith.index_cast %parallel_loop3A_124 : i32 to index
        %parallel_loop3A_126 = tpu.vector_load %arg10[%parallel_loop3A_125] {strides = array<i32>} : memref<16384xf32, #tpu.memory_space<vmem>>, vector<16xf32>,
        tpu.vector_store %arg10[%parallel_loop3A_125], %parallel_loop3A_122 {strides = array<i32>} : memref<16384xf32, #tpu.memory_space<vmem>>, vector<16xf32>,
        %parallel_loop3A_127 = arith.constant 1.000000e+00 : f32
        %parallel_loop3A_128 = vector.broadcast %parallel_loop3A_127 : f32 to vector<16xf32>
        %parallel_loop3A_129 = arith.cmpf olt, %parallel_loop3A_111, %parallel_loop3A_128 : vector<16xf32>
        %parallel_loop3A_130 = arith.constant 1.500000e+01 : f32
        %parallel_loop3A_131 = vector.broadcast %parallel_loop3A_130 : f32 to vector<16xf32>
        %parallel_loop3A_132 = arith.cmpf oge, %parallel_loop3A_111, %parallel_loop3A_131 : vector<16xf32>
        %parallel_loop3A_133 = arith.ori %parallel_loop3A_129, %parallel_loop3A_132 : vector<16xi1>
        %parallel_loop3A_134 = arith.select %parallel_loop3A_133, %broadcast_in_dim3A_21, %broadcast_in_dim3A_23 : vector<16xi1>, vector<16xi32>
        %parallel_loop3A_135 = arith.constant 16 : i32
        %parallel_loop3A_136 = arith.muli %parallel_loop3A_105, %parallel_loop3A_135 : i32
        %parallel_loop3A_137 = arith.index_cast %parallel_loop3A_136 : i32 to index
        %parallel_loop3A_138 = tpu.vector_load %arg12[%parallel_loop3A_137] {strides = array<i32>} : memref<16384xi32, #tpu.memory_space<vmem>>, vector<16xi32>,
        tpu.vector_store %arg12[%parallel_loop3A_137], %parallel_loop3A_134 {strides = array<i32>} : memref<16384xi32, #tpu.memory_space<vmem>>, vector<16xi32>,
      } {sc.loop_unroll_factor = 8 : i64, sc.parallel_access}
      %mul3A_88 = arith.constant 16384 : i32
      %mul3A_89 = arith.muli %add3A_75, %mul3A_88 : i32
      %add3A_90 = arith.addi %mul3A_2, %mul3A_89 : i32
      %dma_start3A_91 = tpu.memref_slice %arg5[%add3A_90] : memref<16777216xf32, #tpu.memory_space<hbm>> -> memref<16384xf32, #tpu.memory_space<hbm>>
      %dma_start3A_92 = tpu.memref_slice %arg5[%add3A_90] : memref<16777216xf32, #tpu.memory_space<hbm>> -> memref<16384xf32, #tpu.memory_space<hbm>>
      tpu.enqueue_dma source(%arg10 : memref<16384xf32, #tpu.memory_space<vmem>>) target(%dma_start3A_92 : memref<16384xf32, #tpu.memory_space<hbm>>) target_semaphore(%arg18 : memref<!tpu.dma_semaphore, #tpu.memory_space<semaphore_mem>>)
      %mul3A_93 = arith.constant 16384 : i32
      %mul3A_94 = arith.muli %add3A_75, %mul3A_93 : i32
      %add3A_95 = arith.addi %mul3A_2, %mul3A_94 : i32
      %dma_start3A_96 = tpu.memref_slice %arg6[%add3A_95] : memref<16777216xi32, #tpu.memory_space<hbm>> -> memref<16384xi32, #tpu.memory_space<hbm>>
      %dma_start3A_97 = tpu.memref_slice %arg6[%add3A_95] : memref<16777216xi32, #tpu.memory_space<hbm>> -> memref<16384xi32, #tpu.memory_space<hbm>>
      tpu.enqueue_dma source(%arg12 : memref<16384xi32, #tpu.memory_space<vmem>>) target(%dma_start3A_97 : memref<16384xi32, #tpu.memory_space<hbm>>) target_semaphore(%arg20 : memref<!tpu.dma_semaphore, #tpu.memory_space<semaphore_mem>>)
      %add3A_98 = arith.constant 2 : i32
      %add3A_99 = arith.addi %add3A_75, %add3A_98 : i32
      %lt3A_100 = arith.constant 32 : i32
      %lt3A_101 = arith.cmpi slt, %add3A_99, %lt3A_100 : i32
      %convert_element_type3A_102 = arith.extui %lt3A_101 : i1 to i32
      %cond3A_103 = arith.constant 0 : i32
      %cond3A_104 = arith.cmpi ne, %convert_element_type3A_102, %cond3A_103 : i32
      scf.if %cond3A_104 {
        %add3A_105 = arith.constant 2 : i32
        %add3A_106 = arith.addi %add3A_75, %add3A_105 : i32
        %mul3A_107 = arith.constant 16384 : i32
        %mul3A_108 = arith.muli %add3A_106, %mul3A_107 : i32
        %add3A_109 = arith.addi %mul3A_2, %mul3A_108 : i32
        %dma_start3A_110 = tpu.memref_slice %arg2[%add3A_109] : memref<16777216xf32, #tpu.memory_space<hbm>> -> memref<16384xf32, #tpu.memory_space<hbm>>
        %dma_start3A_111 = tpu.memref_slice %arg2[%add3A_109] : memref<16777216xf32, #tpu.memory_space<hbm>> -> memref<16384xf32, #tpu.memory_space<hbm>>
        tpu.enqueue_dma source(%dma_start3A_111 : memref<16384xf32, #tpu.memory_space<hbm>>) target(%arg8 : memref<16384xf32, #tpu.memory_space<vmem>>) target_semaphore(%arg16 : memref<!tpu.dma_semaphore, #tpu.memory_space<semaphore_mem>>)
      } else {
      }
    }
    %scan3A_27 = arith.constant 16 : i32
    %dma_wait3A = arith.constant 0 : i32
    %dma_wait3A_28 = tpu.memref_slice %arg5[%dma_wait3A] : memref<16777216xf32, #tpu.memory_space<hbm>> -> memref<16384xf32, #tpu.memory_space<hbm>>
    %dma_wait3A_29 = arith.constant 0 : i32
    %dma_wait3A_30 = tpu.memref_slice %arg5[%dma_wait3A_29] : memref<16777216xf32, #tpu.memory_space<hbm>> -> memref<16384xf32, #tpu.memory_space<hbm>>
    tpu.wait_dma2 semaphore(%arg17 : memref<!tpu.dma_semaphore, #tpu.memory_space<semaphore_mem>>) src(%arg9 : memref<16384xf32, #tpu.memory_space<vmem>>) dst(%dma_wait3A_30 : memref<16384xf32, #tpu.memory_space<hbm>>)
    %dma_wait3A_31 = arith.constant 0 : i32
    %dma_wait3A_32 = tpu.memref_slice %arg6[%dma_wait3A_31] : memref<16777216xi32, #tpu.memory_space<hbm>> -> memref<16384xi32, #tpu.memory_space<hbm>>
    %dma_wait3A_33 = arith.constant 0 : i32
    %dma_wait3A_34 = tpu.memref_slice %arg6[%dma_wait3A_33] : memref<16777216xi32, #tpu.memory_space<hbm>> -> memref<16384xi32, #tpu.memory_space<hbm>>
    tpu.wait_dma2 semaphore(%arg19 : memref<!tpu.dma_semaphore, #tpu.memory_space<semaphore_mem>>) src(%arg11 : memref<16384xi32, #tpu.memory_space<vmem>>) dst(%dma_wait3A_34 : memref<16384xi32, #tpu.memory_space<hbm>>)
    %dma_wait3A_35 = arith.constant 0 : i32
    %dma_wait3A_36 = tpu.memref_slice %arg5[%dma_wait3A_35] : memref<16777216xf32, #tpu.memory_space<hbm>> -> memref<16384xf32, #tpu.memory_space<hbm>>
    %dma_wait3A_37 = arith.constant 0 : i32
    %dma_wait3A_38 = tpu.memref_slice %arg5[%dma_wait3A_37] : memref<16777216xf32, #tpu.memory_space<hbm>> -> memref<16384xf32, #tpu.memory_space<hbm>>
    tpu.wait_dma2 semaphore(%arg18 : memref<!tpu.dma_semaphore, #tpu.memory_space<semaphore_mem>>) src(%arg10 : memref<16384xf32, #tpu.memory_space<vmem>>) dst(%dma_wait3A_38 : memref<16384xf32, #tpu.memory_space<hbm>>)
    %dma_wait3A_39 = arith.constant 0 : i32
    %dma_wait3A_40 = tpu.memref_slice %arg6[%dma_wait3A_39] : memref<16777216xi32, #tpu.memory_space<hbm>> -> memref<16384xi32, #tpu.memory_space<hbm>>
    %dma_wait3A_41 = arith.constant 0 : i32
    %dma_wait3A_42 = tpu.memref_slice %arg6[%dma_wait3A_41] : memref<16777216xi32, #tpu.memory_space<hbm>> -> memref<16384xi32, #tpu.memory_space<hbm>>
    tpu.wait_dma2 semaphore(%arg20 : memref<!tpu.dma_semaphore, #tpu.memory_space<semaphore_mem>>) src(%arg12 : memref<16384xi32, #tpu.memory_space<vmem>>) dst(%dma_wait3A_42 : memref<16384xi32, #tpu.memory_space<hbm>>)
    return
  }
}

</mosaic_0001>

<sc_bundles>
// kernel: kernel.11.cloned.1.call-start
scs
__scs_entry_jumppad:
0x0: {  	(pc) =	sbr.rel $0x88, $3  }
0x1: {  	(tag) =	ssettag $0x0;
	lr =	simm.s32 $0x1  }
0x2: {  	[smem:$0x3FA0] =	sst lr;
	_ =	strace $0xD0000000  }
0x3: {  	_ = 	snop  }
0x4: {  	_ = 	snop  }
0x5: {  	_ = 	snop  }
0x6: {  	_ = 	snop  }
0x7: {  	_ = 	snop  }
__scs_overlays_trampoline_lowered:
0x8: {  	[smem:$0x3FAF] =	sst s0  }
0x9: {  	[smem:$0x3FB0] =	sst s1  }
0xa: {  	[smem:$0x3FB1] =	sst s2  }
0xb: {  	[smem:$0x3FB2] =	sst s3  }
0xc: {  	[smem:$0x3FB3] =	sst s4  }
0xd: {  	[smem:$0x3FB4] =	sst s5  }
0xe: {  	[smem:$0x3FB5] =	sst s6  }
0xf: {  	[smem:$0x3FB6] =	sst s7  }
0x10: {  	[smem:$0x3FB7] =	sst s8  }
0x11: {  	[smem:$0x3FB8] =	sst s9;
	s0 =	simm.s32 @!p0 $0x0  }
0x12: {  	s1 =	sld [smem:$0x3F9E];
	s0 =	simm.s32 @p0 $0x1  }
0x13: {  	[smem:$0x3FB9] =	sst s0;
	s0 =	simm.s32 @!p1 $0x0  }
0x14: {  	s2 =	sld [smem:$0x3F9D];
	s0 =	simm.s32 @p1 $0x1  }
0x15: {  	[smem:$0x3FBA] =	sst s0;
	s0 =	simm.s32 @!p2 $0x0  }
0x16: {  	s3 =	sld [smem:$0x3FDB];
	s0 =	simm.s32 @p2 $0x1  }
0x17: {  	s4 =	simm.s32 $0x1BF5;
	[smem:$0x3FBC] =	sst s0  }
0x18: {  	s0 =	sld [smem:$0x3F9F];
	_ =	swait.ge [sflag:s4], $0x0  }
0x19: {  	s7 =	sld [smem:$0x3FA0]  }
0x1a: {  	s8 =	sadd.s32 $0xFFFFE003, lr  }
0x1b: {  	s9 =	sadd.s32 $0xFFFFFEF7, lr;
	s5 =	simm.s32 $0xFFFFFFFF;
	p2 =	slt.u32 s8, $0xFFFFF086  }
0x1c: {  	p1 =	slt.u32 s9, $0xF7A;
	s5 =	simm.s32 @!p2 $0x0  }
0x1d: {  	s5 =	simm.s32 @p1 $0x1;
	p0 =	seq.s32 s7, s2  }
0x1e: {  	s7 =	smul.u32 @!p0 $0xF7A, s2;
	p2 =	seq.s32 @!p0 s5, $0x0  }
0x1f: {  	s9 =	smul.u32 $0xF7A, s1;
	s8 =	simm.s32 @!p0 $0x1BF5;
	p2 =	por !p2, p0  }
0x20: {  	[sflag:s8] =	ssyncset.s32 @!p0 $0xFFFFF086;
	s6 =	sadd.s32 @!p0 s3, s7;
	s7 =	simm.s32 @!p0 $0x108  }
0x21: {  	s3 =	sadd.s32 s3, s9;
	s6 =	sadd.s32 @!p0 $0x88, s6;
	s7 =	simm.s32 @p2 $0x1082  }
0x22: {  	[simem:s7], [sflag:s8] =	dma.local @!p0 [hbm:s6], $0xF7A  }
0x23: {  	s9 =	sor.u32 $0xD0000000, s2;
	s6 =	simm.s32 $0x108;
	_ =	swait.ge @!p0 [sflag:s8], $0x0  }
0x24: {  	s3 =	sadd.s32 $0x88, s3;
	s6 =	simm.s32 @!p1 $0x1082;
	[sflag:s4] =	ssyncset.s32 $0xFFFFF086  }
0x25: {  	[simem:s6], [sflag:s4] =	dma.local [hbm:s3], $0xF7A  }
0x26: {  	[smem:$0x3FA0] =	sst s1;
	(tag) =	ssettag s2;
	_ =	strace s9  }
0x27: {  	s1 =	sld [smem:$0x3FB0]  }
0x28: {  	s2 =	sld [smem:$0x3FB1]  }
0x29: {  	s4 =	sld [smem:$0x3FB3]  }
0x2a: {  	p0 =	seq.s32 s5, $0x0;
	s5 =	sld [smem:$0x3FB4]  }
0x2b: {  	s6 =	sld [smem:$0x3FB5]  }
0x2c: {  	s7 =	sld [smem:$0x3FB6]  }
0x2d: {  	s3 =	simm.s32 $0x108;
	s8 =	sld [smem:$0x3FB7]  }
0x2e: {  	s3 =	simm.s32 @!p0 $0x1082;
	s9 =	sld [smem:$0x3FB8]  }
0x2f: {  	lr =	sadd.s32 s0, s3;
	s0 =	sld [smem:$0x3FAF]  }
0x30: {  	s3 =	sld [smem:$0x3FB2]  }
0x31: {  	[smem:$0x3FBB] =	sst s10  }
0x32: {  	s10 =	sld [smem:$0x3FB9];
	_ =	sdelay $0x3  }
0x33: {  	p0 =	seq.s32 s10, $0x1;
	s10 =	sld [smem:$0x3FBB];
	_ =	sdelay $0x3  }
0x34: {  	[smem:$0x3FBB] =	sst s10  }
0x35: {  	s10 =	sld [smem:$0x3FBA];
	_ =	sdelay $0x3  }
0x36: {  	p1 =	seq.s32 s10, $0x1;
	s10 =	sld [smem:$0x3FBB];
	_ =	sdelay $0x3  }
0x37: {  	[smem:$0x3FBB] =	sst s10  }
0x38: {  	s10 =	sld [smem:$0x3FBC]  }
0x39: {  	_ = 	snop;
	(pc) =	sbr.ind lr, $3  }
0x3a: {  	_ = 	snop  }
0x3b: {  	_ = 	snop  }
0x3c: {  	p2 =	seq.s32 s10, $0x1;
	s10 =	sld [smem:$0x3FBB]  }
0x3d: {  	_ =	shalt  }
0x3e: {  	_ =	shalt  }
0x3f: {  	_ =	shalt  }
0x40: {  	_ =	shalt  }
0x41: {  	_ =	shalt  }
0x42: {  	_ =	shalt  }
0x43: {  	_ =	shalt  }
0x44: {  	_ =	shalt  }
0x45: {  	_ =	shalt  }
0x46: {  	_ =	shalt  }
0x47: {  	_ =	shalt  }
0x48: {  	_ =	shalt  }
0x49: {  	_ =	shalt  }
0x4a: {  	_ =	shalt  }
0x4b: {  	_ =	shalt  }
0x4c: {  	_ =	shalt  }
0x4d: {  	_ =	shalt  }
0x4e: {  	_ =	shalt  }
0x4f: {  	_ =	shalt  }
0x50: {  	_ =	shalt  }
0x51: {  	_ =	shalt  }
0x52: {  	_ =	shalt  }
0x53: {  	_ =	shalt  }
0x54: {  	_ =	shalt  }
0x55: {  	_ =	shalt  }
0x56: {  	_ =	shalt  }
0x57: {  	_ =	shalt  }
0x58: {  	_ =	shalt  }
0x59: {  	_ =	shalt  }
0x5a: {  	_ =	shalt  }
0x5b: {  	_ =	shalt  }
0x5c: {  	_ =	shalt  }
0x5d: {  	_ =	shalt  }
0x5e: {  	_ =	shalt  }
0x5f: {  	_ =	shalt  }
0x60: {  	_ =	shalt  }
0x61: {  	_ =	shalt  }
0x62: {  	_ =	shalt  }
0x63: {  	_ =	shalt  }
0x64: {  	_ =	shalt  }
0x65: {  	_ =	shalt  }
0x66: {  	_ =	shalt  }
0x67: {  	_ =	shalt  }
0x68: {  	_ =	shalt  }
0x69: {  	_ =	shalt  }
0x6a: {  	_ =	shalt  }
0x6b: {  	_ =	shalt  }
0x6c: {  	_ =	shalt  }
0x6d: {  	_ =	shalt  }
0x6e: {  	_ =	shalt  }
0x6f: {  	_ =	shalt  }
0x70: {  	_ =	shalt  }
0x71: {  	_ =	shalt  }
0x72: {  	_ =	shalt  }
0x73: {  	_ =	shalt  }
0x74: {  	_ =	shalt  }
0x75: {  	_ =	shalt  }
0x76: {  	_ =	shalt  }
0x77: {  	_ =	shalt  }
0x78: {  	_ =	shalt  }
0x79: {  	_ =	shalt  }
0x7a: {  	_ =	shalt  }
0x7b: {  	_ =	shalt  }
0x7c: {  	_ =	shalt  }
0x7d: {  	_ =	shalt  }
0x7e: {  	_ =	shalt  }
0x7f: {  	_ =	shalt  }
0x80: {  	_ =	shalt  }
0x81: {  	_ =	shalt  }
0x82: {  	_ =	shalt  }
0x83: {  	_ =	shalt  }
0x84: {  	_ =	shalt  }
0x85: {  	_ =	shalt  }
0x86: {  	_ =	shalt  }
0x87: {  	_ =	shalt  }
.Lfunc_end0:
.L_simem_size_0:
called_computation.2_lowered:
.L_overlay_start_0:
0x88: {  	s2 =	sld [smem:$0x3FD9]  }
0x89: {  	s3 =	sld [smem:$0x3FFE];
	_ =	sdelay $0x1  }
0x8a: {  	s1 =	srdreg.scid  }
0x8b: {  	s0 =	sand.u32 $0x1, s1  }
0x8c: {  	s14 =	sshll.u32 s0, $0xA;
	s2 =	sadd.s32 s3, s2  }
0x8d: {  	s2 =	sadd.s32 s2, s14  }
0x8e: {  	[smem:$0x3FC7] =	sst s2  }
0x8f: {  	_ = 	snop  }
0x90: {  	s2 =	sld [smem:$0x3FD0];
	_ =	sdelay $0x2  }
0x91: {  	s4 =	simm.s32 $0xA;
	s5 =	simm.s32 $0x10;
	s15 =	sld [smem:$0x3FC9]  }
0x92: {  	[smem:s5], [sflag:s4] =	dma.local [hbm:s2], $0x1  }
0x93: {  	_ =	swait.eq [sflag:s4], $0x1  }
0x94: {  	[sflag:s4] =	ssyncset.done $0x0  }
0x95: {  	s16 =	sld [smem:$0x10];
	[sflag:s4] =	ssyncadd.s32 $0xFFFFFFFF  }
0x96: {  	s17 =	sld [smem:$0x12];
	(tm) =	ssettm $0x1  }
0x97: {  	s18 =	sld [smem:$0x3FFB];
	_ =	sdelay $0x3  }
0x98: {  	_ =	strace s18  }
0x99: {  	s5 =	sld [smem:$0x3FFC];
	_ =	sdelay $0x3  }
0x9a: {  	_ =	strace s5  }
0x9b: {  	s5 =	sld [smem:$0x3FFD];
	_ =	sdelay $0x3  }
0x9c: {  	_ =	strace s5  }
0x9d: {  	_ =	strace $0x8FFFFFFF  }
0x9e: {  	s19 =	sld [smem:$0x3FDB];
	_ =	sdelay $0x1  }
0x9f: {  	s6 =	simm.s32 $_scs_section_size  }
0xa0: {  	s7 =	simm.s32 $_size__tile_overlayer_lowered;
	s8 =	simm.s32 $_tile_overlayer_lowered  }
0xa1: {  	s22 =	simm.s32 $0x1BFF;
	s21 =	sshll.u32 s8, $0x1;
	s5 =	sadd.s32 s6, s19  }
0xa2: {  	s9 =	simm.s32 $0x0;
	s20 =	sshll.u32 s7, $0x1;
	s7 =	sadd.s32 s21, s5  }
0xa3: {  	[timem:s9], [sflag:s22] =	dma.local [hbm:s7], s20  }
0xa4: {  	_ =	swait.ge [sflag:s22], s20  }
0xa5: {  	s6 =	ssub.s32 $0x0, s20;
	[sflag:s22] =	ssyncset.done $0x0  }
0xa6: {  	[sflag:s22] =	ssyncadd.s32 s6;
	_ =	sdelay $0x1  }
0xa7: {  	s23 =	simm.s32 $0x1B8B  }
0xa8: {  	_ =	swait.ge [sflag:s23], $0x1  }
0xa9: {  	[sflag:s23] =	ssyncset.done $0x0  }
0xaa: {  	s25 =	simm.s32 $0x1B8E;
	s24 =	sld [smem:$0x3FFE];
	[sflag:s23] =	ssyncadd.s32 $0xFFFFFFFF  }
0xab: {  	s26 =	simm.s32 $execute0_lowered;
	[smem:$0x3FD2] =	sst s25  }
0xac: {  	s7 =	sshll.u32 s26, $0x1;
	_ =	strace $0x8000004C;
	[dreg:$0x1] =	wrdreg $0xFFFFFFFF  }
0xad: {  	s28 =	simm.s32 $_size_execute0_lowered;
	s5 =	sadd.s32 s5, s7;
	[dreg:$0x0] =	wrdreg $0x0  }
0xae: {  	s7 =	sshll.u32 s28, $0x1;
	[dreg:$0x2] =	wrdreg s5  }
0xaf: {  	[dreg:$0x3] =	wrdreg s7  }
0xb0: {  	[dreg:$0x4] =	wrdreg $0xC0  }
0xb1: {  	_ =	task [dreg:s9], $0x5FFFF  }
0xb2: {  	[dreg:$0x1] =	wrdreg $0xFFFFFFFF  }
0xb3: {  	[dreg:$0x0] =	wrdreg $0x60  }
0xb4: {  	[dreg:$0x2] =	wrdreg s15  }
0xb5: {  	[dreg:$0x3] =	wrdreg s24  }
0xb6: {  	[dreg:$0x4] =	wrdreg s17  }
0xb7: {  	[dreg:$0x5] =	wrdreg s16  }
0xb8: {  	[dreg:$0x6] =	wrdreg $0x9  }
0xb9: {  	_ =	task.clear_ibuf [dreg:s9], $0x7FFFF;
	_ =	strace $0x9000004C  }
0xba: {  	s29 =	simm.s32 $0x9;
	_ =	strace $0x8000004E  }
0xbb: {  	_ =	swait.ge [sflag:s29], $0x1  }
0xbc: {  	[sflag:s29] =	ssyncadd.s32 $0xFFFFFFFF  }
0xbd: {  	_ =	strace $0x9000004E  }
0xbe: {  	_ =	sfence  }
0xbf: {  	s30 =	sld [smem:$0x0];
	_ =	sdelay $0x2  }
0xc0: {  	s31 =	sshll.u32 s1, $0xD;
	s1 =	sshrl.u32 s1, $0x2  }
0xc1: {  	s3 =	sand.u32 $0x4000, s31;
	s1 =	sadd.s32 s1, s30  }
0xc2: {  	s0 =	sor.u32 s3, s0;
	s1 =	sshll.u32 s1, $0x11  }
0xc3: {  	s0 =	sor.u32 s1, s0  }
0xc4: {  	s0 =	sadd.s32 $0x8F2B, s0  }
0xc5: {  	[sflag:s0] =	ssyncadd.remote.s32 $0x1  }
0xc6: {  	_ =	sfence.sel $0xFFFF  }
0xc7: {  	[dreg:$0x0] =	wrdreg $0xFFFFFFFF;
	(pc) =	sbr.abs _section_cstart, $3  }
0xc8: {  	[dreg:$0x1] =	wrdreg $0xFFFFFFFF  }
0xc9: {  	_ =	task.clear_ibuf [dreg:s9], $0x2FFFF;
	_ =	strace $0x9FFFFFFF  }
0xca: {  	(tm) =	ssettm $0x7FFFFFFF  }
0xcb: {  	_ =	shalt  }
tec
execute0_lowered:
.L_overlay_start_1:
0x0: {  	(tag) =	ssettag $0x1  }
0x1: {  	s1 =	rddreg [dreg:$0x0]  }
0x2: {  	s4 =	rddreg [dreg:$0x1];
	s0 =	srdreg.scid  }
0x3: {  	s3 =	stileid.u32;
	s5 =	rddreg [dreg:$0x3];
	s6 =	simm.s32 $0x0  }
0x4: {  	s14 =	simm.s32 $0x18000;
	s15 =	simm.s32 $0x7;
	s16 =	simm.s32 $0x18080  }
0x5: {  	s17 =	simm.s32 $0x4000;
	s18 =	simm.s32 $0x1;
	s19 =	simm.s32 $0x8000  }
0x6: {  	s20 =	simm.s32 $0x10000;
	s21 =	simm.s32 $0x2;
	s22 =	simm.s32 $0x4  }
0x7: {  	s23 =	simm.s32 $0x6;
	s24 =	simm.s32 $0xC000;
	s25 =	simm.s32 $0x14000  }
0x8: {  	s26 =	simm.s32 $0x3;
	s28 =	simm.s32 $0x5;
	s0 =	sand.u32 $0x1, s0  }
0x9: {  	s29 =	simm.s32 $0x0;
	s3 =	sshll.u32 s3, $0x13;
	s2 =	sshll.u32 s0, $0x17  }
.Ltmp0:
0xa: {  	[smem:$0x7FF] =	sst s6;
	s7 =	sor.u32 s3, s2;
	(pc) =	sbr.rel .LBB2_1-.Ltmp0, $4  }
0xb: {  	s9 =	sadd.s32 $0x200, s4;
	s0 =	ssub.s32 $0x2, s0;
	s2 =	sshrl.u32 s7, $0x3  }
0xc: {  	_ =	strace $0x8000004D;
	s31 =	sshrl.u32 s0, $0x1;
	s8 =	sadd.s32 s1, s2  }
0xd: {  	v0 =	vimm.s32 $0x2;
	v1 =	vimm.s32 $0x4;
	s0 =	ssub.s32 s0, s31;
	s11 =	sor.u32 $0x8000, s7;
	s2 =	sadd.s32 $0x800, s8  }
0xe: {  	v2 =	vimm.s32 $0x5;
	v3 =	vimm.s32 $0x6;
	v4 =	vimm.s32 $0x0;
	s12 =	sor.u32 $0xC000, s7;
	s13 =	smax.u32 s0, $0x1;
	[dreg:$0x5] =	wrdreg s2  }
.LBB2_12:
0xf: {  	_ =	swait.ge [sflag:s26], $0x4000  }
0x10: {  	[sflag:s26] =	ssyncset.done $0x0  }
0x11: {  	[sflag:s26] =	ssyncadd.s32 $0xFFFFC000  }
0x12: {  	_ =	swait.ge [sflag:s28], $0x4000  }
0x13: {  	[sflag:s28] =	ssyncset.done $0x0  }
0x14: {  	s29 =	sadd.s32 $0x1, s29;
	[sflag:s28] =	ssyncadd.s32 $0xFFFFC000  }
0x15: {  	p0 =	sne.s32 s29, s13;
	_ =	swait.ge [sflag:s22], $0x4000  }
.Ltmp1:
0x16: {  	[sflag:s22] =	ssyncset.done $0x0;
	(pc) =	sbr.rel @!p0 .LBB2_13-.Ltmp1, $4  }
0x17: {  	[sflag:s22] =	ssyncadd.s32 $0xFFFFC000  }
0x18: {  	_ =	swait.ge [sflag:s23], $0x4000  }
0x19: {  	[sflag:s23] =	ssyncset.done $0x0  }
0x1a: {  	[sflag:s23] =	ssyncadd.s32 $0xFFFFC000  }
.LBB2_1:
0x1b: {  	s0 =	rddreg [dreg:$0x1]  }
0x1c: {  	[tilespmem:s14], [sflag:$0x7] =	stream.linear.gather [hbm4b:s0+s6], $0x80, $0x38;
	[tilespmem:$0x18100] =	vst v63  }
0x1d: {  	_ =	swait.ge [sflag:s15], $0x80  }
0x1e: {  	[sflag:s15] =	ssyncset.done $0x0  }
0x1f: {  	[sflag:s15] =	ssyncadd.s32 $0xFFFFFF80  }
0x20: {  	s10 =	rddreg [dreg:$0x2]  }
0x21: {  	[tilespmem:s16], [sflag:$0x7] =	stream.linear.gather [hbm4b:s10+s6], $0x80, $0x38;
	[tilespmem:$0x18100] =	vst v63  }
0x22: {  	_ =	swait.ge [sflag:s15], $0x80  }
0x23: {  	[sflag:s15] =	ssyncset.done $0x0  }
0x24: {  	[sflag:s15] =	ssyncadd.s32 $0xFFFFFF80  }
0x25: {  	[tilespmem:s6], [sflag:$0x1] =	stream.linear.gather [hbm4b:s8+s6], $0x4000, $0x38;
	[tilespmem:$0x18100] =	vst v63  }
0x26: {  	s31 =	rddreg [dreg:$0x5]  }
0x27: {  	[tilespmem:s17], [sflag:$0x2] =	stream.linear.gather [hbm4b:s31+s6], $0x4000, $0x38;
	[tilespmem:$0x18100] =	vst v63  }
0x28: {  	v5 =	vld.idx.msk [tilespmem:v0+s14+$0x0], $0xffff  }
0x29: {  	v6 =	vld.idx.msk [tilespmem:v1+s14+$0x0], $0xffff  }
0x2a: {  	v7 =	vld.idx.msk [tilespmem:v2+s14+$0x0], $0xffff  }
0x2b: {  	s30 =	simm.s32 $0x0;
	v8 =	vld.idx.msk [tilespmem:v3+s14+$0x0], $0xffff  }
.LBB2_2:
0x2c: {  	_ =	swait.ge [sflag:s18], $0x4000  }
0x2d: {  	p0 =	seq.s32 s30, $0x0;
	[sflag:s18] =	ssyncset.done $0x0  }
0x2e: {  	s0 =	simm.s32 @!p0 $0x3;
	[sflag:s18] =	ssyncadd.s32 $0xFFFFC000  }
0x2f: {  	_ =	swait.ge @!p0 [sflag:s0], $0x4000  }
0x30: {  	[sflag:s0] =	ssyncset.done @!p0 $0x0  }
0x31: {  	[sflag:s0] =	ssyncadd.s32 @!p0 $0xFFFFC000;
	s0 =	simm.s32 @!p0 $0x5  }
0x32: {  	_ =	swait.ge @!p0 [sflag:s0], $0x4000  }
0x33: {  	[sflag:s0] =	ssyncset.done @!p0 $0x0  }
0x34: {  	s10 =	simm.s32 $0x40;
	[sflag:s0] =	ssyncadd.s32 @!p0 $0xFFFFC000  }
0x35: {  	v12 =	vld [tilespmem:s10+$0x30]  }
0x36: {  	v9 =	vld [tilespmem:s10+$0xFFFFFFD0]  }
0x37: {  	v10 =	vld [tilespmem:s10+$0xFFFFFFE0]  }
0x38: {  	v11 =	vld [tilespmem:s10+$0xFFFFFFF0]  }
0x39: {  	v13 =	vld [tilespmem:s10+$0x0]  }
0x3a: {  	v14 =	vld [tilespmem:s10+$0x10]  }
0x3b: {  	v18 =	vld [tilespmem:s10+$0xFFFFFFC0];
	v15 =	vmul.f32 v12, v7  }
0x3c: {  	v16 =	vmul.f32 v9, v7;
	v9 =	vmul.f32 v9, v5  }
0x3d: {  	v19 =	vmul.f32 v10, v7;
	v10 =	vmul.f32 v10, v5  }
0x3e: {  	v17 =	vld [tilespmem:s10+$0x20];
	v20 =	vmul.f32 v11, v7;
	v21 =	vmul.f32 v11, v5  }
0x3f: {  	v11 =	vmul.f32 v13, v7;
	v23 =	vmul.f32 v14, v7  }
0x40: {  	v26 =	vmul.f32 v18, v7;
	v12 =	vmul.f32 v12, v5;
	v15 =	vadd.f32 v15, v8  }
0x41: {  	v18 =	vmul.f32 v18, v5;
	v16 =	vadd.f32 v16, v8;
	v22 =	vadd.f32 v19, v8  }
0x42: {  	v13 =	vmul.f32 v13, v5;
	v20 =	vadd.f32 v20, v8;
	v25 =	vadd.f32 v11, v8  }
0x43: {  	v11 =	vmul.f32 v17, v7;
	v23 =	vadd.f32 v23, v8;
	v19 =	vtrunc.f32 v15  }
0x44: {  	v10 =	vadd.f32 v10, v6;
	v12 =	vadd.f32 v12, v6;
	v19 =	vcvt.f32.s32 v19  }
0x45: {  	v17 =	vmul.f32 v17, v5;
	v34 =	vadd.f32 v18, v6;
	v24 =	vtrunc.f32 v16  }
0x46: {  	v27 =	vtrunc.f32 v22;
	v28 =	vadd.f32 v11, v8;
	vm0 =	vgt.s32 v19, $0x0  }
0x47: {  	v56 =	vtrunc.f32 v20;
	v30 =	vtrunc.f32 v25;
	v11 =	vnsel vm0, $0x0, v19  }
0x48: {  	v31 =	vtrunc.f32 v23;
	vm7 =	vlt.f32 v16, $1.000000000e+00;
	v29 =	vmin.u32 v11, $0xF  }
0x49: {  	vm9 =	vge.f32 v16, $1.500000000e+01;
	vm10 =	vlt.f32 v22, $1.000000000e+00;
	vm11 =	vge.f32 v22, $1.500000000e+01  }
0x4a: {  	vm12 =	vlt.f32 v20, $1.000000000e+00;
	vm13 =	vge.f32 v20, $1.500000000e+01;
	v24 =	vcvt.f32.s32 v24  }
0x4b: {  	v57 =	vcvt.f32.s32 v30;
	v32 =	vtrunc.f32 v28;
	v19 =	vadd.f32 v26, v8  }
0x4c: {  	v58 =	vcvt.f32.s32 v31;
	vm2 =	vgt.s32 v24, $0x0;
	v59 =	vcvt.f32.s32 v32  }
0x4d: {  	vm5 =	vgt.s32 v57, $0x0;
	v11 =	vadd.f32 v9, v6;
	v9 =	vtrunc.f32 v19;
	v29 =	vld.idx.msk [tilespmem:v29+s16+$0x0], $0xffff  }
0x4e: {  	v26 =	vcvt.f32.s32 v56;
	v24 =	vnsel vm2, $0x0, v24;
	v33 =	vcvt.f32.s32 v9  }
0x4f: {  	vm2 =	vge.f32 v15, $1.500000000e+01;
	vm6 =	vgt.s32 v59, $0x0;
	v24 =	vmin.u32 v24, $0xF  }
0x50: {  	v9 =	vadd.f32 v21, v6;
	v21 =	vcvt.f32.s32 v27;
	vm1 =	vgt.s32 v33, $0x0  }
0x51: {  	vm0 =	vlt.f32 v19, $1.000000000e+00;
	v27 =	vnsel vm5, $0x0, v57;
	v60 =	vnsel vm1, $0x0, v33  }
0x52: {  	vm3 =	vgt.s32 v21, $0x0;
	v29 =	vmul.f32 v12, v29;
	v12 =	vmin.u32 v60, $0xF  }
0x53: {  	vm4 =	vgt.s32 v26, $0x0;
	v27 =	vmin.u32 v27, $0xF;
	v21 =	vnsel vm3, $0x0, v21  }
0x54: {  	v26 =	vnsel vm4, $0x0, v26;
	vm1 =	vgt.s32 v58, $0x0;
	v21 =	vmin.u32 v21, $0xF  }
0x55: {  	v26 =	vmin.u32 v26, $0xF;
	v30 =	vnsel vm1, $0x0, v58;
	vm1 =	vlt.f32 v15, $1.000000000e+00  }
0x56: {  	v15 =	vnsel vm6, $0x0, v59;
	vm6 =	vge.f32 v19, $1.500000000e+01;
	v19 =	vld.idx.msk [tilespmem:v24+s16+$0x0], $0xffff;
	v30 =	vmin.u32 v30, $0xF  }
0x57: {  	vm4 =	vge.f32 v25, $1.500000000e+01;
	vm5 =	vge.f32 v23, $1.500000000e+01;
	v62 =	vmin.u32 v15, $0xF;
	v63 =	vld.idx.msk [tilespmem:v12+s16+$0x0], $0xffff  }
0x58: {  	vm3 =	vlt.f32 v23, $1.000000000e+00;
	vm1 =	vmor vm1, vm2;
	v15 =	vmul.f32 v14, v5;
	v16 =	vld.idx.msk [tilespmem:v27+s16+$0x0], $0xffff  }
0x59: {  	v14 =	vadd.f32 v13, v6;
	vm2 =	vlt.f32 v25, $1.000000000e+00;
	v12 =	vadd.f32 v17, v6;
	v17 =	vld.idx.msk [tilespmem:v21+s16+$0x0], $0xffff  }
0x5a: {  	s0 =	simm.s32 $0x8040;
	vm8 =	vmor vm0, vm6;
	vm6 =	vmor vm7, vm9;
	v13 =	vadd.f32 v15, v6;
	v15 =	vld.idx.msk [tilespmem:v26+s16+$0x0], $0xffff  }
0x5b: {  	s4 =	simm.s32 $0x10040;
	vm0 =	vge.f32 v28, $1.500000000e+01;
	vm9 =	vmor vm10, vm11;
	v61 =	vsel vm1, $0x1, v4;
	[tilespmem:s0+$0x30] =	vst v29;
	v18 =	vld.idx.msk [tilespmem:v30+s16+$0x0], $0xffff  }
0x5c: {  	s31 =	sshll.u32 s30, $0xF;
	s3 =	simm.s32 $0x0;
	s2 =	simm.s32 $0xC0;
	vm7 =	vmor vm12, vm13;
	vm1 =	vlt.f32 v28, $1.000000000e+00;
	v20 =	vld.idx.msk [tilespmem:v62+s16+$0x0], $0xffff;
	[tilespmem:s4+$0x30] =	vst v61;
	v21 =	vmul.f32 v34, v63  }
.LBB2_3:
0x5d: {  	v22 =	vld [tilespmem:s2+$0x30];
	v11 =	vmul.f32 v11, v19;
	vm2 =	vmor vm2, vm4;
	vm3 =	vmor vm3, vm5  }
0x5e: {  	s3 =	sadd.s32 $0x8, s3;
	v10 =	vmul.f32 v10, v17;
	vm0 =	vmor vm1, vm0;
	v19 =	vld [tilespmem:s2+$0xFFFFFFD0];
	[tilespmem:s0+$0xFFFFFFC0] =	vst v21;
	v21 =	vsel vm8, $0x1, v4  }
0x5f: {  	v23 =	vsel vm9, $0x1, v4;
	p1 =	slt.u32 s3, $0x3F8;
	v9 =	vmul.f32 v9, v15;
	v17 =	vld [tilespmem:s2+$0xFFFFFFE0];
	[tilespmem:s4+$0xFFFFFFC0] =	vst v21;
	v21 =	vsel vm6, $0x1, v4  }
0x60: {  	v14 =	vmul.f32 v14, v16;
	v16 =	vsel vm2, $0x1, v4;
	v15 =	vld [tilespmem:s2+$0xFFFFFFF0];
	[tilespmem:s0+$0xFFFFFFD0] =	vst v11;
	v11 =	vsel vm7, $0x1, v4  }
0x61: {  	v13 =	vmul.f32 v13, v18;
	v18 =	vsel vm3, $0x1, v4;
	v24 =	vld [tilespmem:s2+$0x0];
	[tilespmem:s4+$0xFFFFFFD0] =	vst v21;
	v21 =	vsel vm0, $0x1, v4  }
0x62: {  	v25 =	vld [tilespmem:s2+$0x10];
	v26 =	vmul.f32 v22, v7;
	[tilespmem:s0+$0xFFFFFFE0] =	vst v10;
	v10 =	vmul.f32 v12, v20  }
0x63: {  	v12 =	vmul.f32 v19, v7;
	v19 =	vmul.f32 v19, v5;
	v20 =	vld [tilespmem:s2+$0x20];
	[tilespmem:s4+$0xFFFFFFE0] =	vst v23  }
0x64: {  	v23 =	vld [tilespmem:s2+$0xFFFFFFC0];
	v27 =	vmul.f32 v17, v7;
	v17 =	vmul.f32 v17, v5;
	v26 =	vadd.f32 v26, v8;
	[tilespmem:s0+$0xFFFFFFF0] =	vst v9  }
0x65: {  	v12 =	vadd.f32 v12, v8;
	v9 =	vmul.f32 v15, v7;
	v15 =	vmul.f32 v15, v5;
	[tilespmem:s4+$0xFFFFFFF0] =	vst v11  }
0x66: {  	v27 =	vadd.f32 v27, v8;
	v11 =	vmul.f32 v24, v7;
	v28 =	vtrunc.f32 v26;
	[tilespmem:s0+$0x0] =	vst v14  }
0x67: {  	v29 =	vadd.f32 v9, v8;
	v9 =	vmul.f32 v25, v7;
	v14 =	vcvt.f32.s32 v28;
	[tilespmem:s4+$0x0] =	vst v16  }
0x68: {  	v16 =	vtrunc.f32 v12;
	v28 =	vadd.f32 v11, v8;
	v11 =	vmul.f32 v20, v7;
	[tilespmem:s0+$0x10] =	vst v13  }
0x69: {  	v13 =	vmul.f32 v23, v7;
	v30 =	vadd.f32 v9, v8;
	vm0 =	vgt.s32 v14, $0x0;
	[tilespmem:s4+$0x10] =	vst v18  }
0x6a: {  	v18 =	vtrunc.f32 v27;
	v31 =	vadd.f32 v11, v8;
	v9 =	vnsel vm0, $0x0, v14;
	[tilespmem:s0+$0x20] =	vst v10  }
0x6b: {  	v14 =	vtrunc.f32 v29;
	v13 =	vadd.f32 v13, v8;
	v32 =	vmin.u32 v9, $0xF;
	[tilespmem:s4+$0x20] =	vst v21  }
0x6c: {  	v11 =	vadd.f32 v19, v6;
	v19 =	vtrunc.f32 v28;
	v21 =	vtrunc.f32 v30  }
0x6d: {  	v10 =	vadd.f32 v17, v6;
	v17 =	vtrunc.f32 v31;
	v9 =	vtrunc.f32 v13  }
0x6e: {  	v16 =	vcvt.f32.s32 v16;
	v33 =	vcvt.f32.s32 v9;
	v9 =	vadd.f32 v15, v6  }
0x6f: {  	v14 =	vcvt.f32.s32 v14;
	vm0 =	vlt.f32 v13, $1.000000000e+00;
	v15 =	vcvt.f32.s32 v18  }
0x70: {  	v18 =	vcvt.f32.s32 v19;
	v19 =	vcvt.f32.s32 v21;
	vm1 =	vgt.s32 v33, $0x0;
	v21 =	vld.idx.msk [tilespmem:v32+s16+$0x0], $0xffff  }
0x71: {  	vm2 =	vgt.s32 v16, $0x0;
	v17 =	vcvt.f32.s32 v17;
	vm3 =	vgt.s32 v15, $0x0  }
0x72: {  	v22 =	vmul.f32 v22, v5;
	vm4 =	vgt.s32 v14, $0x0;
	vm5 =	vgt.s32 v18, $0x0  }
0x73: {  	vm6 =	vgt.s32 v17, $0x0;
	v32 =	vnsel vm1, $0x0, v33;
	vm1 =	vgt.s32 v19, $0x0  }
0x74: {  	v22 =	vadd.f32 v22, v6;
	v16 =	vnsel vm2, $0x0, v16;
	v15 =	vnsel vm3, $0x0, v15  }
0x75: {  	v14 =	vnsel vm4, $0x0, v14;
	v18 =	vnsel vm5, $0x0, v18;
	v19 =	vnsel vm1, $0x0, v19  }
0x76: {  	vm2 =	vge.f32 v26, $1.500000000e+01;
	vm1 =	vlt.f32 v26, $1.000000000e+00;
	v21 =	vmul.f32 v22, v21  }
0x77: {  	s0 =	sadd.s32 $0x80, s0;
	v17 =	vnsel vm6, $0x0, v17;
	vm1 =	vmor vm1, vm2;
	v22 =	vmin.u32 v32, $0xF  }
0x78: {  	s4 =	sadd.s32 $0x80, s4;
	v16 =	vmin.u32 v16, $0xF;
	v15 =	vmin.u32 v15, $0xF;
	[tilespmem:s0+$0x30] =	vst v21;
	v21 =	vsel vm1, $0x1, v4  }
0x79: {  	v26 =	vmin.u32 v14, $0xF;
	v18 =	vmin.u32 v18, $0xF;
	v32 =	vmin.u32 v19, $0xF;
	[tilespmem:s4+$0x30] =	vst v21  }
0x7a: {  	v14 =	vmul.f32 v23, v5;
	v23 =	vmin.u32 v17, $0xF;
	v19 =	vmul.f32 v24, v5  }
0x7b: {  	vm6 =	vge.f32 v13, $1.500000000e+01;
	v13 =	vmul.f32 v25, v5;
	v17 =	vmul.f32 v20, v5  }
0x7c: {  	vm7 =	vlt.f32 v12, $1.000000000e+00;
	v21 =	vadd.f32 v14, v6;
	v14 =	vadd.f32 v19, v6;
	v20 =	vld.idx.msk [tilespmem:v22+s16+$0x0], $0xffff  }
0x7d: {  	vm9 =	vge.f32 v12, $1.500000000e+01;
	v13 =	vadd.f32 v13, v6;
	v12 =	vadd.f32 v17, v6;
	v19 =	vld.idx.msk [tilespmem:v16+s16+$0x0], $0xffff  }
.Ltmp2:
0x7e: {  	vm10 =	vlt.f32 v27, $1.000000000e+00;
	vm11 =	vge.f32 v27, $1.500000000e+01;
	vm12 =	vlt.f32 v29, $1.000000000e+00;
	v17 =	vld.idx.msk [tilespmem:v15+s16+$0x0], $0xffff;
	(pc) =	sbr.rel @p1 .LBB2_3-.Ltmp2, $4  }
0x7f: {  	vm13 =	vge.f32 v29, $1.500000000e+01;
	vm4 =	vge.f32 v28, $1.500000000e+01;
	vm2 =	vlt.f32 v28, $1.000000000e+00;
	v15 =	vld.idx.msk [tilespmem:v26+s16+$0x0], $0xffff  }
0x80: {  	vm3 =	vlt.f32 v30, $1.000000000e+00;
	vm5 =	vge.f32 v30, $1.500000000e+01;
	vm1 =	vlt.f32 v31, $1.000000000e+00;
	v16 =	vld.idx.msk [tilespmem:v18+s16+$0x0], $0xffff  }
0x81: {  	vm8 =	vmor vm0, vm6;
	vm6 =	vmor vm7, vm9;
	vm0 =	vge.f32 v31, $1.500000000e+01;
	v18 =	vld.idx.msk [tilespmem:v32+s16+$0x0], $0xffff  }
0x82: {  	s2 =	sadd.s32 $0x80, s2;
	vm9 =	vmor vm10, vm11;
	vm7 =	vmor vm12, vm13;
	v21 =	vmul.f32 v21, v20;
	v20 =	vld.idx.msk [tilespmem:v23+s16+$0x0], $0xffff  }
0x83: {  	_ = 	snop  }
0x84: {  	v11 =	vmul.f32 v11, v19;
	v62 =	vsel vm8, $0x1, v4;
	[tilespmem:s0+$0xFFFFFFC0] =	vst v21  }
0x85: {  	v10 =	vmul.f32 v10, v17;
	[tilespmem:s4+$0xFFFFFFC0] =	vst v62  }
0x86: {  	[tilespmem:s0+$0xFFFFFFD0] =	vst v11  }
0x87: {  	v63 =	vsel vm6, $0x1, v4;
	[tilespmem:s0+$0xFFFFFFE0] =	vst v10  }
0x88: {  	v9 =	vmul.f32 v9, v15;
	v11 =	vsel vm9, $0x1, v4;
	[tilespmem:s4+$0xFFFFFFD0] =	vst v63  }
0x89: {  	[tilespmem:s4+$0xFFFFFFE0] =	vst v11  }
0x8a: {  	v10 =	vsel vm7, $0x1, v4;
	v11 =	vmul.f32 v14, v16;
	[tilespmem:s0+$0xFFFFFFF0] =	vst v9  }
0x8b: {  	vm2 =	vmor vm2, vm4;
	[tilespmem:s4+$0xFFFFFFF0] =	vst v10  }
0x8c: {  	v9 =	vsel vm2, $0x1, v4;
	v10 =	vmul.f32 v13, v18;
	[tilespmem:s0+$0x0] =	vst v11  }
0x8d: {  	v11 =	vmul.f32 v12, v20;
	[tilespmem:s4+$0x0] =	vst v9  }
0x8e: {  	vm15 =	vmor vm3, vm5;
	[tilespmem:s0+$0x10] =	vst v10  }
0x8f: {  	vm0 =	vmor vm1, vm0;
	s3 =	sor.u32 s7, s31;
	p1 =	sne.s32 s30, $0xF;
	v9 =	vsel vm15, $0x1, v4;
	[tilespmem:s0+$0x20] =	vst v11  }
.Ltmp3:
0x90: {  	s3 =	sshrl.u32 s3, $0x3;
	v10 =	vsel vm0, $0x1, v4;
	[tilespmem:s4+$0x10] =	vst v9;
	(pc) =	sbr.rel @p1 .LBB2_6-.Ltmp3, $4  }
0x91: {  	s0 =	sadd.s32 s5, s3;
	[tilespmem:s4+$0x20] =	vst v10  }
0x92: {  	[hbm4b:s0+s6] =	stream.linear.scatter [tilespmem:s19], [sflag:$0x3], $0x4000, $0x38;
	[tilespmem:$0x18100] =	vst v63  }
0x93: {  	s10 =	sadd.s32 s9, s3  }
0x94: {  	[hbm4b:s10+s6] =	stream.linear.scatter [tilespmem:s20], [sflag:$0x5], $0x4000, $0x38;
	[tilespmem:$0x18100] =	vst v63  }
.Ltmp4:
0x95: {  	(pc) =	sbr.rel .LBB2_7-.Ltmp4, $4  }
0x96: {  	_ = 	snop  }
0x97: {  	_ =	swait.ge [sflag:s21], $0x4000  }
0x98: {  	[sflag:s21] =	ssyncset.done $0x0  }
0x99: {  	[sflag:s21] =	ssyncadd.s32 $0xFFFFC000  }
.LBB2_6:
0x9a: {  	s0 =	sadd.s32 s31, s11  }
0x9b: {  	s0 =	sshrl.u32 s0, $0x3  }
.Ltmp5:
0x9c: {  	s0 =	sadd.s32 s1, s0;
	(pc) =	sbr.rel @p0 .LBB2_8-.Ltmp5, $4  }
0x9d: {  	[tilespmem:s6], [sflag:$0x1] =	stream.linear.gather [hbm4b:s0+s6], $0x4000, $0x38;
	[tilespmem:$0x18100] =	vst v63  }
0x9e: {  	_ =	swait.ge [sflag:s21], $0x4000  }
0x9f: {  	[sflag:s21] =	ssyncset.done $0x0  }
0xa0: {  	[sflag:s21] =	ssyncadd.s32 $0xFFFFC000  }
.LBB2_7:
0xa1: {  	_ =	swait.ge [sflag:s22], $0x4000  }
0xa2: {  	[sflag:s22] =	ssyncset.done $0x0  }
0xa3: {  	[sflag:s22] =	ssyncadd.s32 $0xFFFFC000  }
0xa4: {  	_ =	swait.ge [sflag:s23], $0x4000  }
0xa5: {  	[sflag:s23] =	ssyncset.done $0x0  }
0xa6: {  	[sflag:s23] =	ssyncadd.s32 $0xFFFFC000  }
.LBB2_8:
0xa7: {  	s0 =	simm.s32 $0x4040  }
0xa8: {  	v12 =	vld [tilespmem:s0+$0x30]  }
0xa9: {  	v9 =	vld [tilespmem:s0+$0xFFFFFFD0]  }
0xaa: {  	v10 =	vld [tilespmem:s0+$0xFFFFFFE0]  }
0xab: {  	v11 =	vld [tilespmem:s0+$0xFFFFFFF0]  }
0xac: {  	v13 =	vld [tilespmem:s0+$0x0]  }
0xad: {  	v14 =	vld [tilespmem:s0+$0x10]  }
0xae: {  	v18 =	vld [tilespmem:s0+$0xFFFFFFC0];
	v15 =	vmul.f32 v12, v7  }
0xaf: {  	v16 =	vmul.f32 v9, v7;
	v9 =	vmul.f32 v9, v5  }
0xb0: {  	v19 =	vmul.f32 v10, v7;
	v10 =	vmul.f32 v10, v5  }
0xb1: {  	v17 =	vld [tilespmem:s0+$0x20];
	v20 =	vmul.f32 v11, v7;
	v21 =	vmul.f32 v11, v5  }
0xb2: {  	v11 =	vmul.f32 v13, v7;
	v23 =	vmul.f32 v14, v7  }
0xb3: {  	v26 =	vmul.f32 v18, v7;
	v12 =	vmul.f32 v12, v5;
	v15 =	vadd.f32 v15, v8  }
0xb4: {  	v18 =	vmul.f32 v18, v5;
	v16 =	vadd.f32 v16, v8;
	v22 =	vadd.f32 v19, v8  }
0xb5: {  	v13 =	vmul.f32 v13, v5;
	v20 =	vadd.f32 v20, v8;
	v25 =	vadd.f32 v11, v8  }
0xb6: {  	v11 =	vmul.f32 v17, v7;
	v23 =	vadd.f32 v23, v8;
	v19 =	vtrunc.f32 v15  }
0xb7: {  	v10 =	vadd.f32 v10, v6;
	v12 =	vadd.f32 v12, v6;
	v19 =	vcvt.f32.s32 v19  }
0xb8: {  	v17 =	vmul.f32 v17, v5;
	v34 =	vadd.f32 v18, v6;
	v24 =	vtrunc.f32 v16  }
0xb9: {  	v27 =	vtrunc.f32 v22;
	v28 =	vadd.f32 v11, v8;
	vm0 =	vgt.s32 v19, $0x0  }
0xba: {  	v56 =	vtrunc.f32 v20;
	v30 =	vtrunc.f32 v25;
	v11 =	vnsel vm0, $0x0, v19  }
0xbb: {  	v31 =	vtrunc.f32 v23;
	vm7 =	vlt.f32 v16, $1.000000000e+00;
	v29 =	vmin.u32 v11, $0xF  }
0xbc: {  	vm8 =	vge.f32 v16, $1.500000000e+01;
	vm10 =	vlt.f32 v22, $1.000000000e+00;
	vm11 =	vge.f32 v22, $1.500000000e+01  }
0xbd: {  	vm12 =	vlt.f32 v20, $1.000000000e+00;
	vm13 =	vge.f32 v20, $1.500000000e+01;
	v24 =	vcvt.f32.s32 v24  }
0xbe: {  	v57 =	vcvt.f32.s32 v30;
	v32 =	vtrunc.f32 v28;
	v19 =	vadd.f32 v26, v8  }
0xbf: {  	v58 =	vcvt.f32.s32 v31;
	vm2 =	vgt.s32 v24, $0x0;
	v59 =	vcvt.f32.s32 v32  }
0xc0: {  	vm5 =	vgt.s32 v57, $0x0;
	v11 =	vadd.f32 v9, v6;
	v9 =	vtrunc.f32 v19;
	v29 =	vld.idx.msk [tilespmem:v29+s16+$0x0], $0xffff  }
0xc1: {  	v26 =	vcvt.f32.s32 v56;
	v24 =	vnsel vm2, $0x0, v24;
	v33 =	vcvt.f32.s32 v9  }
0xc2: {  	vm2 =	vge.f32 v15, $1.500000000e+01;
	vm6 =	vgt.s32 v59, $0x0;
	v24 =	vmin.u32 v24, $0xF  }
0xc3: {  	v9 =	vadd.f32 v21, v6;
	v21 =	vcvt.f32.s32 v27;
	vm1 =	vgt.s32 v33, $0x0  }
0xc4: {  	vm0 =	vlt.f32 v19, $1.000000000e+00;
	v27 =	vnsel vm5, $0x0, v57;
	v60 =	vnsel vm1, $0x0, v33  }
0xc5: {  	vm3 =	vgt.s32 v21, $0x0;
	v29 =	vmul.f32 v12, v29;
	v12 =	vmin.u32 v60, $0xF  }
0xc6: {  	vm4 =	vgt.s32 v26, $0x0;
	v27 =	vmin.u32 v27, $0xF;
	v21 =	vnsel vm3, $0x0, v21  }
0xc7: {  	v26 =	vnsel vm4, $0x0, v26;
	vm1 =	vgt.s32 v58, $0x0;
	v21 =	vmin.u32 v21, $0xF  }
0xc8: {  	v26 =	vmin.u32 v26, $0xF;
	v30 =	vnsel vm1, $0x0, v58;
	vm1 =	vlt.f32 v15, $1.000000000e+00  }
0xc9: {  	v15 =	vnsel vm6, $0x0, v59;
	vm6 =	vge.f32 v19, $1.500000000e+01;
	v19 =	vld.idx.msk [tilespmem:v24+s16+$0x0], $0xffff;
	v30 =	vmin.u32 v30, $0xF  }
0xca: {  	vm4 =	vlt.f32 v23, $1.000000000e+00;
	vm5 =	vge.f32 v23, $1.500000000e+01;
	v62 =	vmin.u32 v15, $0xF;
	v63 =	vld.idx.msk [tilespmem:v12+s16+$0x0], $0xffff  }
0xcb: {  	vm3 =	vge.f32 v25, $1.500000000e+01;
	vm1 =	vmor vm1, vm2;
	v15 =	vmul.f32 v14, v5;
	v16 =	vld.idx.msk [tilespmem:v27+s16+$0x0], $0xffff  }
0xcc: {  	v14 =	vadd.f32 v13, v6;
	vm2 =	vlt.f32 v25, $1.000000000e+00;
	v12 =	vadd.f32 v17, v6;
	v17 =	vld.idx.msk [tilespmem:v21+s16+$0x0], $0xffff  }
0xcd: {  	s0 =	simm.s32 $0xC040;
	vm9 =	vmor vm0, vm6;
	vm6 =	vmor vm7, vm8;
	v13 =	vadd.f32 v15, v6;
	v15 =	vld.idx.msk [tilespmem:v26+s16+$0x0], $0xffff  }
0xce: {  	s4 =	simm.s32 $0x14040;
	vm0 =	vge.f32 v28, $1.500000000e+01;
	vm8 =	vmor vm10, vm11;
	v61 =	vsel vm1, $0x1, v4;
	[tilespmem:s0+$0x30] =	vst v29;
	v18 =	vld.idx.msk [tilespmem:v30+s16+$0x0], $0xffff  }
0xcf: {  	s2 =	simm.s32 $0x0;
	s10 =	simm.s32 $0x40C0;
	vm7 =	vmor vm12, vm13;
	vm1 =	vlt.f32 v28, $1.000000000e+00;
	v20 =	vld.idx.msk [tilespmem:v62+s16+$0x0], $0xffff;
	[tilespmem:s4+$0x30] =	vst v61;
	v21 =	vmul.f32 v34, v63  }
.LBB2_9:
0xd0: {  	v22 =	vld [tilespmem:s10+$0x30];
	v11 =	vmul.f32 v11, v19;
	vm2 =	vmor vm2, vm3;
	vm3 =	vmor vm4, vm5  }
0xd1: {  	s2 =	sadd.s32 $0x8, s2;
	v10 =	vmul.f32 v10, v17;
	vm0 =	vmor vm1, vm0;
	v19 =	vld [tilespmem:s10+$0xFFFFFFD0];
	[tilespmem:s0+$0xFFFFFFC0] =	vst v21;
	v21 =	vsel vm9, $0x1, v4  }
0xd2: {  	v23 =	vsel vm8, $0x1, v4;
	p0 =	slt.u32 s2, $0x3F8;
	v9 =	vmul.f32 v9, v15;
	v17 =	vld [tilespmem:s10+$0xFFFFFFE0];
	[tilespmem:s4+$0xFFFFFFC0] =	vst v21;
	v21 =	vsel vm6, $0x1, v4  }
0xd3: {  	v14 =	vmul.f32 v14, v16;
	v16 =	vsel vm2, $0x1, v4;
	v15 =	vld [tilespmem:s10+$0xFFFFFFF0];
	[tilespmem:s0+$0xFFFFFFD0] =	vst v11;
	v11 =	vsel vm7, $0x1, v4  }
0xd4: {  	v13 =	vmul.f32 v13, v18;
	v18 =	vsel vm3, $0x1, v4;
	v24 =	vld [tilespmem:s10+$0x0];
	[tilespmem:s4+$0xFFFFFFD0] =	vst v21;
	v21 =	vsel vm0, $0x1, v4  }
0xd5: {  	v25 =	vld [tilespmem:s10+$0x10];
	v26 =	vmul.f32 v22, v7;
	[tilespmem:s0+$0xFFFFFFE0] =	vst v10;
	v10 =	vmul.f32 v12, v20  }
0xd6: {  	v12 =	vmul.f32 v19, v7;
	v19 =	vmul.f32 v19, v5;
	v20 =	vld [tilespmem:s10+$0x20];
	[tilespmem:s4+$0xFFFFFFE0] =	vst v23  }
0xd7: {  	v23 =	vld [tilespmem:s10+$0xFFFFFFC0];
	v27 =	vmul.f32 v17, v7;
	v17 =	vmul.f32 v17, v5;
	v26 =	vadd.f32 v26, v8;
	[tilespmem:s0+$0xFFFFFFF0] =	vst v9  }
0xd8: {  	v12 =	vadd.f32 v12, v8;
	v9 =	vmul.f32 v15, v7;
	v15 =	vmul.f32 v15, v5;
	[tilespmem:s4+$0xFFFFFFF0] =	vst v11  }
0xd9: {  	v27 =	vadd.f32 v27, v8;
	v11 =	vmul.f32 v24, v7;
	v28 =	vtrunc.f32 v26;
	[tilespmem:s0+$0x0] =	vst v14  }
0xda: {  	v29 =	vadd.f32 v9, v8;
	v9 =	vmul.f32 v25, v7;
	v14 =	vcvt.f32.s32 v28;
	[tilespmem:s4+$0x0] =	vst v16  }
0xdb: {  	v16 =	vtrunc.f32 v12;
	v28 =	vadd.f32 v11, v8;
	v11 =	vmul.f32 v20, v7;
	[tilespmem:s0+$0x10] =	vst v13  }
0xdc: {  	v13 =	vmul.f32 v23, v7;
	v30 =	vadd.f32 v9, v8;
	vm0 =	vgt.s32 v14, $0x0;
	[tilespmem:s4+$0x10] =	vst v18  }
0xdd: {  	v18 =	vtrunc.f32 v27;
	v31 =	vadd.f32 v11, v8;
	v9 =	vnsel vm0, $0x0, v14;
	[tilespmem:s0+$0x20] =	vst v10  }
0xde: {  	v14 =	vtrunc.f32 v29;
	v13 =	vadd.f32 v13, v8;
	v32 =	vmin.u32 v9, $0xF;
	[tilespmem:s4+$0x20] =	vst v21  }
0xdf: {  	v11 =	vadd.f32 v19, v6;
	v19 =	vtrunc.f32 v28;
	v21 =	vtrunc.f32 v30  }
0xe0: {  	v10 =	vadd.f32 v17, v6;
	v17 =	vtrunc.f32 v31;
	v9 =	vtrunc.f32 v13  }
0xe1: {  	v16 =	vcvt.f32.s32 v16;
	v33 =	vcvt.f32.s32 v9;
	v9 =	vadd.f32 v15, v6  }
0xe2: {  	v14 =	vcvt.f32.s32 v14;
	vm0 =	vlt.f32 v13, $1.000000000e+00;
	v15 =	vcvt.f32.s32 v18  }
0xe3: {  	v18 =	vcvt.f32.s32 v19;
	v19 =	vcvt.f32.s32 v21;
	vm1 =	vgt.s32 v33, $0x0;
	v21 =	vld.idx.msk [tilespmem:v32+s16+$0x0], $0xffff  }
0xe4: {  	vm2 =	vgt.s32 v16, $0x0;
	v17 =	vcvt.f32.s32 v17;
	vm3 =	vgt.s32 v15, $0x0  }
0xe5: {  	v22 =	vmul.f32 v22, v5;
	vm4 =	vgt.s32 v14, $0x0;
	vm5 =	vgt.s32 v18, $0x0  }
0xe6: {  	vm6 =	vgt.s32 v17, $0x0;
	v32 =	vnsel vm1, $0x0, v33;
	vm1 =	vgt.s32 v19, $0x0  }
0xe7: {  	v22 =	vadd.f32 v22, v6;
	v16 =	vnsel vm2, $0x0, v16;
	v15 =	vnsel vm3, $0x0, v15  }
0xe8: {  	v14 =	vnsel vm4, $0x0, v14;
	v18 =	vnsel vm5, $0x0, v18;
	v19 =	vnsel vm1, $0x0, v19  }
0xe9: {  	vm2 =	vge.f32 v26, $1.500000000e+01;
	vm1 =	vlt.f32 v26, $1.000000000e+00;
	v21 =	vmul.f32 v22, v21  }
0xea: {  	s0 =	sadd.s32 $0x80, s0;
	v17 =	vnsel vm6, $0x0, v17;
	vm1 =	vmor vm1, vm2;
	v22 =	vmin.u32 v32, $0xF  }
0xeb: {  	s4 =	sadd.s32 $0x80, s4;
	v16 =	vmin.u32 v16, $0xF;
	v15 =	vmin.u32 v15, $0xF;
	[tilespmem:s0+$0x30] =	vst v21;
	v21 =	vsel vm1, $0x1, v4  }
0xec: {  	v26 =	vmin.u32 v14, $0xF;
	v18 =	vmin.u32 v18, $0xF;
	v32 =	vmin.u32 v19, $0xF;
	[tilespmem:s4+$0x30] =	vst v21  }
0xed: {  	v14 =	vmul.f32 v23, v5;
	v23 =	vmin.u32 v17, $0xF;
	v19 =	vmul.f32 v24, v5  }
0xee: {  	vm6 =	vge.f32 v13, $1.500000000e+01;
	v13 =	vmul.f32 v25, v5;
	v17 =	vmul.f32 v20, v5  }
0xef: {  	vm7 =	vlt.f32 v12, $1.000000000e+00;
	v21 =	vadd.f32 v14, v6;
	v14 =	vadd.f32 v19, v6;
	v20 =	vld.idx.msk [tilespmem:v22+s16+$0x0], $0xffff  }
0xf0: {  	vm8 =	vge.f32 v12, $1.500000000e+01;
	v13 =	vadd.f32 v13, v6;
	v12 =	vadd.f32 v17, v6;
	v19 =	vld.idx.msk [tilespmem:v16+s16+$0x0], $0xffff  }
.Ltmp6:
0xf1: {  	vm10 =	vlt.f32 v27, $1.000000000e+00;
	vm11 =	vge.f32 v27, $1.500000000e+01;
	vm12 =	vlt.f32 v29, $1.000000000e+00;
	v17 =	vld.idx.msk [tilespmem:v15+s16+$0x0], $0xffff;
	(pc) =	sbr.rel @p0 .LBB2_9-.Ltmp6, $4  }
0xf2: {  	vm13 =	vge.f32 v29, $1.500000000e+01;
	vm3 =	vge.f32 v28, $1.500000000e+01;
	vm2 =	vlt.f32 v28, $1.000000000e+00;
	v15 =	vld.idx.msk [tilespmem:v26+s16+$0x0], $0xffff  }
0xf3: {  	vm4 =	vlt.f32 v30, $1.000000000e+00;
	vm5 =	vge.f32 v30, $1.500000000e+01;
	vm1 =	vlt.f32 v31, $1.000000000e+00;
	v16 =	vld.idx.msk [tilespmem:v18+s16+$0x0], $0xffff  }
0xf4: {  	vm9 =	vmor vm0, vm6;
	vm6 =	vmor vm7, vm8;
	vm0 =	vge.f32 v31, $1.500000000e+01;
	v18 =	vld.idx.msk [tilespmem:v32+s16+$0x0], $0xffff  }
0xf5: {  	s10 =	sadd.s32 $0x80, s10;
	vm8 =	vmor vm10, vm11;
	vm7 =	vmor vm12, vm13;
	v21 =	vmul.f32 v21, v20;
	v20 =	vld.idx.msk [tilespmem:v23+s16+$0x0], $0xffff  }
0xf6: {  	_ = 	snop  }
0xf7: {  	v11 =	vmul.f32 v11, v19;
	v62 =	vsel vm9, $0x1, v4;
	[tilespmem:s0+$0xFFFFFFC0] =	vst v21  }
0xf8: {  	v10 =	vmul.f32 v10, v17;
	[tilespmem:s4+$0xFFFFFFC0] =	vst v62  }
0xf9: {  	[tilespmem:s0+$0xFFFFFFD0] =	vst v11  }
0xfa: {  	v63 =	vsel vm6, $0x1, v4;
	[tilespmem:s0+$0xFFFFFFE0] =	vst v10  }
0xfb: {  	v9 =	vmul.f32 v9, v15;
	v11 =	vsel vm8, $0x1, v4;
	[tilespmem:s4+$0xFFFFFFD0] =	vst v63  }
0xfc: {  	[tilespmem:s4+$0xFFFFFFE0] =	vst v11  }
0xfd: {  	v10 =	vsel vm7, $0x1, v4;
	v11 =	vmul.f32 v14, v16;
	[tilespmem:s0+$0xFFFFFFF0] =	vst v9  }
0xfe: {  	vm2 =	vmor vm2, vm3;
	[tilespmem:s4+$0xFFFFFFF0] =	vst v10  }
0xff: {  	v9 =	vsel vm2, $0x1, v4;
	v10 =	vmul.f32 v13, v18;
	[tilespmem:s0+$0x0] =	vst v11  }
0x100: {  	vm15 =	vmor vm4, vm5;
	[tilespmem:s4+$0x0] =	vst v9  }
0x101: {  	v11 =	vmul.f32 v12, v20;
	v9 =	vsel vm15, $0x1, v4;
	[tilespmem:s0+$0x10] =	vst v10  }
0x102: {  	vm0 =	vmor vm1, vm0;
	p0 =	seq.s32 s30, $0xF;
	[tilespmem:s4+$0x10] =	vst v9  }
.Ltmp7:
0x103: {  	s10 =	sor.u32 $0x800, s3;
	v9 =	vsel vm0, $0x1, v4;
	[tilespmem:s0+$0x20] =	vst v11;
	(pc) =	sbr.rel @p0 .LBB2_12-.Ltmp7, $4  }
0x104: {  	s2 =	sadd.s32 s5, s10;
	[tilespmem:s4+$0x20] =	vst v9  }
0x105: {  	[hbm4b:s2+s6] =	stream.linear.scatter [tilespmem:s24], [sflag:$0x4], $0x4000, $0x38;
	[tilespmem:$0x18100] =	vst v63  }
0x106: {  	s0 =	sadd.s32 s9, s10  }
0x107: {  	[hbm4b:s0+s6] =	stream.linear.scatter [tilespmem:s25], [sflag:$0x6], $0x4000, $0x38;
	[tilespmem:$0x18100] =	vst v63  }
.Ltmp8:
0x108: {  	(pc) =	sbr.rel .LBB2_2-.Ltmp8, $4  }
0x109: {  	s0 =	sadd.s32 s31, s12  }
0x10a: {  	s0 =	sshrl.u32 s0, $0x3  }
0x10b: {  	s30 =	sadd.s32 $0x1, s30;
	s0 =	sadd.s32 s1, s0  }
0x10c: {  	[tilespmem:s17], [sflag:$0x2] =	stream.linear.gather [hbm4b:s0+s6], $0x4000, $0x38;
	[tilespmem:$0x18100] =	vst v63  }
.LBB2_13:
0x10d: {  	_ =	sfence.sel $0x180000  }
0x10e: {  	[bflag:$0x0] =	sbarrier.arrive $0xFFFF  }
0x10f: {  	_ =	strace $0x9000004D  }
0x110: {  	s0 =	stileid.u32;
	[bflag:$0x2] =	sbarrier.arrive $0xFFFF  }
0x111: {  	p0 =	sne.s32 s0, $0x0;
	s0 =	rddreg [dreg:$0x4]  }
0x112: {  	s0 =	sadd.s32 @!p0 $0x100000, s0  }
0x113: {  	[sflag:s0] =	ssyncadd.tile.s32 @!p0 $0x1;
	_ =	shalt  }
.Lfunc_end2:
_tile_overlayer_lowered:
.L_overlay_start_2:
0x114: {  	(tag) =	ssettag $0x2  }
0x115: {  	s0 =	rddreg [dreg:$0x0];
	s2 =	stileid.u32  }
0x116: {  	s1 =	rddreg [dreg:$0x1];
	p0 =	sne.s32 s2, $0x0  }
0x117: {  	s3 =	rddreg [dreg:$0x2];
	[bflag:$0x3] =	sbarrier.arrive $0xFFFF;
	s2 =	simm.s32 @!p0 $0x1C07  }
0x118: {  	[timem:s3], [sflag:s2] =	dma.local @!p0 [hbm:s0], s1  }
0x119: {  	s0 =	simm.s32 @!p0 $0x7  }
0x11a: {  	_ =	swait.ge @!p0 [sflag:s0], s1  }
0x11b: {  	s1 =	ssub.s32 @!p0 $0x0, s1;
	[sflag:s0] =	ssyncset.done @!p0 $0x0  }
0x11c: {  	[sflag:s0] =	ssyncadd.s32 @!p0 s1  }
0x11d: {  	[bflag:$0x3] =	sbarrier.arrive $0xFFFF  }
0x11e: {  	_ =	shalt  }

// kernel: kernel.5.cloned.1.call-start
scs
__scs_entry_jumppad:
0x0: {  	(pc) =	sbr.rel $0x88, $3  }
0x1: {  	(tag) =	ssettag $0x0;
	lr =	simm.s32 $0x1  }
0x2: {  	[smem:$0x3FA0] =	sst lr;
	_ =	strace $0xD0000000  }
0x3: {  	_ = 	snop  }
0x4: {  	_ = 	snop  }
0x5: {  	_ = 	snop  }
0x6: {  	_ = 	snop  }
0x7: {  	_ = 	snop  }
__scs_overlays_trampoline_lowered:
0x8: {  	[smem:$0x3FAF] =	sst s0  }
0x9: {  	[smem:$0x3FB0] =	sst s1  }
0xa: {  	[smem:$0x3FB1] =	sst s2  }
0xb: {  	[smem:$0x3FB2] =	sst s3  }
0xc: {  	[smem:$0x3FB3] =	sst s4  }
0xd: {  	[smem:$0x3FB4] =	sst s5  }
0xe: {  	[smem:$0x3FB5] =	sst s6  }
0xf: {  	[smem:$0x3FB6] =	sst s7  }
0x10: {  	[smem:$0x3FB7] =	sst s8  }
0x11: {  	[smem:$0x3FB8] =	sst s9;
	s0 =	simm.s32 @!p0 $0x0  }
0x12: {  	s1 =	sld [smem:$0x3F9E];
	s0 =	simm.s32 @p0 $0x1  }
0x13: {  	[smem:$0x3FB9] =	sst s0;
	s0 =	simm.s32 @!p1 $0x0  }
0x14: {  	s2 =	sld [smem:$0x3F9D];
	s0 =	simm.s32 @p1 $0x1  }
0x15: {  	[smem:$0x3FBA] =	sst s0;
	s0 =	simm.s32 @!p2 $0x0  }
0x16: {  	s3 =	sld [smem:$0x3FDB];
	s0 =	simm.s32 @p2 $0x1  }
0x17: {  	s4 =	simm.s32 $0x1BF5;
	[smem:$0x3FBC] =	sst s0  }
0x18: {  	s0 =	sld [smem:$0x3F9F];
	_ =	swait.ge [sflag:s4], $0x0  }
0x19: {  	s7 =	sld [smem:$0x3FA0]  }
0x1a: {  	s8 =	sadd.s32 $0xFFFFE003, lr  }
0x1b: {  	s9 =	sadd.s32 $0xFFFFFEF7, lr;
	s5 =	simm.s32 $0xFFFFFFFF;
	p2 =	slt.u32 s8, $0xFFFFF086  }
0x1c: {  	p1 =	slt.u32 s9, $0xF7A;
	s5 =	simm.s32 @!p2 $0x0  }
0x1d: {  	s5 =	simm.s32 @p1 $0x1;
	p0 =	seq.s32 s7, s2  }
0x1e: {  	s7 =	smul.u32 @!p0 $0xF7A, s2;
	p2 =	seq.s32 @!p0 s5, $0x0  }
0x1f: {  	s9 =	smul.u32 $0xF7A, s1;
	s8 =	simm.s32 @!p0 $0x1BF5;
	p2 =	por !p2, p0  }
0x20: {  	[sflag:s8] =	ssyncset.s32 @!p0 $0xFFFFF086;
	s6 =	sadd.s32 @!p0 s3, s7;
	s7 =	simm.s32 @!p0 $0x108  }
0x21: {  	s3 =	sadd.s32 s3, s9;
	s6 =	sadd.s32 @!p0 $0x88, s6;
	s7 =	simm.s32 @p2 $0x1082  }
0x22: {  	[simem:s7], [sflag:s8] =	dma.local @!p0 [hbm:s6], $0xF7A  }
0x23: {  	s9 =	sor.u32 $0xD0000000, s2;
	s6 =	simm.s32 $0x108;
	_ =	swait.ge @!p0 [sflag:s8], $0x0  }
0x24: {  	s3 =	sadd.s32 $0x88, s3;
	s6 =	simm.s32 @!p1 $0x1082;
	[sflag:s4] =	ssyncset.s32 $0xFFFFF086  }
0x25: {  	[simem:s6], [sflag:s4] =	dma.local [hbm:s3], $0xF7A  }
0x26: {  	[smem:$0x3FA0] =	sst s1;
	(tag) =	ssettag s2;
	_ =	strace s9  }
0x27: {  	s1 =	sld [smem:$0x3FB0]  }
0x28: {  	s2 =	sld [smem:$0x3FB1]  }
0x29: {  	s4 =	sld [smem:$0x3FB3]  }
0x2a: {  	p0 =	seq.s32 s5, $0x0;
	s5 =	sld [smem:$0x3FB4]  }
0x2b: {  	s6 =	sld [smem:$0x3FB5]  }
0x2c: {  	s7 =	sld [smem:$0x3FB6]  }
0x2d: {  	s3 =	simm.s32 $0x108;
	s8 =	sld [smem:$0x3FB7]  }
0x2e: {  	s3 =	simm.s32 @!p0 $0x1082;
	s9 =	sld [smem:$0x3FB8]  }
0x2f: {  	lr =	sadd.s32 s0, s3;
	s0 =	sld [smem:$0x3FAF]  }
0x30: {  	s3 =	sld [smem:$0x3FB2]  }
0x31: {  	[smem:$0x3FBB] =	sst s10  }
0x32: {  	s10 =	sld [smem:$0x3FB9];
	_ =	sdelay $0x3  }
0x33: {  	p0 =	seq.s32 s10, $0x1;
	s10 =	sld [smem:$0x3FBB];
	_ =	sdelay $0x3  }
0x34: {  	[smem:$0x3FBB] =	sst s10  }
0x35: {  	s10 =	sld [smem:$0x3FBA];
	_ =	sdelay $0x3  }
0x36: {  	p1 =	seq.s32 s10, $0x1;
	s10 =	sld [smem:$0x3FBB];
	_ =	sdelay $0x3  }
0x37: {  	[smem:$0x3FBB] =	sst s10  }
0x38: {  	s10 =	sld [smem:$0x3FBC]  }
0x39: {  	_ = 	snop;
	(pc) =	sbr.ind lr, $3  }
0x3a: {  	_ = 	snop  }
0x3b: {  	_ = 	snop  }
0x3c: {  	p2 =	seq.s32 s10, $0x1;
	s10 =	sld [smem:$0x3FBB]  }
0x3d: {  	_ =	shalt  }
0x3e: {  	_ =	shalt  }
0x3f: {  	_ =	shalt  }
0x40: {  	_ =	shalt  }
0x41: {  	_ =	shalt  }
0x42: {  	_ =	shalt  }
0x43: {  	_ =	shalt  }
0x44: {  	_ =	shalt  }
0x45: {  	_ =	shalt  }
0x46: {  	_ =	shalt  }
0x47: {  	_ =	shalt  }
0x48: {  	_ =	shalt  }
0x49: {  	_ =	shalt  }
0x4a: {  	_ =	shalt  }
0x4b: {  	_ =	shalt  }
0x4c: {  	_ =	shalt  }
0x4d: {  	_ =	shalt  }
0x4e: {  	_ =	shalt  }
0x4f: {  	_ =	shalt  }
0x50: {  	_ =	shalt  }
0x51: {  	_ =	shalt  }
0x52: {  	_ =	shalt  }
0x53: {  	_ =	shalt  }
0x54: {  	_ =	shalt  }
0x55: {  	_ =	shalt  }
0x56: {  	_ =	shalt  }
0x57: {  	_ =	shalt  }
0x58: {  	_ =	shalt  }
0x59: {  	_ =	shalt  }
0x5a: {  	_ =	shalt  }
0x5b: {  	_ =	shalt  }
0x5c: {  	_ =	shalt  }
0x5d: {  	_ =	shalt  }
0x5e: {  	_ =	shalt  }
0x5f: {  	_ =	shalt  }
0x60: {  	_ =	shalt  }
0x61: {  	_ =	shalt  }
0x62: {  	_ =	shalt  }
0x63: {  	_ =	shalt  }
0x64: {  	_ =	shalt  }
0x65: {  	_ =	shalt  }
0x66: {  	_ =	shalt  }
0x67: {  	_ =	shalt  }
0x68: {  	_ =	shalt  }
0x69: {  	_ =	shalt  }
0x6a: {  	_ =	shalt  }
0x6b: {  	_ =	shalt  }
0x6c: {  	_ =	shalt  }
0x6d: {  	_ =	shalt  }
0x6e: {  	_ =	shalt  }
0x6f: {  	_ =	shalt  }
0x70: {  	_ =	shalt  }
0x71: {  	_ =	shalt  }
0x72: {  	_ =	shalt  }
0x73: {  	_ =	shalt  }
0x74: {  	_ =	shalt  }
0x75: {  	_ =	shalt  }
0x76: {  	_ =	shalt  }
0x77: {  	_ =	shalt  }
0x78: {  	_ =	shalt  }
0x79: {  	_ =	shalt  }
0x7a: {  	_ =	shalt  }
0x7b: {  	_ =	shalt  }
0x7c: {  	_ =	shalt  }
0x7d: {  	_ =	shalt  }
0x7e: {  	_ =	shalt  }
0x7f: {  	_ =	shalt  }
0x80: {  	_ =	shalt  }
0x81: {  	_ =	shalt  }
0x82: {  	_ =	shalt  }
0x83: {  	_ =	shalt  }
0x84: {  	_ =	shalt  }
0x85: {  	_ =	shalt  }
0x86: {  	_ =	shalt  }
0x87: {  	_ =	shalt  }
.Lfunc_end0:
.L_simem_size_0:
called_computation_lowered:
.L_overlay_start_0:
0x88: {  	s2 =	sld [smem:$0x3FD9]  }
0x89: {  	s3 =	sld [smem:$0x3FFE];
	_ =	sdelay $0x1  }
0x8a: {  	s1 =	srdreg.scid  }
0x8b: {  	s0 =	sand.u32 $0x1, s1  }
0x8c: {  	s15 =	sshll.u32 s0, $0xA;
	s2 =	sadd.s32 s3, s2  }
0x8d: {  	s2 =	sadd.s32 s2, s15  }
0x8e: {  	[smem:$0x3FC7] =	sst s2  }
0x8f: {  	_ = 	snop  }
0x90: {  	s2 =	sld [smem:$0x3FD0];
	_ =	sdelay $0x2  }
0x91: {  	s4 =	simm.s32 $0xA;
	s5 =	simm.s32 $0x10;
	s16 =	sld [smem:$0x3FC9]  }
0x92: {  	[smem:s5], [sflag:s4] =	dma.local [hbm:s2], $0x1  }
0x93: {  	_ =	swait.eq [sflag:s4], $0x1  }
0x94: {  	[sflag:s4] =	ssyncset.done $0x0  }
0x95: {  	[sflag:s4] =	ssyncadd.s32 $0xFFFFFFFF  }
0x96: {  	s17 =	sld [smem:$0x13];
	(tm) =	ssettm $0x1  }
0x97: {  	s18 =	sld [smem:$0x3FFB];
	_ =	sdelay $0x3  }
0x98: {  	_ =	strace s18  }
0x99: {  	s4 =	sld [smem:$0x3FFC];
	_ =	sdelay $0x3  }
0x9a: {  	_ =	strace s4  }
0x9b: {  	s4 =	sld [smem:$0x3FFD];
	_ =	sdelay $0x3  }
0x9c: {  	_ =	strace s4  }
0x9d: {  	_ =	strace $0x8FFFFFFF  }
0x9e: {  	s19 =	sld [smem:$0x3FDB];
	_ =	sdelay $0x1  }
0x9f: {  	s20 =	simm.s32 $_scs_section_size  }
0xa0: {  	s6 =	simm.s32 $_size__tile_overlayer_lowered;
	s7 =	simm.s32 $_tile_overlayer_lowered  }
0xa1: {  	s23 =	simm.s32 $0x1BFF;
	s22 =	sshll.u32 s7, $0x1;
	s4 =	sadd.s32 s20, s19  }
0xa2: {  	s8 =	simm.s32 $0x0;
	s21 =	sshll.u32 s6, $0x1;
	s6 =	sadd.s32 s22, s4  }
0xa3: {  	[timem:s8], [sflag:s23] =	dma.local [hbm:s6], s21  }
0xa4: {  	_ =	swait.ge [sflag:s23], s21  }
0xa5: {  	s5 =	ssub.s32 $0x0, s21;
	[sflag:s23] =	ssyncset.done $0x0  }
0xa6: {  	[sflag:s23] =	ssyncadd.s32 s5;
	_ =	sdelay $0x1  }
0xa7: {  	s24 =	simm.s32 $0x1B8B  }
0xa8: {  	_ =	swait.ge [sflag:s24], $0x1  }
0xa9: {  	[sflag:s24] =	ssyncset.done $0x0  }
0xaa: {  	s25 =	simm.s32 $0x1B8E;
	[sflag:s24] =	ssyncadd.s32 $0xFFFFFFFF  }
0xab: {  	s26 =	simm.s32 $execute0_lowered;
	[smem:$0x3FD2] =	sst s25  }
0xac: {  	s5 =	sshll.u32 s26, $0x1;
	_ =	strace $0x80000046;
	[dreg:$0x1] =	wrdreg $0xFFFFFFFF  }
0xad: {  	s28 =	simm.s32 $_size_execute0_lowered;
	s4 =	sadd.s32 s4, s5;
	[dreg:$0x0] =	wrdreg $0x0  }
0xae: {  	s5 =	sshll.u32 s28, $0x1;
	[dreg:$0x2] =	wrdreg s4  }
0xaf: {  	[dreg:$0x3] =	wrdreg s5  }
0xb0: {  	[dreg:$0x4] =	wrdreg $0xC0  }
0xb1: {  	_ =	task [dreg:s8], $0x5FFFF  }
0xb2: {  	[dreg:$0x1] =	wrdreg $0xFFFFFFFF  }
0xb3: {  	[dreg:$0x0] =	wrdreg $0x60  }
0xb4: {  	[dreg:$0x2] =	wrdreg s16  }
0xb5: {  	[dreg:$0x3] =	wrdreg s17  }
0xb6: {  	[dreg:$0x4] =	wrdreg $0x9  }
0xb7: {  	_ =	task.clear_ibuf [dreg:s8], $0x5FFFF;
	_ =	strace $0x90000046  }
0xb8: {  	s29 =	simm.s32 $0x9;
	_ =	strace $0x80000048  }
0xb9: {  	_ =	swait.ge [sflag:s29], $0x1  }
0xba: {  	[sflag:s29] =	ssyncadd.s32 $0xFFFFFFFF  }
0xbb: {  	_ =	strace $0x90000048  }
0xbc: {  	_ =	sfence  }
0xbd: {  	s30 =	sld [smem:$0x0];
	_ =	sdelay $0x2  }
0xbe: {  	s31 =	sshll.u32 s1, $0xD;
	s1 =	sshrl.u32 s1, $0x2  }
0xbf: {  	s3 =	sand.u32 $0x4000, s31;
	s1 =	sadd.s32 s1, s30  }
0xc0: {  	s0 =	sor.u32 s3, s0;
	s1 =	sshll.u32 s1, $0x11  }
0xc1: {  	s0 =	sor.u32 s1, s0  }
0xc2: {  	s0 =	sadd.s32 $0x8F2B, s0  }
0xc3: {  	[sflag:s0] =	ssyncadd.remote.s32 $0x1  }
0xc4: {  	_ =	sfence.sel $0xFFFF  }
0xc5: {  	[dreg:$0x0] =	wrdreg $0xFFFFFFFF;
	(pc) =	sbr.abs _section_cstart, $3  }
0xc6: {  	[dreg:$0x1] =	wrdreg $0xFFFFFFFF  }
0xc7: {  	_ =	task.clear_ibuf [dreg:s8], $0x2FFFF;
	_ =	strace $0x9FFFFFFF  }
0xc8: {  	(tm) =	ssettm $0x7FFFFFFF  }
0xc9: {  	_ =	shalt  }
tec
execute0_lowered:
.L_overlay_start_1:
0x0: {  	(tag) =	ssettag $0x1  }
0x1: {  	s1 =	rddreg [dreg:$0x0]  }
0x2: {  	s8 =	rddreg [dreg:$0x1];
	s2 =	srdreg.scid  }
0x3: {  	s0 =	rddreg [dreg:$0x2];
	s3 =	simm.s32 $0x0;
	s12 =	simm.s32 $0x2  }
0x4: {  	s13 =	simm.s32 $0x10000;
	s14 =	simm.s32 $0x3;
	s15 =	simm.s32 $0x0  }
0x5: {  	s4 =	sand.u32 $0x1, s2;
	s2 =	stileid.u32;
	[smem:$0x7FF] =	sst s3  }
0x6: {  	s5 =	sshll.u32 s4, $0x4;
	s4 =	ssub.s32 $0x2, s4;
	_ =	strace $0x80000047  }
.Ltmp0:
0x7: {  	s7 =	sor.u32 s2, s5;
	s31 =	sshrl.u32 s4, $0x1;
	(pc) =	sbr.rel .LBB2_1-.Ltmp0, $4  }
0x8: {  	s6 =	sshll.u32 s7, $0x10;
	s9 =	ssub.s32 s4, s31;
	s10 =	sshll.u32 s7, $0x13  }
0x9: {  	s11 =	sshll.u32 s7, $0x6;
	s4 =	sadd.s32 s1, s6;
	s6 =	sor.u32 $0x10000, s10  }
0xa: {  	s7 =	sor.u32 $0x18000, s10;
	s8 =	sadd.s32 s8, s11;
	s9 =	smax.u32 s9, $0x1  }
0xb: {  	s10 =	simm.s32 $0x8000;
	s11 =	simm.s32 $0x1;
	s5 =	sadd.s32 $0x1000, s4  }
.LBB2_8:
0xc: {  	v1 =	vadd.f32 v32, v33  }
0xd: {  	v2 =	vadd.f32 v31, v30;
	v3 =	vmax.f32 v26, v17  }
0xe: {  	v5 =	vmax.f32 v24, v8;
	v0 =	vmin.f32 v0, v4;
	v1 =	vadd.f32 v27, v1  }
0xf: {  	v63 =	vmin.f32 v22, v19;
	v62 =	vmax.f32 v3, v5;
	v2 =	vadd.f32 v29, v2  }
0x10: {  	v0 =	vmin.f32 v0, v63;
	[tilespmem:$0x10100] =	vst v62;
	v1 =	vadd.f32 v16, v1  }
0x11: {  	s15 =	sadd.s32 $0x1, s15;
	[tilespmem:$0x10180] =	vst v0;
	v2 =	vadd.f32 v10, v2  }
0x12: {  	p0 =	sne.s32 s15, s9;
	[tilespmem:$0x10000] =	vst v1  }
.Ltmp1:
0x13: {  	[tilespmem:$0x10080] =	vst v2;
	(pc) =	sbr.rel @!p0 .LBB2_9-.Ltmp1, $4  }
0x14: {  	[hbm4b:s8+s3] =	stream.linear.scatter [tilespmem:s13], [sflag:$0x3], $0x200, $0x38;
	[tilespmem:$0x10200] =	vst v63  }
0x15: {  	_ =	swait.ge [sflag:s14], $0x200  }
0x16: {  	[sflag:s14] =	ssyncset.done $0x0  }
0x17: {  	[sflag:s14] =	ssyncadd.s32 $0xFFFFFE00  }
.LBB2_1:
0x18: {  	v10 =	vimm.f32 $0.0e+00  }
0x19: {  	v8 =	vimm.f32 $-3.399999950e+38;
	v19 =	vimm.f32 $3.399999950e+38;
	v22 =	vimm.f32 $3.399999950e+38  }
0x1a: {  	v4 =	vimm.f32 $3.399999950e+38;
	v0 =	vimm.f32 $3.399999950e+38;
	v24 =	vimm.f32 $-3.399999950e+38  }
0x1b: {  	[tilespmem:s3], [sflag:$0x1] =	stream.linear.gather [hbm4b:s4+s3], $0x8000, $0x38;
	v17 =	vimm.f32 $-3.399999950e+38;
	v26 =	vimm.f32 $-3.399999950e+38;
	v29 =	vimm.f32 $0.0e+00;
	[tilespmem:$0x10200] =	vst v63  }
0x1c: {  	v31 =	vimm.f32 $0.0e+00;
	v30 =	vimm.f32 $0.0e+00;
	v16 =	vimm.f32 $0.0e+00;
	s16 =	simm.s32 $0x0  }
0x1d: {  	v27 =	vimm.f32 $0.0e+00;
	v32 =	vimm.f32 $0.0e+00;
	v33 =	vimm.f32 $0.0e+00;
	[tilespmem:s10], [sflag:$0x2] =	stream.linear.gather [hbm4b:s5+s3], $0x8000, $0x38;
	[tilespmem:$0x10200] =	vst v63  }
.LBB2_2:
0x1e: {  	_ =	swait.ge [sflag:s11], $0x8000  }
0x1f: {  	[sflag:s11] =	ssyncset.done $0x0  }
0x20: {  	s17 =	simm.s32 $0x80;
	[sflag:s11] =	ssyncadd.s32 $0xFFFF8000  }
0x21: {  	v13 =	vld [tilespmem:s17+$0xFFFFFF90]  }
0x22: {  	v3 =	vld [tilespmem:s17+$0x70]  }
0x23: {  	v7 =	vld [tilespmem:s17+$0x30]  }
0x24: {  	v5 =	vld [tilespmem:s17+$0x60]  }
0x25: {  	v11 =	vld [tilespmem:s17+$0x0]  }
0x26: {  	v12 =	vld [tilespmem:s17+$0xFFFFFFF0]  }
0x27: {  	v9 =	vld [tilespmem:s17+$0xFFFFFFC0]  }
0x28: {  	v15 =	vld [tilespmem:s17+$0xFFFFFFB0]  }
0x29: {  	v36 =	vld [tilespmem:s17+$0xFFFFFFA0]  }
0x2a: {  	v37 =	vld [tilespmem:s17+$0xFFFFFFE0]  }
0x2b: {  	v21 =	vld [tilespmem:s17+$0xFFFFFFD0];
	v1 =	vmul.f32 v13, v13;
	v18 =	vadd.f32 v13, v32  }
0x2c: {  	v14 =	vmul.f32 v11, v11;
	v20 =	vmax.f32 v17, v13;
	v38 =	vmul.f32 v3, v3  }
0x2d: {  	v6 =	vld [tilespmem:s17+$0x50];
	v34 =	vmin.f32 v4, v13;
	v35 =	vmul.f32 v7, v7;
	v13 =	vmul.f32 v5, v5  }
0x2e: {  	v2 =	vld [tilespmem:s17+$0x40];
	v39 =	vmul.f32 v12, v12;
	v40 =	vmul.f32 v9, v9  }
0x2f: {  	v41 =	vadd.f32 v36, v27;
	v16 =	vadd.f32 v15, v16;
	v32 =	vmul.f32 v37, v37  }
0x30: {  	v4 =	vld [tilespmem:s17+$0xFFFFFF80];
	v19 =	vmin.f32 v19, v15;
	v42 =	vmul.f32 v36, v36;
	v20 =	vmax.f32 v20, v21  }
0x31: {  	v17 =	vld [tilespmem:s17+$0x10];
	v23 =	vadd.f32 v1, v31;
	v28 =	vadd.f32 v21, v18;
	v18 =	vmul.f32 v21, v21  }
0x32: {  	v25 =	vld [tilespmem:s17+$0x20];
	v1 =	vmul.f32 v6, v6;
	v31 =	vmul.f32 v15, v15;
	v16 =	vadd.f32 v12, v16  }
0x33: {  	v27 =	vadd.f32 v18, v23;
	v18 =	vmul.f32 v2, v2;
	v23 =	vmax.f32 v24, v36  }
0x34: {  	v10 =	vadd.f32 v31, v10;
	v31 =	vadd.f32 v37, v41;
	v36 =	vmin.f32 v22, v36  }
0x35: {  	v16 =	vadd.f32 v7, v16;
	v24 =	vmul.f32 v4, v4;
	v63 =	vmax.f32 v23, v37  }
0x36: {  	v28 =	vadd.f32 v17, v28;
	v23 =	vmin.f32 v34, v21;
	v10 =	vadd.f32 v39, v10  }
0x37: {  	v21 =	vmul.f32 v25, v25;
	v34 =	vmax.f32 v63, v25;
	v16 =	vadd.f32 v3, v16  }
0x38: {  	v24 =	vadd.f32 v24, v30;
	v30 =	vmul.f32 v17, v17;
	v10 =	vadd.f32 v35, v10  }
0x39: {  	v35 =	vadd.f32 v42, v29;
	v29 =	vadd.f32 v4, v33;
	v33 =	vmin.f32 v36, v37  }
0x3a: {  	s18 =	simm.s32 $0x180;
	s17 =	simm.s32 $0x0;
	v22 =	vadd.f32 v40, v24;
	v24 =	vmax.f32 v26, v4;
	v10 =	vadd.f32 v38, v10  }
.LBB2_3:
0x3b: {  	v26 =	vld [tilespmem:s18+$0xFFFFFF90];
	s17 =	sadd.s32 $0x10, s17;
	v32 =	vadd.f32 v32, v35;
	v27 =	vadd.f32 v30, v27;
	v30 =	vmin.f32 v33, v25  }
0x3c: {  	v25 =	vadd.f32 v25, v31;
	v31 =	vmax.f32 v34, v5;
	v33 =	vld [tilespmem:s18+$0x50];
	p0 =	slt.u32 s17, $0x7F0;
	v36 =	vmin.f32 v30, v5  }
0x3d: {  	v0 =	vmin.f32 v0, v4;
	v4 =	vadd.f32 v6, v28;
	v30 =	vld [tilespmem:s18+$0x70];
	v1 =	vadd.f32 v1, v27  }
0x3e: {  	v0 =	vmin.f32 v0, v9;
	v27 =	vadd.f32 v9, v29;
	v25 =	vadd.f32 v5, v25;
	v28 =	vld [tilespmem:s18+$0x40]  }
0x3f: {  	v8 =	vmax.f32 v8, v15;
	v15 =	vmax.f32 v20, v17;
	v0 =	vmin.f32 v0, v11;
	v29 =	vld [tilespmem:s18+$0x30]  }
0x40: {  	v15 =	vmax.f32 v15, v6;
	v0 =	vmin.f32 v0, v2;
	v20 =	vmul.f32 v26, v26;
	v5 =	vld [tilespmem:s18+$0x60]  }
0x41: {  	v34 =	vadd.f32 v26, v4;
	v4 =	vmax.f32 v8, v12;
	v8 =	vmin.f32 v23, v17;
	v35 =	vld [tilespmem:s18+$0xFFFFFFF0]  }
0x42: {  	v4 =	vmax.f32 v4, v7;
	v23 =	vadd.f32 v20, v1;
	v20 =	vld [tilespmem:s18+$0x0];
	v1 =	vmax.f32 v24, v9  }
0x43: {  	v12 =	vmin.f32 v19, v12;
	v19 =	vadd.f32 v21, v32;
	v9 =	vld [tilespmem:s18+$0xFFFFFFC0];
	v1 =	vmax.f32 v1, v11  }
0x44: {  	v14 =	vadd.f32 v14, v22;
	v32 =	vmin.f32 v12, v7;
	v8 =	vmin.f32 v8, v6;
	v6 =	vmovc v33;
	v17 =	vld [tilespmem:s18+$0x10]  }
0x45: {  	v21 =	vmax.f32 v15, v26;
	v22 =	vmin.f32 v8, v26;
	v11 =	vadd.f32 v11, v27;
	v7 =	vmovc v29;
	v24 =	vld [tilespmem:s18+$0xFFFFFFD0]  }
0x46: {  	v26 =	vadd.f32 v18, v14;
	v37 =	vadd.f32 v13, v19;
	v19 =	vmin.f32 v32, v3;
	v15 =	vld [tilespmem:s18+$0xFFFFFFB0];
	v12 =	vmovc v35  }
0x47: {  	v8 =	vmax.f32 v4, v3;
	v3 =	vmovc v30;
	v39 =	vmax.f32 v1, v2;
	v38 =	vld [tilespmem:s18+$0xFFFFFFA0];
	v14 =	vmul.f32 v20, v20  }
0x48: {  	v41 =	vmul.f32 v30, v3;
	v1 =	vmul.f32 v33, v6;
	v33 =	vadd.f32 v2, v11;
	v2 =	vmovc v28;
	v40 =	vld [tilespmem:s18+$0xFFFFFFE0]  }
0x49: {  	v29 =	vmul.f32 v29, v7;
	v13 =	vmul.f32 v5, v5;
	v11 =	vmov v20;
	v4 =	vld [tilespmem:s18+$0xFFFFFF80]  }
0x4a: {  	v30 =	vadd.f32 v24, v34;
	v18 =	vmul.f32 v24, v24;
	v34 =	vmul.f32 v35, v12  }
0x4b: {  	v42 =	vmul.f32 v9, v9;
	v20 =	vmax.f32 v21, v24;
	v35 =	vmul.f32 v15, v15  }
0x4c: {  	v21 =	vadd.f32 v38, v25;
	v27 =	vadd.f32 v18, v23;
	v25 =	vld [tilespmem:s18+$0x20];
	v18 =	vmul.f32 v28, v2  }
0x4d: {  	v16 =	vadd.f32 v15, v16;
	v23 =	vmax.f32 v31, v38;
	v32 =	vmul.f32 v40, v40  }
0x4e: {  	v19 =	vmin.f32 v19, v15;
	v10 =	vadd.f32 v35, v10;
	v43 =	vmul.f32 v4, v4  }
0x4f: {  	v28 =	vadd.f32 v17, v30;
	v35 =	vmax.f32 v23, v40;
	v31 =	vadd.f32 v40, v21  }
0x50: {  	v44 =	vmul.f32 v38, v38;
	v23 =	vmin.f32 v22, v24;
	v10 =	vadd.f32 v34, v10  }
.Ltmp2:
0x51: {  	v16 =	vadd.f32 v12, v16;
	v21 =	vmul.f32 v25, v25;
	v34 =	vmax.f32 v35, v25;
	(pc) =	sbr.rel @p0 .LBB2_3-.Ltmp2, $4  }
0x52: {  	v30 =	vmul.f32 v17, v17;
	v22 =	vadd.f32 v43, v26;
	v10 =	vadd.f32 v29, v10  }
0x53: {  	v24 =	vmin.f32 v36, v38;
	v16 =	vadd.f32 v7, v16;
	v35 =	vadd.f32 v44, v37  }
0x54: {  	v29 =	vadd.f32 v4, v33;
	v33 =	vmin.f32 v24, v40;
	v22 =	vadd.f32 v42, v22  }
0x55: {  	s18 =	sadd.s32 $0x100, s18;
	v24 =	vmax.f32 v39, v4;
	v16 =	vadd.f32 v3, v16;
	v10 =	vadd.f32 v41, v10  }
0x56: {  	s17 =	sshll.u32 s16, $0x10;
	p0 =	seq.s32 s16, $0x7  }
0x57: {  	s18 =	sadd.s32 @!p0 s17, s6  }
0x58: {  	s18 =	sshrl.u32 @!p0 s18, $0x3  }
0x59: {  	s19 =	simm.s32 @!p0 $0x0;
	s18 =	sadd.s32 @!p0 s1, s18  }
0x5a: {  	[tilespmem:s19], [sflag:$0x1] =	stream.linear.gather @!p0 [hbm4b:s18+s19], $0x8000, $0x38;
	[tilespmem:$0x10200] =	vst v63  }
0x5b: {  	_ =	swait.ge [sflag:s12], $0x8000  }
0x5c: {  	[sflag:s12] =	ssyncset.done $0x0  }
0x5d: {  	v26 =	vadd.f32 v32, v35;
	v27 =	vadd.f32 v30, v27;
	s31 =	simm.s32 $0x8080;
	[sflag:s12] =	ssyncadd.s32 $0xFFFF8000  }
0x5e: {  	v30 =	vmin.f32 v33, v25;
	v25 =	vadd.f32 v25, v31;
	v31 =	vmax.f32 v34, v5;
	v60 =	vld [tilespmem:s31+$0xFFFFFF90]  }
0x5f: {  	v0 =	vmin.f32 v0, v4;
	v28 =	vadd.f32 v6, v28;
	v29 =	vadd.f32 v9, v29;
	v4 =	vld [tilespmem:s31+$0x50]  }
0x60: {  	v20 =	vmax.f32 v20, v17;
	v0 =	vmin.f32 v0, v9;
	v27 =	vadd.f32 v1, v27;
	v1 =	vld [tilespmem:s31+$0x70]  }
0x61: {  	v33 =	vmin.f32 v30, v5;
	v30 =	vmax.f32 v8, v15;
	v0 =	vmin.f32 v0, v11;
	v8 =	vld [tilespmem:s31+$0x30]  }
0x62: {  	v17 =	vmin.f32 v23, v17;
	v23 =	vmax.f32 v24, v9;
	v15 =	vmin.f32 v0, v2;
	v0 =	vld [tilespmem:s31+$0x60]  }
0x63: {  	v14 =	vadd.f32 v14, v22;
	v30 =	vmax.f32 v30, v12;
	v12 =	vmin.f32 v19, v12;
	v9 =	vld [tilespmem:s31+$0x0]  }
0x64: {  	v21 =	vadd.f32 v21, v26;
	v24 =	vmax.f32 v30, v7;
	v12 =	vmin.f32 v12, v7;
	v7 =	vld [tilespmem:s31+$0xFFFFFFF0]  }
0x65: {  	v20 =	vmax.f32 v20, v6;
	v22 =	vmin.f32 v17, v6;
	v25 =	vadd.f32 v5, v25;
	v6 =	vld [tilespmem:s31+$0xFFFFFFC0]  }
0x66: {  	v19 =	vmax.f32 v23, v11;
	v11 =	vadd.f32 v11, v29;
	v62 =	vadd.f32 v13, v21;
	v21 =	vld [tilespmem:s31+$0xFFFFFFD0]  }
0x67: {  	v61 =	vadd.f32 v18, v14;
	v36 =	vmax.f32 v19, v2;
	v18 =	vmin.f32 v12, v3;
	v12 =	vld [tilespmem:s31+$0xFFFFFFB0]  }
0x68: {  	v37 =	vadd.f32 v2, v11;
	v19 =	vld [tilespmem:s31+$0xFFFFFF80];
	v13 =	vmul.f32 v60, v60;
	v2 =	vmul.f32 v9, v9  }
0x69: {  	v14 =	vmax.f32 v24, v3;
	v5 =	vld [tilespmem:s31+$0x40];
	v17 =	vmul.f32 v4, v4;
	v39 =	vmul.f32 v1, v1  }
0x6a: {  	v38 =	vld [tilespmem:s31+$0xFFFFFFE0];
	v23 =	vadd.f32 v60, v28;
	v63 =	vmul.f32 v8, v8;
	v3 =	vmul.f32 v0, v0  }
0x6b: {  	v11 =	vld [tilespmem:s31+$0x10];
	v30 =	vmin.f32 v22, v60;
	v22 =	vmul.f32 v21, v21;
	v40 =	vmul.f32 v7, v7  }
0x6c: {  	v20 =	vmax.f32 v20, v60;
	v26 =	vmul.f32 v12, v12;
	v41 =	vmul.f32 v6, v6  }
0x6d: {  	v28 =	vld [tilespmem:s31+$0xFFFFFFA0];
	v16 =	vadd.f32 v12, v16;
	v42 =	vmul.f32 v19, v19;
	v18 =	vmin.f32 v18, v12  }
0x6e: {  	v20 =	vmax.f32 v20, v21;
	v13 =	vadd.f32 v13, v27;
	v23 =	vadd.f32 v21, v23  }
0x6f: {  	v27 =	vmul.f32 v38, v38;
	v10 =	vadd.f32 v26, v10;
	v16 =	vadd.f32 v7, v16  }
0x70: {  	v24 =	vadd.f32 v22, v13;
	v22 =	vld [tilespmem:s31+$0x20];
	v13 =	vmul.f32 v5, v5;
	v26 =	vadd.f32 v11, v23  }
0x71: {  	v23 =	vmin.f32 v30, v21;
	v10 =	vadd.f32 v40, v10;
	v16 =	vadd.f32 v8, v16  }
0x72: {  	v25 =	vadd.f32 v28, v25;
	v31 =	vmax.f32 v31, v28;
	v43 =	vmul.f32 v28, v28  }
0x73: {  	v28 =	vmin.f32 v33, v28;
	v33 =	vadd.f32 v19, v37;
	v10 =	vadd.f32 v63, v10  }
0x74: {  	v34 =	vmin.f32 v28, v38;
	v29 =	vadd.f32 v38, v25;
	v25 =	vmax.f32 v31, v38  }
0x75: {  	v28 =	vmax.f32 v36, v19;
	v30 =	vmax.f32 v25, v22;
	v25 =	vadd.f32 v42, v61  }
0x76: {  	v16 =	vadd.f32 v1, v16;
	v31 =	vmul.f32 v11, v11;
	v32 =	vadd.f32 v43, v62  }
0x77: {  	s18 =	simm.s32 $0x0;
	s19 =	simm.s32 $0x8180;
	v10 =	vadd.f32 v39, v10;
	v21 =	vmul.f32 v22, v22;
	v25 =	vadd.f32 v41, v25  }
.LBB2_5:
0x78: {  	v35 =	vld [tilespmem:s19+$0xFFFFFF90];
	s18 =	sadd.s32 $0x10, s18;
	v27 =	vadd.f32 v27, v32;
	v24 =	vadd.f32 v31, v24;
	v31 =	vmin.f32 v34, v22  }
0x79: {  	v22 =	vadd.f32 v22, v29;
	v29 =	vmax.f32 v30, v0;
	v32 =	vld [tilespmem:s19+$0x50];
	p1 =	slt.u32 s18, $0x7F0;
	v34 =	vmin.f32 v31, v0  }
0x7a: {  	v15 =	vmin.f32 v15, v19;
	v19 =	vadd.f32 v4, v26;
	v30 =	vld [tilespmem:s19+$0x70];
	v17 =	vadd.f32 v17, v24  }
0x7b: {  	v15 =	vmin.f32 v15, v6;
	v24 =	vadd.f32 v6, v33;
	v22 =	vadd.f32 v0, v22;
	v26 =	vld [tilespmem:s19+$0x40]  }
0x7c: {  	v12 =	vmax.f32 v14, v12;
	v20 =	vmax.f32 v20, v11;
	v14 =	vmin.f32 v15, v9;
	v31 =	vld [tilespmem:s19+$0x30]  }
0x7d: {  	v15 =	vmin.f32 v14, v5;
	v14 =	vmax.f32 v20, v4;
	v33 =	vmul.f32 v35, v35;
	v0 =	vld [tilespmem:s19+$0x60]  }
0x7e: {  	v12 =	vmax.f32 v12, v7;
	v20 =	vadd.f32 v35, v19;
	v19 =	vmin.f32 v23, v11;
	v36 =	vld [tilespmem:s19+$0xFFFFFFF0]  }
0x7f: {  	v11 =	vmax.f32 v28, v6;
	v23 =	vadd.f32 v33, v17;
	v33 =	vld [tilespmem:s19+$0x0];
	v17 =	vmax.f32 v12, v8  }
0x80: {  	v7 =	vmin.f32 v18, v7;
	v21 =	vadd.f32 v21, v27;
	v18 =	vmax.f32 v11, v9;
	v6 =	vld [tilespmem:s19+$0xFFFFFFC0]  }
0x81: {  	v2 =	vadd.f32 v2, v25;
	v27 =	vmin.f32 v7, v8;
	v12 =	vmin.f32 v19, v4;
	v4 =	vmovc v32;
	v11 =	vld [tilespmem:s19+$0x10]  }
0x82: {  	v25 =	vmax.f32 v14, v35;
	v9 =	vadd.f32 v9, v24;
	v28 =	vmin.f32 v12, v35;
	v8 =	vmovc v31;
	v35 =	vld [tilespmem:s19+$0xFFFFFFD0]  }
0x83: {  	v37 =	vadd.f32 v13, v2;
	v38 =	vadd.f32 v3, v21;
	v21 =	vmin.f32 v27, v1;
	v12 =	vld [tilespmem:s19+$0xFFFFFFB0];
	v7 =	vmovc v36  }
0x84: {  	v40 =	vmax.f32 v18, v5;
	v14 =	vmax.f32 v17, v1;
	v1 =	vmovc v30;
	v39 =	vld [tilespmem:s19+$0xFFFFFFA0];
	v2 =	vmul.f32 v33, v33  }
0x85: {  	v17 =	vmul.f32 v32, v4;
	v43 =	vadd.f32 v5, v9;
	v5 =	vmovc v26;
	v42 =	vmul.f32 v30, v1;
	v41 =	vld [tilespmem:s19+$0xFFFFFFE0]  }
0x86: {  	v32 =	vmul.f32 v31, v8;
	v3 =	vmul.f32 v0, v0;
	v9 =	vmov v33;
	v19 =	vld [tilespmem:s19+$0xFFFFFF80]  }
0x87: {  	v31 =	vmul.f32 v36, v7;
	v30 =	vadd.f32 v35, v20;
	v13 =	vmul.f32 v35, v35  }
0x88: {  	v36 =	vmul.f32 v6, v6;
	v20 =	vmax.f32 v25, v35;
	v18 =	vmul.f32 v12, v12  }
0x89: {  	v25 =	vadd.f32 v39, v22;
	v24 =	vadd.f32 v13, v23;
	v22 =	vld [tilespmem:s19+$0x20];
	v13 =	vmul.f32 v26, v5  }
0x8a: {  	v16 =	vadd.f32 v12, v16;
	v23 =	vmax.f32 v29, v39;
	v27 =	vmul.f32 v41, v41  }
0x8b: {  	v10 =	vadd.f32 v18, v10;
	v18 =	vmin.f32 v21, v12;
	v33 =	vmul.f32 v19, v19  }
0x8c: {  	v26 =	vadd.f32 v11, v30;
	v29 =	vadd.f32 v41, v25;
	v25 =	vmax.f32 v23, v41  }
0x8d: {  	v44 =	vmul.f32 v39, v39;
	v23 =	vmin.f32 v28, v35;
	v10 =	vadd.f32 v31, v10  }
.Ltmp3:
0x8e: {  	v16 =	vadd.f32 v7, v16;
	v21 =	vmul.f32 v22, v22;
	v30 =	vmax.f32 v25, v22;
	(pc) =	sbr.rel @p1 .LBB2_5-.Ltmp3, $4  }
0x8f: {  	v31 =	vmul.f32 v11, v11;
	v25 =	vadd.f32 v33, v37;
	v10 =	vadd.f32 v32, v10  }
0x90: {  	v28 =	vmin.f32 v34, v39;
	v16 =	vadd.f32 v8, v16;
	v32 =	vadd.f32 v44, v38  }
0x91: {  	v34 =	vmin.f32 v28, v41;
	v33 =	vadd.f32 v19, v43;
	v25 =	vadd.f32 v36, v25  }
0x92: {  	s19 =	sadd.s32 $0x100, s19;
	v28 =	vmax.f32 v40, v19;
	v16 =	vadd.f32 v1, v16;
	v10 =	vadd.f32 v42, v10  }
0x93: {  	v35 =	vadd.f32 v27, v32  }
0x94: {  	v27 =	vadd.f32 v31, v24;
	v31 =	vmin.f32 v34, v22;
	v29 =	vadd.f32 v22, v29  }
0x95: {  	v24 =	vmax.f32 v30, v0;
	v15 =	vmin.f32 v15, v19;
	v32 =	vadd.f32 v4, v26  }
0x96: {  	v19 =	vadd.f32 v6, v33;
	v12 =	vmax.f32 v14, v12;
	v62 =	vmax.f32 v20, v11  }
0x97: {  	v11 =	vmin.f32 v23, v11;
	v2 =	vadd.f32 v2, v25;
	v22 =	vmin.f32 v31, v0  }
0x98: {  	v15 =	vmin.f32 v15, v6;
	v12 =	vmax.f32 v12, v7;
	v6 =	vmax.f32 v28, v6  }
0x99: {  	v7 =	vmin.f32 v18, v7;
	v31 =	vadd.f32 v17, v27;
	v27 =	vadd.f32 v0, v29  }
.Ltmp4:
0x9a: {  	v0 =	vmin.f32 v15, v9;
	v17 =	vmax.f32 v62, v4;
	v12 =	vmax.f32 v12, v8;
	(pc) =	sbr.rel @p0 .LBB2_8-.Ltmp4, $4  }
0x9b: {  	v6 =	vmax.f32 v6, v9;
	v63 =	vadd.f32 v21, v35;
	v9 =	vadd.f32 v9, v19  }
0x9c: {  	v7 =	vmin.f32 v7, v8;
	v4 =	vmin.f32 v11, v4;
	v30 =	vadd.f32 v13, v2  }
0x9d: {  	v0 =	vmin.f32 v0, v5;
	v19 =	vmin.f32 v7, v1;
	v33 =	vadd.f32 v5, v9  }
0x9e: {  	v26 =	vmax.f32 v6, v5;
	v8 =	vmax.f32 v12, v1;
	v29 =	vadd.f32 v3, v63  }
.Ltmp5:
0x9f: {  	(pc) =	sbr.rel .LBB2_2-.Ltmp5, $4  }
0xa0: {  	s17 =	sadd.s32 s17, s7  }
0xa1: {  	s17 =	sshrl.u32 s17, $0x3  }
0xa2: {  	s16 =	sadd.s32 $0x1, s16;
	s17 =	sadd.s32 s1, s17  }
0xa3: {  	[tilespmem:s10], [sflag:$0x2] =	stream.linear.gather [hbm4b:s17+s3], $0x8000, $0x38;
	[tilespmem:$0x10200] =	vst v63  }
.LBB2_9:
0xa4: {  	_ =	sfence.sel $0x180000  }
0xa5: {  	[bflag:$0x0] =	sbarrier.arrive $0xFFFF  }
0xa6: {  	p0 =	sne.s32 s2, $0x0;
	_ =	strace $0x90000047  }
0xa7: {  	s0 =	sadd.s32 @!p0 $0x100000, s0;
	[bflag:$0x2] =	sbarrier.arrive $0xFFFF  }
0xa8: {  	[sflag:s0] =	ssyncadd.tile.s32 @!p0 $0x1;
	_ =	shalt  }
.Lfunc_end2:
_tile_overlayer_lowered:
.L_overlay_start_2:
0xa9: {  	(tag) =	ssettag $0x2  }
0xaa: {  	s0 =	rddreg [dreg:$0x0];
	s2 =	stileid.u32  }
0xab: {  	s1 =	rddreg [dreg:$0x1];
	p0 =	sne.s32 s2, $0x0  }
0xac: {  	s3 =	rddreg [dreg:$0x2];
	[bflag:$0x3] =	sbarrier.arrive $0xFFFF;
	s2 =	simm.s32 @!p0 $0x1C03  }
0xad: {  	[timem:s3], [sflag:s2] =	dma.local @!p0 [hbm:s0], s1  }
0xae: {  	s0 =	simm.s32 @!p0 $0x3  }
0xaf: {  	_ =	swait.ge @!p0 [sflag:s0], s1  }
0xb0: {  	s1 =	ssub.s32 @!p0 $0x0, s1;
	[sflag:s0] =	ssyncset.done @!p0 $0x0  }
0xb1: {  	[sflag:s0] =	ssyncadd.s32 @!p0 s1  }
0xb2: {  	[bflag:$0x3] =	sbarrier.arrive $0xFFFF  }
0xb3: {  	_ =	shalt  }

// kernel: kernel.8.cloned.1.call-start
scs
__scs_entry_jumppad:
0x0: {  	(pc) =	sbr.rel $0x88, $3  }
0x1: {  	(tag) =	ssettag $0x0;
	lr =	simm.s32 $0x1  }
0x2: {  	[smem:$0x3FA0] =	sst lr;
	_ =	strace $0xD0000000  }
0x3: {  	_ = 	snop  }
0x4: {  	_ = 	snop  }
0x5: {  	_ = 	snop  }
0x6: {  	_ = 	snop  }
0x7: {  	_ = 	snop  }
__scs_overlays_trampoline_lowered:
0x8: {  	[smem:$0x3FAF] =	sst s0  }
0x9: {  	[smem:$0x3FB0] =	sst s1  }
0xa: {  	[smem:$0x3FB1] =	sst s2  }
0xb: {  	[smem:$0x3FB2] =	sst s3  }
0xc: {  	[smem:$0x3FB3] =	sst s4  }
0xd: {  	[smem:$0x3FB4] =	sst s5  }
0xe: {  	[smem:$0x3FB5] =	sst s6  }
0xf: {  	[smem:$0x3FB6] =	sst s7  }
0x10: {  	[smem:$0x3FB7] =	sst s8  }
0x11: {  	[smem:$0x3FB8] =	sst s9;
	s0 =	simm.s32 @!p0 $0x0  }
0x12: {  	s1 =	sld [smem:$0x3F9E];
	s0 =	simm.s32 @p0 $0x1  }
0x13: {  	[smem:$0x3FB9] =	sst s0;
	s0 =	simm.s32 @!p1 $0x0  }
0x14: {  	s2 =	sld [smem:$0x3F9D];
	s0 =	simm.s32 @p1 $0x1  }
0x15: {  	[smem:$0x3FBA] =	sst s0;
	s0 =	simm.s32 @!p2 $0x0  }
0x16: {  	s3 =	sld [smem:$0x3FDB];
	s0 =	simm.s32 @p2 $0x1  }
0x17: {  	s4 =	simm.s32 $0x1BF5;
	[smem:$0x3FBC] =	sst s0  }
0x18: {  	s0 =	sld [smem:$0x3F9F];
	_ =	swait.ge [sflag:s4], $0x0  }
0x19: {  	s7 =	sld [smem:$0x3FA0]  }
0x1a: {  	s8 =	sadd.s32 $0xFFFFE003, lr  }
0x1b: {  	s9 =	sadd.s32 $0xFFFFFEF7, lr;
	s5 =	simm.s32 $0xFFFFFFFF;
	p2 =	slt.u32 s8, $0xFFFFF086  }
0x1c: {  	p1 =	slt.u32 s9, $0xF7A;
	s5 =	simm.s32 @!p2 $0x0  }
0x1d: {  	s5 =	simm.s32 @p1 $0x1;
	p0 =	seq.s32 s7, s2  }
0x1e: {  	s7 =	smul.u32 @!p0 $0xF7A, s2;
	p2 =	seq.s32 @!p0 s5, $0x0  }
0x1f: {  	s9 =	smul.u32 $0xF7A, s1;
	s8 =	simm.s32 @!p0 $0x1BF5;
	p2 =	por !p2, p0  }
0x20: {  	[sflag:s8] =	ssyncset.s32 @!p0 $0xFFFFF086;
	s6 =	sadd.s32 @!p0 s3, s7;
	s7 =	simm.s32 @!p0 $0x108  }
0x21: {  	s3 =	sadd.s32 s3, s9;
	s6 =	sadd.s32 @!p0 $0x88, s6;
	s7 =	simm.s32 @p2 $0x1082  }
0x22: {  	[simem:s7], [sflag:s8] =	dma.local @!p0 [hbm:s6], $0xF7A  }
0x23: {  	s9 =	sor.u32 $0xD0000000, s2;
	s6 =	simm.s32 $0x108;
	_ =	swait.ge @!p0 [sflag:s8], $0x0  }
0x24: {  	s3 =	sadd.s32 $0x88, s3;
	s6 =	simm.s32 @!p1 $0x1082;
	[sflag:s4] =	ssyncset.s32 $0xFFFFF086  }
0x25: {  	[simem:s6], [sflag:s4] =	dma.local [hbm:s3], $0xF7A  }
0x26: {  	[smem:$0x3FA0] =	sst s1;
	(tag) =	ssettag s2;
	_ =	strace s9  }
0x27: {  	s1 =	sld [smem:$0x3FB0]  }
0x28: {  	s2 =	sld [smem:$0x3FB1]  }
0x29: {  	s4 =	sld [smem:$0x3FB3]  }
0x2a: {  	p0 =	seq.s32 s5, $0x0;
	s5 =	sld [smem:$0x3FB4]  }
0x2b: {  	s6 =	sld [smem:$0x3FB5]  }
0x2c: {  	s7 =	sld [smem:$0x3FB6]  }
0x2d: {  	s3 =	simm.s32 $0x108;
	s8 =	sld [smem:$0x3FB7]  }
0x2e: {  	s3 =	simm.s32 @!p0 $0x1082;
	s9 =	sld [smem:$0x3FB8]  }
0x2f: {  	lr =	sadd.s32 s0, s3;
	s0 =	sld [smem:$0x3FAF]  }
0x30: {  	s3 =	sld [smem:$0x3FB2]  }
0x31: {  	[smem:$0x3FBB] =	sst s10  }
0x32: {  	s10 =	sld [smem:$0x3FB9];
	_ =	sdelay $0x3  }
0x33: {  	p0 =	seq.s32 s10, $0x1;
	s10 =	sld [smem:$0x3FBB];
	_ =	sdelay $0x3  }
0x34: {  	[smem:$0x3FBB] =	sst s10  }
0x35: {  	s10 =	sld [smem:$0x3FBA];
	_ =	sdelay $0x3  }
0x36: {  	p1 =	seq.s32 s10, $0x1;
	s10 =	sld [smem:$0x3FBB];
	_ =	sdelay $0x3  }
0x37: {  	[smem:$0x3FBB] =	sst s10  }
0x38: {  	s10 =	sld [smem:$0x3FBC]  }
0x39: {  	_ = 	snop;
	(pc) =	sbr.ind lr, $3  }
0x3a: {  	_ = 	snop  }
0x3b: {  	_ = 	snop  }
0x3c: {  	p2 =	seq.s32 s10, $0x1;
	s10 =	sld [smem:$0x3FBB]  }
0x3d: {  	_ =	shalt  }
0x3e: {  	_ =	shalt  }
0x3f: {  	_ =	shalt  }
0x40: {  	_ =	shalt  }
0x41: {  	_ =	shalt  }
0x42: {  	_ =	shalt  }
0x43: {  	_ =	shalt  }
0x44: {  	_ =	shalt  }
0x45: {  	_ =	shalt  }
0x46: {  	_ =	shalt  }
0x47: {  	_ =	shalt  }
0x48: {  	_ =	shalt  }
0x49: {  	_ =	shalt  }
0x4a: {  	_ =	shalt  }
0x4b: {  	_ =	shalt  }
0x4c: {  	_ =	shalt  }
0x4d: {  	_ =	shalt  }
0x4e: {  	_ =	shalt  }
0x4f: {  	_ =	shalt  }
0x50: {  	_ =	shalt  }
0x51: {  	_ =	shalt  }
0x52: {  	_ =	shalt  }
0x53: {  	_ =	shalt  }
0x54: {  	_ =	shalt  }
0x55: {  	_ =	shalt  }
0x56: {  	_ =	shalt  }
0x57: {  	_ =	shalt  }
0x58: {  	_ =	shalt  }
0x59: {  	_ =	shalt  }
0x5a: {  	_ =	shalt  }
0x5b: {  	_ =	shalt  }
0x5c: {  	_ =	shalt  }
0x5d: {  	_ =	shalt  }
0x5e: {  	_ =	shalt  }
0x5f: {  	_ =	shalt  }
0x60: {  	_ =	shalt  }
0x61: {  	_ =	shalt  }
0x62: {  	_ =	shalt  }
0x63: {  	_ =	shalt  }
0x64: {  	_ =	shalt  }
0x65: {  	_ =	shalt  }
0x66: {  	_ =	shalt  }
0x67: {  	_ =	shalt  }
0x68: {  	_ =	shalt  }
0x69: {  	_ =	shalt  }
0x6a: {  	_ =	shalt  }
0x6b: {  	_ =	shalt  }
0x6c: {  	_ =	shalt  }
0x6d: {  	_ =	shalt  }
0x6e: {  	_ =	shalt  }
0x6f: {  	_ =	shalt  }
0x70: {  	_ =	shalt  }
0x71: {  	_ =	shalt  }
0x72: {  	_ =	shalt  }
0x73: {  	_ =	shalt  }
0x74: {  	_ =	shalt  }
0x75: {  	_ =	shalt  }
0x76: {  	_ =	shalt  }
0x77: {  	_ =	shalt  }
0x78: {  	_ =	shalt  }
0x79: {  	_ =	shalt  }
0x7a: {  	_ =	shalt  }
0x7b: {  	_ =	shalt  }
0x7c: {  	_ =	shalt  }
0x7d: {  	_ =	shalt  }
0x7e: {  	_ =	shalt  }
0x7f: {  	_ =	shalt  }
0x80: {  	_ =	shalt  }
0x81: {  	_ =	shalt  }
0x82: {  	_ =	shalt  }
0x83: {  	_ =	shalt  }
0x84: {  	_ =	shalt  }
0x85: {  	_ =	shalt  }
0x86: {  	_ =	shalt  }
0x87: {  	_ =	shalt  }
.Lfunc_end0:
.L_simem_size_0:
called_computation.1_lowered:
.L_overlay_start_0:
0x88: {  	s2 =	sld [smem:$0x3FD9]  }
0x89: {  	s3 =	sld [smem:$0x3FFE];
	_ =	sdelay $0x1  }
0x8a: {  	s1 =	srdreg.scid  }
0x8b: {  	s0 =	sand.u32 $0x1, s1  }
0x8c: {  	s14 =	sshll.u32 s0, $0xA;
	s2 =	sadd.s32 s3, s2  }
0x8d: {  	s2 =	sadd.s32 s2, s14  }
0x8e: {  	[smem:$0x3FC7] =	sst s2  }
0x8f: {  	_ = 	snop  }
0x90: {  	s2 =	sld [smem:$0x3FD0];
	_ =	sdelay $0x2  }
0x91: {  	s4 =	simm.s32 $0xA;
	s5 =	simm.s32 $0x10;
	s15 =	sld [smem:$0x3FC9]  }
0x92: {  	[smem:s5], [sflag:s4] =	dma.local [hbm:s2], $0x1  }
0x93: {  	_ =	swait.eq [sflag:s4], $0x1  }
0x94: {  	[sflag:s4] =	ssyncset.done $0x0  }
0x95: {  	[sflag:s4] =	ssyncadd.s32 $0xFFFFFFFF  }
0x96: {  	s16 =	sld [smem:$0x13];
	(tm) =	ssettm $0x1  }
0x97: {  	s17 =	sld [smem:$0x3FFB];
	_ =	sdelay $0x3  }
0x98: {  	_ =	strace s17  }
0x99: {  	s4 =	sld [smem:$0x3FFC];
	_ =	sdelay $0x3  }
0x9a: {  	_ =	strace s4  }
0x9b: {  	s4 =	sld [smem:$0x3FFD];
	_ =	sdelay $0x3  }
0x9c: {  	_ =	strace s4  }
0x9d: {  	_ =	strace $0x8FFFFFFF  }
0x9e: {  	s18 =	sld [smem:$0x3FDB];
	_ =	sdelay $0x1  }
0x9f: {  	s19 =	simm.s32 $_scs_section_size  }
0xa0: {  	s6 =	simm.s32 $_size__tile_overlayer_lowered;
	s7 =	simm.s32 $_tile_overlayer_lowered  }
0xa1: {  	s22 =	simm.s32 $0x1BFF;
	s21 =	sshll.u32 s7, $0x1;
	s4 =	sadd.s32 s19, s18  }
0xa2: {  	s8 =	simm.s32 $0x0;
	s20 =	sshll.u32 s6, $0x1;
	s6 =	sadd.s32 s21, s4  }
0xa3: {  	[timem:s8], [sflag:s22] =	dma.local [hbm:s6], s20  }
0xa4: {  	_ =	swait.ge [sflag:s22], s20  }
0xa5: {  	s5 =	ssub.s32 $0x0, s20;
	[sflag:s22] =	ssyncset.done $0x0  }
0xa6: {  	[sflag:s22] =	ssyncadd.s32 s5;
	_ =	sdelay $0x1  }
0xa7: {  	s23 =	simm.s32 $0x1B8B  }
0xa8: {  	_ =	swait.ge [sflag:s23], $0x1  }
0xa9: {  	[sflag:s23] =	ssyncset.done $0x0  }
0xaa: {  	s25 =	simm.s32 $0x1B8E;
	s24 =	sld [smem:$0x3FFE];
	[sflag:s23] =	ssyncadd.s32 $0xFFFFFFFF  }
0xab: {  	s26 =	simm.s32 $execute0_lowered;
	[smem:$0x3FD2] =	sst s25  }
0xac: {  	s6 =	sshll.u32 s26, $0x1;
	_ =	strace $0x80000049;
	[dreg:$0x1] =	wrdreg $0xFFFFFFFF  }
0xad: {  	s28 =	simm.s32 $_size_execute0_lowered;
	s4 =	sadd.s32 s4, s6;
	[dreg:$0x0] =	wrdreg $0x0  }
0xae: {  	s6 =	sshll.u32 s28, $0x1;
	[dreg:$0x2] =	wrdreg s4  }
0xaf: {  	[dreg:$0x3] =	wrdreg s6  }
0xb0: {  	[dreg:$0x4] =	wrdreg $0xC0  }
0xb1: {  	_ =	task [dreg:s8], $0x5FFFF  }
0xb2: {  	[dreg:$0x1] =	wrdreg $0xFFFFFFFF  }
0xb3: {  	[dreg:$0x0] =	wrdreg $0x60  }
0xb4: {  	[dreg:$0x2] =	wrdreg s15  }
0xb5: {  	[dreg:$0x3] =	wrdreg s24  }
0xb6: {  	[dreg:$0x4] =	wrdreg s16  }
0xb7: {  	[dreg:$0x5] =	wrdreg $0x9  }
0xb8: {  	_ =	task.clear_ibuf [dreg:s8], $0x6FFFF;
	_ =	strace $0x90000049  }
0xb9: {  	s29 =	simm.s32 $0x9;
	_ =	strace $0x8000004B  }
0xba: {  	_ =	swait.ge [sflag:s29], $0x1  }
0xbb: {  	[sflag:s29] =	ssyncadd.s32 $0xFFFFFFFF  }
0xbc: {  	_ =	strace $0x9000004B  }
0xbd: {  	_ =	sfence  }
0xbe: {  	s30 =	sld [smem:$0x0];
	_ =	sdelay $0x2  }
0xbf: {  	s31 =	sshll.u32 s1, $0xD;
	s1 =	sshrl.u32 s1, $0x2  }
0xc0: {  	s3 =	sand.u32 $0x4000, s31;
	s1 =	sadd.s32 s1, s30  }
0xc1: {  	s0 =	sor.u32 s3, s0;
	s1 =	sshll.u32 s1, $0x11  }
0xc2: {  	s0 =	sor.u32 s1, s0  }
0xc3: {  	s0 =	sadd.s32 $0x8F2B, s0  }
0xc4: {  	[sflag:s0] =	ssyncadd.remote.s32 $0x1  }
0xc5: {  	_ =	sfence.sel $0xFFFF  }
0xc6: {  	[dreg:$0x0] =	wrdreg $0xFFFFFFFF;
	(pc) =	sbr.abs _section_cstart, $3  }
0xc7: {  	[dreg:$0x1] =	wrdreg $0xFFFFFFFF  }
0xc8: {  	_ =	task.clear_ibuf [dreg:s8], $0x2FFFF;
	_ =	strace $0x9FFFFFFF  }
0xc9: {  	(tm) =	ssettm $0x7FFFFFFF  }
tec
execute0_lowered:
.L_overlay_start_1:
0x0: {  	(tag) =	ssettag $0x1  }
0x1: {  	s1 =	rddreg [dreg:$0x0]  }
0x2: {  	s2 =	rddreg [dreg:$0x1]  }
0x3: {  	s7 =	rddreg [dreg:$0x2];
	s3 =	srdreg.scid  }
0x4: {  	s0 =	rddreg [dreg:$0x3];
	s4 =	simm.s32 $0x0;
	s12 =	simm.s32 $0x3  }
0x5: {  	s13 =	simm.s32 $0x8000;
	s14 =	simm.s32 $0x1;
	s15 =	simm.s32 $0x10100  }
0x6: {  	s16 =	simm.s32 $0x2;
	s17 =	simm.s32 $0x10080;
	s18 =	simm.s32 $0x0  }
0x7: {  	s5 =	sand.u32 $0x1, s3;
	[smem:$0x7FF] =	sst s4;
	s3 =	stileid.u32  }
0x8: {  	s6 =	ssub.s32 $0x2, s5;
	s5 =	sshll.u32 s5, $0x4;
	_ =	strace $0x8000004A  }
0x9: {  	v0 =	vlaneseq.u32;
	s9 =	sshll.u32 s3, $0x4;
	s8 =	sshrl.u32 s6, $0x1;
	s30 =	sor.u32 s3, s5  }
.Ltmp0:
0xa: {  	v0 =	vmul.u32 $0x10, v0;
	s9 =	sand.u32 $0x70, s9;
	s10 =	ssub.s32 s6, s8;
	(pc) =	sbr.rel .LBB2_1-.Ltmp0, $4  }
0xb: {  	v1 =	vimm.s32 $0x5;
	v2 =	vimm.s32 $0x6;
	s31 =	sshll.u32 s30, $0x13;
	s5 =	sshll.u32 s30, $0x10;
	s11 =	sshll.u32 s30, $0x4  }
0xc: {  	v3 =	vimm.f32 $0.0e+00;
	v4 =	vimm.f32 $1.000000000e+00;
	v5 =	vor.u32 $0x100, v0;
	s9 =	sadd.s32 s7, s9;
	s5 =	sadd.s32 s1, s5;
	s11 =	sand.u32 $0x180, s11  }
0xd: {  	v6 =	vor.u32 $0x200, v0;
	v7 =	vor.u32 $0x300, v0;
	v8 =	vor.u32 $0x400, v0;
	s7 =	sor.u32 $0x10000, s31;
	s8 =	sor.u32 $0x18000, s31;
	s10 =	smax.u32 s10, $0x1  }
0xe: {  	v9 =	vor.u32 $0x500, v0;
	v10 =	vor.u32 $0x600, v0;
	v11 =	vor.u32 $0x700, v0;
	s6 =	sadd.s32 $0x1000, s5;
	s9 =	sadd.s32 s11, s9;
	s11 =	simm.s32 $0x10000  }
.LBB2_8:
0xf: {  	v12 =	vld [tilespmem:$0x10100];
	_ =	sdelay $0x1  }
0x10: {  	v13 =	vld [tilespmem:$0x10110];
	_ =	sdelay $0x1  }
0x11: {  	v14 =	vld [tilespmem:$0x10120]  }
0x12: {  	v12 =	vadd.f32 $0.0e+00, v12  }
0x13: {  	v15 =	vld [tilespmem:$0x10130]  }
0x14: {  	v12 =	vadd.f32 v13, v12  }
0x15: {  	v32 =	vld [tilespmem:$0x10140]  }
0x16: {  	v12 =	vadd.f32 v14, v12  }
0x17: {  	v33 =	vld [tilespmem:$0x10150]  }
0x18: {  	v12 =	vadd.f32 v15, v12  }
0x19: {  	v34 =	vld [tilespmem:$0x10160]  }
0x1a: {  	v12 =	vadd.f32 v32, v12  }
0x1b: {  	v35 =	vld [tilespmem:$0x10170]  }
0x1c: {  	v12 =	vadd.f32 v33, v12  }
0x1d: {  	v36 =	vld [tilespmem:$0x10180]  }
0x1e: {  	v12 =	vadd.f32 v34, v12  }
0x1f: {  	v37 =	vld [tilespmem:$0x10190]  }
0x20: {  	v12 =	vadd.f32 v35, v12  }
0x21: {  	v38 =	vld [tilespmem:$0x101A0]  }
0x22: {  	v12 =	vadd.f32 v36, v12  }
0x23: {  	v39 =	vld [tilespmem:$0x101B0]  }
0x24: {  	v12 =	vadd.f32 v37, v12  }
0x25: {  	v40 =	vld [tilespmem:$0x101C0]  }
0x26: {  	v12 =	vadd.f32 v38, v12  }
0x27: {  	v41 =	vld [tilespmem:$0x101D0]  }
0x28: {  	v12 =	vadd.f32 v39, v12  }
0x29: {  	v42 =	vld [tilespmem:$0x101E0]  }
0x2a: {  	v12 =	vadd.f32 v40, v12  }
0x2b: {  	v43 =	vld [tilespmem:$0x101F0]  }
0x2c: {  	v12 =	vadd.f32 v41, v12  }
0x2d: {  	v44 =	vld [tilespmem:$0x10200]  }
0x2e: {  	v12 =	vadd.f32 v42, v12  }
0x2f: {  	v45 =	vld [tilespmem:$0x10210]  }
0x30: {  	v12 =	vadd.f32 v43, v12  }
0x31: {  	v46 =	vld [tilespmem:$0x10220]  }
0x32: {  	v12 =	vadd.f32 v44, v12  }
0x33: {  	v47 =	vld [tilespmem:$0x10230]  }
0x34: {  	v12 =	vadd.f32 v45, v12  }
0x35: {  	v48 =	vld [tilespmem:$0x10240]  }
0x36: {  	v12 =	vadd.f32 v46, v12  }
0x37: {  	v49 =	vld [tilespmem:$0x10250]  }
0x38: {  	v12 =	vadd.f32 v47, v12  }
0x39: {  	v50 =	vld [tilespmem:$0x10260]  }
0x3a: {  	v12 =	vadd.f32 v48, v12  }
0x3b: {  	v51 =	vld [tilespmem:$0x10270]  }
0x3c: {  	v12 =	vadd.f32 v49, v12  }
0x3d: {  	v52 =	vld [tilespmem:$0x10280]  }
0x3e: {  	v12 =	vadd.f32 v50, v12  }
0x3f: {  	v53 =	vld [tilespmem:$0x10290]  }
0x40: {  	v12 =	vadd.f32 v51, v12  }
0x41: {  	v54 =	vld [tilespmem:$0x102A0]  }
0x42: {  	v12 =	vadd.f32 v52, v12  }
0x43: {  	v55 =	vld [tilespmem:$0x102B0]  }
0x44: {  	v12 =	vadd.f32 v53, v12  }
0x45: {  	v56 =	vld [tilespmem:$0x102C0]  }
0x46: {  	v12 =	vadd.f32 v54, v12  }
0x47: {  	v57 =	vld [tilespmem:$0x102D0]  }
0x48: {  	v12 =	vadd.f32 v55, v12  }
0x49: {  	v58 =	vld [tilespmem:$0x102E0]  }
0x4a: {  	v12 =	vadd.f32 v56, v12  }
0x4b: {  	v59 =	vld [tilespmem:$0x102F0]  }
0x4c: {  	v12 =	vadd.f32 v57, v12  }
0x4d: {  	v60 =	vld [tilespmem:$0x10300]  }
0x4e: {  	v12 =	vadd.f32 v58, v12  }
0x4f: {  	v61 =	vld [tilespmem:$0x10310]  }
0x50: {  	v12 =	vadd.f32 v59, v12  }
0x51: {  	v62 =	vld [tilespmem:$0x10320]  }
0x52: {  	v12 =	vadd.f32 v60, v12  }
0x53: {  	v63 =	vld [tilespmem:$0x10330]  }
0x54: {  	v12 =	vadd.f32 v61, v12  }
0x55: {  	v18 =	vld [tilespmem:$0x10340]  }
0x56: {  	v12 =	vadd.f32 v62, v12  }
0x57: {  	v19 =	vld [tilespmem:$0x10350]  }
0x58: {  	v12 =	vadd.f32 v63, v12  }
0x59: {  	v20 =	vld [tilespmem:$0x10360]  }
0x5a: {  	v12 =	vadd.f32 v18, v12  }
0x5b: {  	v21 =	vld [tilespmem:$0x10370]  }
0x5c: {  	v12 =	vadd.f32 v19, v12  }
0x5d: {  	v22 =	vld [tilespmem:$0x10380]  }
0x5e: {  	v12 =	vadd.f32 v20, v12  }
0x5f: {  	v23 =	vld [tilespmem:$0x10390]  }
0x60: {  	v12 =	vadd.f32 v21, v12  }
0x61: {  	v24 =	vld [tilespmem:$0x103A0]  }
0x62: {  	v12 =	vadd.f32 v22, v12  }
0x63: {  	v25 =	vld [tilespmem:$0x103B0]  }
0x64: {  	v12 =	vadd.f32 v23, v12  }
0x65: {  	v26 =	vld [tilespmem:$0x103C0]  }
0x66: {  	v12 =	vadd.f32 v24, v12  }
0x67: {  	v27 =	vld [tilespmem:$0x103D0]  }
0x68: {  	v12 =	vadd.f32 v25, v12  }
0x69: {  	v28 =	vld [tilespmem:$0x103E0]  }
0x6a: {  	v12 =	vadd.f32 v26, v12  }
0x6b: {  	v29 =	vld [tilespmem:$0x103F0]  }
0x6c: {  	v12 =	vadd.f32 v27, v12  }
0x6d: {  	v30 =	vld [tilespmem:$0x10400]  }
0x6e: {  	v12 =	vadd.f32 v28, v12  }
0x6f: {  	v31 =	vld [tilespmem:$0x10410]  }
0x70: {  	v12 =	vadd.f32 v29, v12  }
0x71: {  	v32 =	vld [tilespmem:$0x10420]  }
0x72: {  	v12 =	vadd.f32 v30, v12  }
0x73: {  	v33 =	vld [tilespmem:$0x10430]  }
0x74: {  	v12 =	vadd.f32 v31, v12  }
0x75: {  	v34 =	vld [tilespmem:$0x10440]  }
0x76: {  	v12 =	vadd.f32 v32, v12  }
0x77: {  	v35 =	vld [tilespmem:$0x10450]  }
0x78: {  	v12 =	vadd.f32 v33, v12  }
0x79: {  	v36 =	vld [tilespmem:$0x10460]  }
0x7a: {  	v12 =	vadd.f32 v34, v12  }
0x7b: {  	v37 =	vld [tilespmem:$0x10470]  }
0x7c: {  	v12 =	vadd.f32 v35, v12  }
0x7d: {  	v38 =	vld [tilespmem:$0x10480]  }
0x7e: {  	v12 =	vadd.f32 v36, v12  }
0x7f: {  	v39 =	vld [tilespmem:$0x10490]  }
0x80: {  	v12 =	vadd.f32 v37, v12  }
0x81: {  	v40 =	vld [tilespmem:$0x104A0]  }
0x82: {  	v12 =	vadd.f32 v38, v12  }
0x83: {  	v41 =	vld [tilespmem:$0x104B0]  }
0x84: {  	v12 =	vadd.f32 v39, v12  }
0x85: {  	v42 =	vld [tilespmem:$0x104C0]  }
0x86: {  	v12 =	vadd.f32 v40, v12  }
0x87: {  	v43 =	vld [tilespmem:$0x104D0]  }
0x88: {  	v12 =	vadd.f32 v41, v12  }
0x89: {  	v44 =	vld [tilespmem:$0x104E0]  }
0x8a: {  	v12 =	vadd.f32 v42, v12  }
0x8b: {  	v45 =	vld [tilespmem:$0x104F0]  }
0x8c: {  	v12 =	vadd.f32 v43, v12  }
0x8d: {  	v46 =	vld [tilespmem:$0x10500]  }
0x8e: {  	v12 =	vadd.f32 v44, v12  }
0x8f: {  	v47 =	vld [tilespmem:$0x10510]  }
0x90: {  	v12 =	vadd.f32 v45, v12  }
0x91: {  	v48 =	vld [tilespmem:$0x10520]  }
0x92: {  	v12 =	vadd.f32 v46, v12  }
0x93: {  	v49 =	vld [tilespmem:$0x10530]  }
0x94: {  	v12 =	vadd.f32 v47, v12  }
0x95: {  	v50 =	vld [tilespmem:$0x10540]  }
0x96: {  	v12 =	vadd.f32 v48, v12  }
0x97: {  	v51 =	vld [tilespmem:$0x10550]  }
0x98: {  	v12 =	vadd.f32 v49, v12  }
0x99: {  	v52 =	vld [tilespmem:$0x10560]  }
0x9a: {  	v12 =	vadd.f32 v50, v12  }
0x9b: {  	v53 =	vld [tilespmem:$0x10570]  }
0x9c: {  	v12 =	vadd.f32 v51, v12  }
0x9d: {  	v54 =	vld [tilespmem:$0x10580]  }
0x9e: {  	v12 =	vadd.f32 v52, v12  }
0x9f: {  	v55 =	vld [tilespmem:$0x10590]  }
0xa0: {  	v12 =	vadd.f32 v53, v12  }
0xa1: {  	v56 =	vld [tilespmem:$0x105A0]  }
0xa2: {  	v12 =	vadd.f32 v54, v12  }
0xa3: {  	v57 =	vld [tilespmem:$0x105B0]  }
0xa4: {  	v12 =	vadd.f32 v55, v12  }
0xa5: {  	v58 =	vld [tilespmem:$0x105C0]  }
0xa6: {  	v12 =	vadd.f32 v56, v12  }
0xa7: {  	v59 =	vld [tilespmem:$0x105D0]  }
0xa8: {  	v12 =	vadd.f32 v57, v12  }
0xa9: {  	v60 =	vld [tilespmem:$0x105E0]  }
0xaa: {  	v12 =	vadd.f32 v58, v12  }
0xab: {  	v61 =	vld [tilespmem:$0x105F0]  }
0xac: {  	v12 =	vadd.f32 v59, v12  }
0xad: {  	v62 =	vld [tilespmem:$0x10600]  }
0xae: {  	v12 =	vadd.f32 v60, v12  }
0xaf: {  	v63 =	vld [tilespmem:$0x10610]  }
0xb0: {  	v12 =	vadd.f32 v61, v12  }
0xb1: {  	v18 =	vld [tilespmem:$0x10620]  }
0xb2: {  	v12 =	vadd.f32 v62, v12  }
0xb3: {  	v19 =	vld [tilespmem:$0x10630]  }
0xb4: {  	v12 =	vadd.f32 v63, v12  }
0xb5: {  	v20 =	vld [tilespmem:$0x10640]  }
0xb6: {  	v12 =	vadd.f32 v18, v12  }
0xb7: {  	v21 =	vld [tilespmem:$0x10650]  }
0xb8: {  	v12 =	vadd.f32 v19, v12  }
0xb9: {  	v22 =	vld [tilespmem:$0x10660]  }
0xba: {  	v12 =	vadd.f32 v20, v12  }
0xbb: {  	v23 =	vld [tilespmem:$0x10670]  }
0xbc: {  	v12 =	vadd.f32 v21, v12  }
0xbd: {  	v24 =	vld [tilespmem:$0x10680]  }
0xbe: {  	v12 =	vadd.f32 v22, v12  }
0xbf: {  	v25 =	vld [tilespmem:$0x10690]  }
0xc0: {  	v12 =	vadd.f32 v23, v12  }
0xc1: {  	v26 =	vld [tilespmem:$0x106A0]  }
0xc2: {  	v12 =	vadd.f32 v24, v12  }
0xc3: {  	v27 =	vld [tilespmem:$0x106B0]  }
0xc4: {  	v12 =	vadd.f32 v25, v12  }
0xc5: {  	v28 =	vld [tilespmem:$0x106C0]  }
0xc6: {  	v12 =	vadd.f32 v26, v12  }
0xc7: {  	v29 =	vld [tilespmem:$0x106D0]  }
0xc8: {  	v12 =	vadd.f32 v27, v12  }
0xc9: {  	v30 =	vld [tilespmem:$0x106E0]  }
0xca: {  	v12 =	vadd.f32 v28, v12  }
0xcb: {  	v31 =	vld [tilespmem:$0x106F0]  }
0xcc: {  	v12 =	vadd.f32 v29, v12  }
0xcd: {  	v32 =	vld [tilespmem:$0x10700]  }
0xce: {  	v12 =	vadd.f32 v30, v12  }
0xcf: {  	v33 =	vld [tilespmem:$0x10710]  }
0xd0: {  	v12 =	vadd.f32 v31, v12  }
0xd1: {  	v34 =	vld [tilespmem:$0x10720]  }
0xd2: {  	v12 =	vadd.f32 v32, v12  }
0xd3: {  	v35 =	vld [tilespmem:$0x10730]  }
0xd4: {  	v12 =	vadd.f32 v33, v12  }
0xd5: {  	v36 =	vld [tilespmem:$0x10740]  }
0xd6: {  	v12 =	vadd.f32 v34, v12  }
0xd7: {  	v37 =	vld [tilespmem:$0x10750]  }
0xd8: {  	v12 =	vadd.f32 v35, v12  }
0xd9: {  	v38 =	vld [tilespmem:$0x10760]  }
0xda: {  	v12 =	vadd.f32 v36, v12  }
0xdb: {  	v39 =	vld [tilespmem:$0x10770]  }
0xdc: {  	v12 =	vadd.f32 v37, v12  }
0xdd: {  	v40 =	vld [tilespmem:$0x10780]  }
0xde: {  	v12 =	vadd.f32 v38, v12  }
0xdf: {  	v41 =	vld [tilespmem:$0x10790]  }
0xe0: {  	v12 =	vadd.f32 v39, v12  }
0xe1: {  	v42 =	vld [tilespmem:$0x107A0]  }
0xe2: {  	v12 =	vadd.f32 v40, v12  }
0xe3: {  	v43 =	vld [tilespmem:$0x107B0]  }
0xe4: {  	v12 =	vadd.f32 v41, v12  }
0xe5: {  	v44 =	vld [tilespmem:$0x107C0]  }
0xe6: {  	v12 =	vadd.f32 v42, v12  }
0xe7: {  	v45 =	vld [tilespmem:$0x107D0]  }
0xe8: {  	v12 =	vadd.f32 v43, v12  }
0xe9: {  	v46 =	vld [tilespmem:$0x107E0]  }
0xea: {  	v12 =	vadd.f32 v44, v12  }
0xeb: {  	v47 =	vld [tilespmem:$0x107F0]  }
0xec: {  	v12 =	vadd.f32 v45, v12  }
0xed: {  	v48 =	vld [tilespmem:$0x10800]  }
0xee: {  	v12 =	vadd.f32 v46, v12  }
0xef: {  	v49 =	vld [tilespmem:$0x10810]  }
0xf0: {  	v12 =	vadd.f32 v47, v12  }
0xf1: {  	v50 =	vld [tilespmem:$0x10820]  }
0xf2: {  	v12 =	vadd.f32 v48, v12  }
0xf3: {  	v51 =	vld [tilespmem:$0x10830]  }
0xf4: {  	v12 =	vadd.f32 v49, v12  }
0xf5: {  	v52 =	vld [tilespmem:$0x10840]  }
0xf6: {  	v12 =	vadd.f32 v50, v12  }
0xf7: {  	v53 =	vld [tilespmem:$0x10850]  }
0xf8: {  	v12 =	vadd.f32 v51, v12  }
0xf9: {  	v54 =	vld [tilespmem:$0x10860]  }
0xfa: {  	v12 =	vadd.f32 v52, v12  }
0xfb: {  	v55 =	vld [tilespmem:$0x10870]  }
0xfc: {  	v12 =	vadd.f32 v53, v12  }
0xfd: {  	v56 =	vld [tilespmem:$0x10880]  }
0xfe: {  	v12 =	vadd.f32 v54, v12  }
0xff: {  	v57 =	vld [tilespmem:$0x10890]  }
0x100: {  	v12 =	vadd.f32 v55, v12  }
0x101: {  	v58 =	vld [tilespmem:$0x108A0]  }
0x102: {  	v12 =	vadd.f32 v56, v12  }
0x103: {  	v59 =	vld [tilespmem:$0x108B0]  }
0x104: {  	v12 =	vadd.f32 v57, v12  }
0x105: {  	v60 =	vld [tilespmem:$0x108C0]  }
0x106: {  	v12 =	vadd.f32 v58, v12  }
0x107: {  	v61 =	vld [tilespmem:$0x108D0]  }
0x108: {  	v12 =	vadd.f32 v59, v12  }
0x109: {  	v62 =	vld [tilespmem:$0x108E0]  }
0x10a: {  	v12 =	vadd.f32 v60, v12  }
0x10b: {  	v63 =	vld [tilespmem:$0x108F0]  }
0x10c: {  	v12 =	vadd.f32 v61, v12;
	_ =	sdelay $0x1  }
0x10d: {  	v12 =	vadd.f32 v62, v12;
	_ =	sdelay $0x1  }
0x10e: {  	s18 =	sadd.s32 $0x1, s18;
	v12 =	vadd.f32 v63, v12  }
0x10f: {  	p0 =	sne.s32 s18, s10  }
.Ltmp1:
0x110: {  	[tilespmem:$0x10080] =	vst v12;
	(pc) =	sbr.rel @!p0 .LBB2_9-.Ltmp1, $4  }
0x111: {  	[hbm4b:s9+s4] =	stream.linear.scatter [tilespmem:s17], [sflag:$0x3], $0x80, $0x38;
	[tilespmem:$0x10900] =	vst v63  }
0x112: {  	_ =	swait.ge [sflag:s12], $0x80  }
0x113: {  	[sflag:s12] =	ssyncset.done $0x0  }
0x114: {  	[sflag:s12] =	ssyncadd.s32 $0xFFFFFF80  }
.LBB2_1:
0x115: {  	[tilespmem:s11], [sflag:$0x3] =	stream.linear.gather [hbm4b:s2+s4], $0x80, $0x38;
	[tilespmem:$0x10900] =	vst v63  }
0x116: {  	_ =	swait.ge [sflag:s12], $0x80  }
0x117: {  	[sflag:s12] =	ssyncset.done $0x0  }
0x118: {  	[sflag:s12] =	ssyncadd.s32 $0xFFFFFF80  }
0x119: {  	[tilespmem:s4], [sflag:$0x1] =	stream.linear.gather [hbm4b:s5+s4], $0x8000, $0x38;
	[tilespmem:$0x10900] =	vst v63  }
0x11a: {  	_ = 	snop  }
0x11b: {  	[tilespmem:s13], [sflag:$0x2] =	stream.linear.gather [hbm4b:s6+s4], $0x8000, $0x38;
	[tilespmem:$0x10900] =	vst v63  }
0x11c: {  	v12 =	vld.idx.msk [tilespmem:v1+s11+$0x0], $0xffff  }
0x11d: {  	v13 =	vld.idx.msk [tilespmem:v2+s11+$0x0], $0xffff;
	[tilespmem:$0x10100] =	vst v3  }
0x11e: {  	[tilespmem:$0x10110] =	vst v3  }
0x11f: {  	[tilespmem:$0x10120] =	vst v3  }
0x120: {  	[tilespmem:$0x10130] =	vst v3  }
0x121: {  	[tilespmem:$0x10140] =	vst v3  }
0x122: {  	[tilespmem:$0x10150] =	vst v3  }
0x123: {  	[tilespmem:$0x10160] =	vst v3  }
0x124: {  	[tilespmem:$0x10170] =	vst v3  }
0x125: {  	[tilespmem:$0x10180] =	vst v3  }
0x126: {  	[tilespmem:$0x10190] =	vst v3  }
0x127: {  	[tilespmem:$0x101A0] =	vst v3  }
0x128: {  	[tilespmem:$0x101B0] =	vst v3  }
0x129: {  	[tilespmem:$0x101C0] =	vst v3  }
0x12a: {  	[tilespmem:$0x101D0] =	vst v3  }
0x12b: {  	[tilespmem:$0x101E0] =	vst v3  }
0x12c: {  	[tilespmem:$0x101F0] =	vst v3  }
0x12d: {  	[tilespmem:$0x10200] =	vst v3  }
0x12e: {  	[tilespmem:$0x10210] =	vst v3  }
0x12f: {  	[tilespmem:$0x10220] =	vst v3  }
0x130: {  	[tilespmem:$0x10230] =	vst v3  }
0x131: {  	[tilespmem:$0x10240] =	vst v3  }
0x132: {  	[tilespmem:$0x10250] =	vst v3  }
0x133: {  	[tilespmem:$0x10260] =	vst v3  }
0x134: {  	[tilespmem:$0x10270] =	vst v3  }
0x135: {  	[tilespmem:$0x10280] =	vst v3  }
0x136: {  	[tilespmem:$0x10290] =	vst v3  }
0x137: {  	[tilespmem:$0x102A0] =	vst v3  }
0x138: {  	[tilespmem:$0x102B0] =	vst v3  }
0x139: {  	[tilespmem:$0x102C0] =	vst v3  }
0x13a: {  	[tilespmem:$0x102D0] =	vst v3  }
0x13b: {  	[tilespmem:$0x102E0] =	vst v3  }
0x13c: {  	[tilespmem:$0x102F0] =	vst v3  }
0x13d: {  	[tilespmem:$0x10300] =	vst v3  }
0x13e: {  	[tilespmem:$0x10310] =	vst v3  }
0x13f: {  	[tilespmem:$0x10320] =	vst v3  }
0x140: {  	[tilespmem:$0x10330] =	vst v3  }
0x141: {  	[tilespmem:$0x10340] =	vst v3  }
0x142: {  	[tilespmem:$0x10350] =	vst v3  }
0x143: {  	[tilespmem:$0x10360] =	vst v3  }
0x144: {  	[tilespmem:$0x10370] =	vst v3  }
0x145: {  	[tilespmem:$0x10380] =	vst v3  }
0x146: {  	[tilespmem:$0x10390] =	vst v3  }
0x147: {  	[tilespmem:$0x103A0] =	vst v3  }
0x148: {  	[tilespmem:$0x103B0] =	vst v3  }
0x149: {  	[tilespmem:$0x103C0] =	vst v3  }
0x14a: {  	[tilespmem:$0x103D0] =	vst v3  }
0x14b: {  	[tilespmem:$0x103E0] =	vst v3  }
0x14c: {  	[tilespmem:$0x103F0] =	vst v3  }
0x14d: {  	[tilespmem:$0x10400] =	vst v3  }
0x14e: {  	[tilespmem:$0x10410] =	vst v3  }
0x14f: {  	[tilespmem:$0x10420] =	vst v3  }
0x150: {  	[tilespmem:$0x10430] =	vst v3  }
0x151: {  	[tilespmem:$0x10440] =	vst v3  }
0x152: {  	[tilespmem:$0x10450] =	vst v3  }
0x153: {  	[tilespmem:$0x10460] =	vst v3  }
0x154: {  	[tilespmem:$0x10470] =	vst v3  }
0x155: {  	[tilespmem:$0x10480] =	vst v3  }
0x156: {  	[tilespmem:$0x10490] =	vst v3  }
0x157: {  	[tilespmem:$0x104A0] =	vst v3  }
0x158: {  	[tilespmem:$0x104B0] =	vst v3  }
0x159: {  	[tilespmem:$0x104C0] =	vst v3  }
0x15a: {  	[tilespmem:$0x104D0] =	vst v3  }
0x15b: {  	[tilespmem:$0x104E0] =	vst v3  }
0x15c: {  	[tilespmem:$0x104F0] =	vst v3  }
0x15d: {  	[tilespmem:$0x10500] =	vst v3  }
0x15e: {  	[tilespmem:$0x10510] =	vst v3  }
0x15f: {  	[tilespmem:$0x10520] =	vst v3  }
0x160: {  	[tilespmem:$0x10530] =	vst v3  }
0x161: {  	[tilespmem:$0x10540] =	vst v3  }
0x162: {  	[tilespmem:$0x10550] =	vst v3  }
0x163: {  	[tilespmem:$0x10560] =	vst v3  }
0x164: {  	[tilespmem:$0x10570] =	vst v3  }
0x165: {  	[tilespmem:$0x10580] =	vst v3  }
0x166: {  	[tilespmem:$0x10590] =	vst v3  }
0x167: {  	[tilespmem:$0x105A0] =	vst v3  }
0x168: {  	[tilespmem:$0x105B0] =	vst v3  }
0x169: {  	[tilespmem:$0x105C0] =	vst v3  }
0x16a: {  	[tilespmem:$0x105D0] =	vst v3  }
0x16b: {  	[tilespmem:$0x105E0] =	vst v3  }
0x16c: {  	[tilespmem:$0x105F0] =	vst v3  }
0x16d: {  	[tilespmem:$0x10600] =	vst v3  }
0x16e: {  	[tilespmem:$0x10610] =	vst v3  }
0x16f: {  	[tilespmem:$0x10620] =	vst v3  }
0x170: {  	[tilespmem:$0x10630] =	vst v3  }
0x171: {  	[tilespmem:$0x10640] =	vst v3  }
0x172: {  	[tilespmem:$0x10650] =	vst v3  }
0x173: {  	[tilespmem:$0x10660] =	vst v3  }
0x174: {  	[tilespmem:$0x10670] =	vst v3  }
0x175: {  	[tilespmem:$0x10680] =	vst v3  }
0x176: {  	[tilespmem:$0x10690] =	vst v3  }
0x177: {  	[tilespmem:$0x106A0] =	vst v3  }
0x178: {  	[tilespmem:$0x106B0] =	vst v3  }
0x179: {  	[tilespmem:$0x106C0] =	vst v3  }
0x17a: {  	[tilespmem:$0x106D0] =	vst v3  }
0x17b: {  	[tilespmem:$0x106E0] =	vst v3  }
0x17c: {  	[tilespmem:$0x106F0] =	vst v3  }
0x17d: {  	[tilespmem:$0x10700] =	vst v3  }
0x17e: {  	[tilespmem:$0x10710] =	vst v3  }
0x17f: {  	[tilespmem:$0x10720] =	vst v3  }
0x180: {  	[tilespmem:$0x10730] =	vst v3  }
0x181: {  	[tilespmem:$0x10740] =	vst v3  }
0x182: {  	[tilespmem:$0x10750] =	vst v3  }
0x183: {  	[tilespmem:$0x10760] =	vst v3  }
0x184: {  	[tilespmem:$0x10770] =	vst v3  }
0x185: {  	[tilespmem:$0x10780] =	vst v3  }
0x186: {  	[tilespmem:$0x10790] =	vst v3  }
0x187: {  	[tilespmem:$0x107A0] =	vst v3  }
0x188: {  	[tilespmem:$0x107B0] =	vst v3  }
0x189: {  	[tilespmem:$0x107C0] =	vst v3  }
0x18a: {  	[tilespmem:$0x107D0] =	vst v3  }
0x18b: {  	[tilespmem:$0x107E0] =	vst v3  }
0x18c: {  	[tilespmem:$0x107F0] =	vst v3  }
0x18d: {  	[tilespmem:$0x10800] =	vst v3  }
0x18e: {  	[tilespmem:$0x10810] =	vst v3  }
0x18f: {  	[tilespmem:$0x10820] =	vst v3  }
0x190: {  	[tilespmem:$0x10830] =	vst v3  }
0x191: {  	[tilespmem:$0x10840] =	vst v3  }
0x192: {  	[tilespmem:$0x10850] =	vst v3  }
0x193: {  	[tilespmem:$0x10860] =	vst v3  }
0x194: {  	[tilespmem:$0x10870] =	vst v3  }
0x195: {  	[tilespmem:$0x10880] =	vst v3  }
0x196: {  	[tilespmem:$0x10890] =	vst v3  }
0x197: {  	[tilespmem:$0x108A0] =	vst v3  }
0x198: {  	[tilespmem:$0x108B0] =	vst v3  }
0x199: {  	[tilespmem:$0x108C0] =	vst v3  }
0x19a: {  	[tilespmem:$0x108D0] =	vst v3  }
0x19b: {  	[tilespmem:$0x108E0] =	vst v3  }
0x19c: {  	s19 =	simm.s32 $0x0;
	[tilespmem:$0x108F0] =	vst v3  }
.LBB2_2:
0x19d: {  	_ =	swait.ge [sflag:s14], $0x8000  }
0x19e: {  	[sflag:s14] =	ssyncset.done $0x0  }
0x19f: {  	s20 =	simm.s32 $0x40;
	[sflag:s14] =	ssyncadd.s32 $0xFFFF8000  }
0x1a0: {  	v14 =	vld [tilespmem:s20+$0x30]  }
0x1a1: {  	v15 =	vld [tilespmem:s20+$0xFFFFFFD0]  }
0x1a2: {  	v16 =	vld [tilespmem:s20+$0xFFFFFFE0]  }
0x1a3: {  	v17 =	vld [tilespmem:s20+$0xFFFFFFF0]  }
0x1a4: {  	v18 =	vld [tilespmem:s20+$0x0]  }
0x1a5: {  	v19 =	vld [tilespmem:s20+$0x10]  }
0x1a6: {  	v20 =	vld [tilespmem:s20+$0x20]  }
0x1a7: {  	v21 =	vld [tilespmem:s20+$0xFFFFFFC0];
	_ =	sdelay $0x1  }
0x1a8: {  	v14 =	vmul.f32 v14, v12;
	v15 =	vmul.f32 v15, v12  }
0x1a9: {  	v16 =	vmul.f32 v16, v12;
	v17 =	vmul.f32 v17, v12  }
0x1aa: {  	v18 =	vmul.f32 v18, v12;
	v19 =	vmul.f32 v19, v12;
	v14 =	vadd.f32 v14, v13  }
0x1ab: {  	v20 =	vmul.f32 v20, v12;
	v21 =	vmul.f32 v21, v12  }
0x1ac: {  	v15 =	vadd.f32 v15, v13;
	v16 =	vadd.f32 v16, v13;
	v14 =	vtrunc.f32 v14  }
0x1ad: {  	v17 =	vadd.f32 v17, v13;
	v18 =	vadd.f32 v18, v13;
	v14 =	vcvt.f32.s32 v14  }
0x1ae: {  	v19 =	vadd.f32 v19, v13;
	v20 =	vadd.f32 v20, v13  }
0x1af: {  	v21 =	vadd.f32 v21, v13;
	v15 =	vtrunc.f32 v15;
	vm0 =	vgt.s32 v14, $0x0  }
0x1b0: {  	v16 =	vtrunc.f32 v16;
	v17 =	vtrunc.f32 v17;
	v14 =	vnsel vm0, $0x0, v14  }
0x1b1: {  	v22 =	vtrunc.f32 v18;
	v23 =	vtrunc.f32 v19;
	v14 =	vmin.u32 v14, $0xF  }
0x1b2: {  	v18 =	vcvt.f32.s32 v16;
	v16 =	vcvt.f32.s32 v17;
	v24 =	vor.u32 v11, v14  }
0x1b3: {  	v17 =	vcvt.f32.s32 v22;
	v14 =	vtrunc.f32 v21  }
0x1b4: {  	v21 =	vtrunc.f32 v20;
	v20 =	vcvt.f32.s32 v15  }
0x1b5: {  	vm1 =	vgt.s32 v18, $0x0;
	v19 =	vcvt.f32.s32 v14;
	v14 =	vcvt.f32.s32 v23  }
0x1b6: {  	vm4 =	vgt.s32 v16, $0x0;
	vm3 =	vgt.s32 v17, $0x0;
	v15 =	vcvt.f32.s32 v21  }
0x1b7: {  	s21 =	simm.s32 $0xC0;
	s20 =	simm.s32 $0x0;
	vm5 =	vgt.s32 v20, $0x0;
	vm2 =	vgt.s32 v19, $0x0;
	vm0 =	vgt.s32 v14, $0x0;
	[tilespmem:v24+s15+$0x0] =	vst.idx.add.f32.msk $0xffff, v4  }
.LBB2_3:
0x1b8: {  	v21 =	vld [tilespmem:s21+$0x30];
	s20 =	sadd.s32 $0x8, s20;
	v19 =	vnsel vm2, $0x0, v19;
	v20 =	vnsel vm5, $0x0, v20;
	vm2 =	vgt.s32 v15, $0x0  }
0x1b9: {  	v18 =	vnsel vm1, $0x0, v18;
	v16 =	vnsel vm4, $0x0, v16;
	v17 =	vnsel vm3, $0x0, v17;
	v22 =	vld [tilespmem:s21+$0xFFFFFFD0];
	p0 =	slt.u32 s20, $0x7F8  }
0x1ba: {  	v14 =	vnsel vm0, $0x0, v14;
	v19 =	vmin.u32 v19, $0xF;
	v15 =	vnsel vm2, $0x0, v15;
	v23 =	vld [tilespmem:s21+$0xFFFFFFE0]  }
0x1bb: {  	v20 =	vmin.u32 v20, $0xF;
	v18 =	vmin.u32 v18, $0xF;
	v16 =	vmin.u32 v16, $0xF;
	v24 =	vld [tilespmem:s21+$0xFFFFFFF0]  }
0x1bc: {  	v17 =	vmin.u32 v17, $0xF;
	v14 =	vmin.u32 v14, $0xF;
	v15 =	vmin.u32 v15, $0xF;
	v25 =	vld [tilespmem:s21+$0x0]  }
0x1bd: {  	v19 =	vor.u32 v0, v19;
	v20 =	vor.u32 v5, v20;
	v26 =	vld [tilespmem:s21+$0x10];
	v21 =	vmul.f32 v21, v12  }
0x1be: {  	v18 =	vor.u32 v6, v18;
	v16 =	vor.u32 v7, v16;
	v22 =	vmul.f32 v22, v12;
	v27 =	vld [tilespmem:s21+$0x20]  }
0x1bf: {  	v17 =	vor.u32 v8, v17;
	v28 =	vld [tilespmem:s21+$0xFFFFFFC0];
	v23 =	vmul.f32 v23, v12;
	v21 =	vadd.f32 v21, v13  }
0x1c0: {  	v14 =	vor.u32 v9, v14;
	v22 =	vadd.f32 v22, v13;
	v24 =	vmul.f32 v24, v12  }
0x1c1: {  	v23 =	vadd.f32 v23, v13;
	v25 =	vmul.f32 v25, v12;
	v21 =	vtrunc.f32 v21  }
0x1c2: {  	v24 =	vadd.f32 v24, v13;
	v26 =	vmul.f32 v26, v12;
	v21 =	vcvt.f32.s32 v21;
	[tilespmem:v19+s15+$0x0] =	vst.idx.add.f32.msk $0xffff, v4  }
0x1c3: {  	v22 =	vtrunc.f32 v22;
	v19 =	vadd.f32 v25, v13;
	v25 =	vmul.f32 v27, v12;
	[tilespmem:v20+s15+$0x0] =	vst.idx.add.f32.msk $0xffff, v4  }
0x1c4: {  	v20 =	vmul.f32 v28, v12;
	v26 =	vadd.f32 v26, v13;
	vm0 =	vgt.s32 v21, $0x0;
	[tilespmem:v18+s15+$0x0] =	vst.idx.add.f32.msk $0xffff, v4  }
0x1c5: {  	v18 =	vtrunc.f32 v23;
	v23 =	vadd.f32 v25, v13;
	v21 =	vnsel vm0, $0x0, v21;
	[tilespmem:v16+s15+$0x0] =	vst.idx.add.f32.msk $0xffff, v4  }
0x1c6: {  	v24 =	vtrunc.f32 v24;
	v16 =	vadd.f32 v20, v13;
	v20 =	vmin.u32 v21, $0xF;
	[tilespmem:v17+s15+$0x0] =	vst.idx.add.f32.msk $0xffff, v4  }
0x1c7: {  	v17 =	vtrunc.f32 v19;
	v21 =	vtrunc.f32 v26;
	v25 =	vor.u32 v11, v20;
	[tilespmem:v14+s15+$0x0] =	vst.idx.add.f32.msk $0xffff, v4  }
0x1c8: {  	v26 =	vor.u32 v10, v15;
	v23 =	vtrunc.f32 v23;
	v14 =	vtrunc.f32 v16  }
.Ltmp2:
0x1c9: {  	v20 =	vcvt.f32.s32 v22;
	v19 =	vcvt.f32.s32 v14;
	(pc) =	sbr.rel @p0 .LBB2_3-.Ltmp2, $4  }
0x1ca: {  	v18 =	vcvt.f32.s32 v18;
	v16 =	vcvt.f32.s32 v24  }
0x1cb: {  	v17 =	vcvt.f32.s32 v17;
	v14 =	vcvt.f32.s32 v21;
	vm2 =	vgt.s32 v19, $0x0  }
0x1cc: {  	vm1 =	vgt.s32 v18, $0x0;
	v15 =	vcvt.f32.s32 v23;
	vm5 =	vgt.s32 v20, $0x0;
	[tilespmem:v25+s15+$0x0] =	vst.idx.add.f32.msk $0xffff, v4  }
0x1cd: {  	s21 =	sadd.s32 $0x80, s21;
	vm3 =	vgt.s32 v17, $0x0;
	vm4 =	vgt.s32 v16, $0x0;
	vm0 =	vgt.s32 v14, $0x0;
	[tilespmem:v26+s15+$0x0] =	vst.idx.add.f32.msk $0xffff, v4  }
0x1ce: {  	v19 =	vnsel vm2, $0x0, v19  }
0x1cf: {  	v20 =	vnsel vm5, $0x0, v20;
	vm2 =	vgt.s32 v15, $0x0;
	v19 =	vmin.u32 v19, $0xF  }
0x1d0: {  	v18 =	vnsel vm1, $0x0, v18;
	v20 =	vmin.u32 v20, $0xF;
	v19 =	vor.u32 v0, v19  }
0x1d1: {  	v16 =	vnsel vm4, $0x0, v16;
	v18 =	vmin.u32 v18, $0xF;
	v20 =	vor.u32 v5, v20  }
0x1d2: {  	v17 =	vnsel vm3, $0x0, v17;
	v16 =	vmin.u32 v16, $0xF;
	v18 =	vor.u32 v6, v18  }
0x1d3: {  	v14 =	vnsel vm0, $0x0, v14;
	v17 =	vmin.u32 v17, $0xF;
	v16 =	vor.u32 v7, v16  }
0x1d4: {  	v15 =	vnsel vm2, $0x0, v15;
	v14 =	vmin.u32 v14, $0xF;
	v17 =	vor.u32 v8, v17  }
0x1d5: {  	v15 =	vmin.u32 v15, $0xF;
	v14 =	vor.u32 v9, v14;
	[tilespmem:v19+s15+$0x0] =	vst.idx.add.f32.msk $0xffff, v4  }
0x1d6: {  	v15 =	vor.u32 v10, v15;
	[tilespmem:v20+s15+$0x0] =	vst.idx.add.f32.msk $0xffff, v4  }
0x1d7: {  	[tilespmem:v18+s15+$0x0] =	vst.idx.add.f32.msk $0xffff, v4  }
0x1d8: {  	s20 =	sshll.u32 s19, $0x10;
	p0 =	seq.s32 s19, $0x7;
	[tilespmem:v16+s15+$0x0] =	vst.idx.add.f32.msk $0xffff, v4  }
0x1d9: {  	s21 =	sadd.s32 @!p0 s20, s7;
	[tilespmem:v17+s15+$0x0] =	vst.idx.add.f32.msk $0xffff, v4  }
0x1da: {  	s21 =	sshrl.u32 @!p0 s21, $0x3;
	[tilespmem:v14+s15+$0x0] =	vst.idx.add.f32.msk $0xffff, v4  }
0x1db: {  	s22 =	simm.s32 @!p0 $0x0;
	s21 =	sadd.s32 @!p0 s1, s21;
	[tilespmem:v15+s15+$0x0] =	vst.idx.add.f32.msk $0xffff, v4  }
0x1dc: {  	[tilespmem:s22], [sflag:$0x1] =	stream.linear.gather @!p0 [hbm4b:s21+s22], $0x8000, $0x38;
	[tilespmem:$0x10900] =	vst v63  }
0x1dd: {  	_ =	swait.ge [sflag:s16], $0x8000  }
0x1de: {  	[sflag:s16] =	ssyncset.done $0x0  }
0x1df: {  	s31 =	simm.s32 $0x8040;
	[sflag:s16] =	ssyncadd.s32 $0xFFFF8000  }
0x1e0: {  	v14 =	vld [tilespmem:s31+$0x30]  }
0x1e1: {  	v15 =	vld [tilespmem:s31+$0xFFFFFFD0]  }
0x1e2: {  	v16 =	vld [tilespmem:s31+$0xFFFFFFE0]  }
0x1e3: {  	v17 =	vld [tilespmem:s31+$0xFFFFFFF0]  }
0x1e4: {  	v18 =	vld [tilespmem:s31+$0x0]  }
0x1e5: {  	v19 =	vld [tilespmem:s31+$0x10]  }
0x1e6: {  	v20 =	vld [tilespmem:s31+$0x20]  }
0x1e7: {  	v21 =	vld [tilespmem:s31+$0xFFFFFFC0];
	_ =	sdelay $0x1  }
0x1e8: {  	v14 =	vmul.f32 v14, v12;
	v15 =	vmul.f32 v15, v12  }
0x1e9: {  	v16 =	vmul.f32 v16, v12;
	v17 =	vmul.f32 v17, v12  }
0x1ea: {  	v18 =	vmul.f32 v18, v12;
	v19 =	vmul.f32 v19, v12;
	v14 =	vadd.f32 v14, v13  }
0x1eb: {  	v20 =	vmul.f32 v20, v12;
	v21 =	vmul.f32 v21, v12  }
0x1ec: {  	v15 =	vadd.f32 v15, v13;
	v16 =	vadd.f32 v16, v13;
	v14 =	vtrunc.f32 v14  }
0x1ed: {  	v17 =	vadd.f32 v17, v13;
	v18 =	vadd.f32 v18, v13;
	v14 =	vcvt.f32.s32 v14  }
0x1ee: {  	v19 =	vadd.f32 v19, v13;
	v20 =	vadd.f32 v20, v13  }
0x1ef: {  	v21 =	vadd.f32 v21, v13;
	v15 =	vtrunc.f32 v15;
	vm0 =	vgt.s32 v14, $0x0  }
0x1f0: {  	v16 =	vtrunc.f32 v16;
	v17 =	vtrunc.f32 v17;
	v14 =	vnsel vm0, $0x0, v14  }
0x1f1: {  	v22 =	vtrunc.f32 v18;
	v23 =	vtrunc.f32 v19;
	v14 =	vmin.u32 v14, $0xF  }
0x1f2: {  	v18 =	vcvt.f32.s32 v16;
	v16 =	vcvt.f32.s32 v17;
	v24 =	vor.u32 v11, v14  }
0x1f3: {  	v17 =	vcvt.f32.s32 v22;
	v14 =	vtrunc.f32 v21  }
0x1f4: {  	v21 =	vtrunc.f32 v20;
	v20 =	vcvt.f32.s32 v15  }
0x1f5: {  	vm1 =	vgt.s32 v18, $0x0;
	v19 =	vcvt.f32.s32 v14;
	v14 =	vcvt.f32.s32 v23  }
0x1f6: {  	vm4 =	vgt.s32 v16, $0x0;
	vm3 =	vgt.s32 v17, $0x0;
	v15 =	vcvt.f32.s32 v21  }
0x1f7: {  	s21 =	simm.s32 $0x0;
	s22 =	simm.s32 $0x80C0;
	vm5 =	vgt.s32 v20, $0x0;
	vm2 =	vgt.s32 v19, $0x0;
	vm0 =	vgt.s32 v14, $0x0;
	[tilespmem:v24+s15+$0x0] =	vst.idx.add.f32.msk $0xffff, v4  }
.LBB2_5:
0x1f8: {  	v21 =	vld [tilespmem:s22+$0x30];
	s21 =	sadd.s32 $0x8, s21;
	v19 =	vnsel vm2, $0x0, v19;
	v20 =	vnsel vm5, $0x0, v20;
	vm2 =	vgt.s32 v15, $0x0  }
0x1f9: {  	v18 =	vnsel vm1, $0x0, v18;
	v16 =	vnsel vm4, $0x0, v16;
	v17 =	vnsel vm3, $0x0, v17;
	v22 =	vld [tilespmem:s22+$0xFFFFFFD0];
	p1 =	slt.u32 s21, $0x7F8  }
0x1fa: {  	v14 =	vnsel vm0, $0x0, v14;
	v19 =	vmin.u32 v19, $0xF;
	v15 =	vnsel vm2, $0x0, v15;
	v23 =	vld [tilespmem:s22+$0xFFFFFFE0]  }
0x1fb: {  	v20 =	vmin.u32 v20, $0xF;
	v18 =	vmin.u32 v18, $0xF;
	v16 =	vmin.u32 v16, $0xF;
	v24 =	vld [tilespmem:s22+$0xFFFFFFF0]  }
0x1fc: {  	v17 =	vmin.u32 v17, $0xF;
	v14 =	vmin.u32 v14, $0xF;
	v15 =	vmin.u32 v15, $0xF;
	v25 =	vld [tilespmem:s22+$0x0]  }
0x1fd: {  	v19 =	vor.u32 v0, v19;
	v20 =	vor.u32 v5, v20;
	v26 =	vld [tilespmem:s22+$0x10];
	v21 =	vmul.f32 v21, v12  }
0x1fe: {  	v18 =	vor.u32 v6, v18;
	v16 =	vor.u32 v7, v16;
	v22 =	vmul.f32 v22, v12;
	v27 =	vld [tilespmem:s22+$0x20]  }
0x1ff: {  	v17 =	vor.u32 v8, v17;
	v28 =	vld [tilespmem:s22+$0xFFFFFFC0];
	v23 =	vmul.f32 v23, v12;
	v21 =	vadd.f32 v21, v13  }
0x200: {  	v14 =	vor.u32 v9, v14;
	v22 =	vadd.f32 v22, v13;
	v24 =	vmul.f32 v24, v12  }
0x201: {  	v23 =	vadd.f32 v23, v13;
	v25 =	vmul.f32 v25, v12;
	v21 =	vtrunc.f32 v21  }
0x202: {  	v24 =	vadd.f32 v24, v13;
	v26 =	vmul.f32 v26, v12;
	v21 =	vcvt.f32.s32 v21;
	[tilespmem:v19+s15+$0x0] =	vst.idx.add.f32.msk $0xffff, v4  }
0x203: {  	v22 =	vtrunc.f32 v22;
	v19 =	vadd.f32 v25, v13;
	v25 =	vmul.f32 v27, v12;
	[tilespmem:v20+s15+$0x0] =	vst.idx.add.f32.msk $0xffff, v4  }
0x204: {  	v20 =	vmul.f32 v28, v12;
	v26 =	vadd.f32 v26, v13;
	vm0 =	vgt.s32 v21, $0x0;
	[tilespmem:v18+s15+$0x0] =	vst.idx.add.f32.msk $0xffff, v4  }
0x205: {  	v18 =	vtrunc.f32 v23;
	v23 =	vadd.f32 v25, v13;
	v21 =	vnsel vm0, $0x0, v21;
	[tilespmem:v16+s15+$0x0] =	vst.idx.add.f32.msk $0xffff, v4  }
0x206: {  	v24 =	vtrunc.f32 v24;
	v16 =	vadd.f32 v20, v13;
	v20 =	vmin.u32 v21, $0xF;
	[tilespmem:v17+s15+$0x0] =	vst.idx.add.f32.msk $0xffff, v4  }
0x207: {  	v17 =	vtrunc.f32 v19;
	v21 =	vtrunc.f32 v26;
	v25 =	vor.u32 v11, v20;
	[tilespmem:v14+s15+$0x0] =	vst.idx.add.f32.msk $0xffff, v4  }
0x208: {  	v26 =	vor.u32 v10, v15;
	v23 =	vtrunc.f32 v23;
	v14 =	vtrunc.f32 v16  }
.Ltmp3:
0x209: {  	v20 =	vcvt.f32.s32 v22;
	v19 =	vcvt.f32.s32 v14;
	(pc) =	sbr.rel @p1 .LBB2_5-.Ltmp3, $4  }
0x20a: {  	v18 =	vcvt.f32.s32 v18;
	v16 =	vcvt.f32.s32 v24  }
0x20b: {  	v17 =	vcvt.f32.s32 v17;
	v14 =	vcvt.f32.s32 v21;
	vm2 =	vgt.s32 v19, $0x0  }
0x20c: {  	vm1 =	vgt.s32 v18, $0x0;
	v15 =	vcvt.f32.s32 v23;
	vm5 =	vgt.s32 v20, $0x0;
	[tilespmem:v25+s15+$0x0] =	vst.idx.add.f32.msk $0xffff, v4  }
0x20d: {  	s22 =	sadd.s32 $0x80, s22;
	vm3 =	vgt.s32 v17, $0x0;
	vm4 =	vgt.s32 v16, $0x0;
	vm0 =	vgt.s32 v14, $0x0;
	[tilespmem:v26+s15+$0x0] =	vst.idx.add.f32.msk $0xffff, v4  }
0x20e: {  	v19 =	vnsel vm2, $0x0, v19  }
0x20f: {  	v20 =	vnsel vm5, $0x0, v20;
	vm15 =	vgt.s32 v15, $0x0;
	v19 =	vmin.u32 v19, $0xF  }
0x210: {  	v18 =	vnsel vm1, $0x0, v18;
	v20 =	vmin.u32 v20, $0xF;
	v19 =	vor.u32 v0, v19  }
0x211: {  	v16 =	vnsel vm4, $0x0, v16;
	v18 =	vmin.u32 v18, $0xF;
	v20 =	vor.u32 v5, v20  }
0x212: {  	v17 =	vnsel vm3, $0x0, v17;
	v16 =	vmin.u32 v16, $0xF;
	v18 =	vor.u32 v6, v18  }
0x213: {  	v14 =	vnsel vm0, $0x0, v14;
	v17 =	vmin.u32 v17, $0xF;
	v16 =	vor.u32 v7, v16  }
0x214: {  	v15 =	vnsel vm15, $0x0, v15;
	v14 =	vmin.u32 v14, $0xF;
	v17 =	vor.u32 v8, v17  }
0x215: {  	v15 =	vmin.u32 v15, $0xF;
	v14 =	vor.u32 v9, v14;
	[tilespmem:v19+s15+$0x0] =	vst.idx.add.f32.msk $0xffff, v4  }
0x216: {  	v15 =	vor.u32 v10, v15;
	[tilespmem:v20+s15+$0x0] =	vst.idx.add.f32.msk $0xffff, v4  }
.Ltmp4:
0x217: {  	[tilespmem:v18+s15+$0x0] =	vst.idx.add.f32.msk $0xffff, v4;
	(pc) =	sbr.rel @p0 .LBB2_8-.Ltmp4, $4  }
0x218: {  	[tilespmem:v16+s15+$0x0] =	vst.idx.add.f32.msk $0xffff, v4  }
0x219: {  	[tilespmem:v17+s15+$0x0] =	vst.idx.add.f32.msk $0xffff, v4  }
0x21a: {  	[tilespmem:v14+s15+$0x0] =	vst.idx.add.f32.msk $0xffff, v4  }
0x21b: {  	[tilespmem:v15+s15+$0x0] =	vst.idx.add.f32.msk $0xffff, v4  }
.Ltmp5:
0x21c: {  	(pc) =	sbr.rel .LBB2_2-.Ltmp5, $4  }
0x21d: {  	s20 =	sadd.s32 s20, s8  }
0x21e: {  	s20 =	sshrl.u32 s20, $0x3  }
0x21f: {  	s19 =	sadd.s32 $0x1, s19;
	s20 =	sadd.s32 s1, s20  }
0x220: {  	[tilespmem:s13], [sflag:$0x2] =	stream.linear.gather [hbm4b:s20+s4], $0x8000, $0x38;
	[tilespmem:$0x10900] =	vst v63  }
.LBB2_9:
0x221: {  	_ =	sfence.sel $0x180000  }
0x222: {  	[bflag:$0x0] =	sbarrier.arrive $0xFFFF  }
0x223: {  	p0 =	sne.s32 s3, $0x0;
	_ =	strace $0x9000004A  }
0x224: {  	s0 =	sadd.s32 @!p0 $0x100000, s0;
	[bflag:$0x2] =	sbarrier.arrive $0xFFFF  }
0x225: {  	[sflag:s0] =	ssyncadd.tile.s32 @!p0 $0x1;
	_ =	shalt  }
.Lfunc_end2:
_tile_overlayer_lowered:
.L_overlay_start_2:
0x226: {  	(tag) =	ssettag $0x2  }
0x227: {  	s0 =	rddreg [dreg:$0x0];
	s2 =	stileid.u32  }
0x228: {  	s1 =	rddreg [dreg:$0x1];
	p0 =	sne.s32 s2, $0x0  }
0x229: {  	s3 =	rddreg [dreg:$0x2];
	[bflag:$0x3] =	sbarrier.arrive $0xFFFF;
	s2 =	simm.s32 @!p0 $0x1C03  }
0x22a: {  	[timem:s3], [sflag:s2] =	dma.local @!p0 [hbm:s0], s1  }
0x22b: {  	s0 =	simm.s32 @!p0 $0x3  }
0x22c: {  	_ =	swait.ge @!p0 [sflag:s0], s1  }
0x22d: {  	s1 =	ssub.s32 @!p0 $0x0, s1;
	[sflag:s0] =	ssyncset.done @!p0 $0x0  }
0x22e: {  	[sflag:s0] =	ssyncadd.s32 @!p0 s1  }
0x22f: {  	[bflag:$0x3] =	sbarrier.arrive $0xFFFF  }
0x230: {  	_ =	shalt  }

</sc_bundles>
